<compile_context>
chip_gen: v7x
topology: tpu7x:2x2x1
jax: 0.10.2.dev20260603
libtpu: 0.0.44.dev20260713+nightly
codegen_flags: <defaults>
</compile_context>

<pallas_src>
import functools

import jax
import jax.numpy as jnp
import numpy as np
from jax import lax
from jax.experimental import pallas as pl
from jax.experimental.pallas import tpu as pltpu
from jax.experimental.pallas import tpu_sc as plsc

M = 65536
D = 216
B = 4096
TOPK = 4
MP = M + 8
TS = 512
NT = M // TS
GPT = 128
GSZ = TS // GPT
NG = NT * GPT
TOPG = 4
NCAND = TOPG * GSZ
NW = 32
ROWS_PW = M // NW
CAP = 256
QB = 256
DP = 256
CAPX = CAP + 16
SCALE = np.float32(1.0) / np.float32(np.sqrt(np.float32(D)))
NEG = np.float32(-np.inf)

_INTERPRET = False


def _winner_body(idx_ref, widx_ref):
    x = idx_ref[...]
    def body(j, last):
        jrow = idx_ref[pl.ds(j, 1), :]
        eq = x[:, :, None] == jrow.reshape(1, 1, 128)
        jval = j * 128 + lax.broadcasted_iota(jnp.int32, (32, 128, 128), 2)
        cand = jnp.where(eq, jval, -1)
        return jnp.maximum(last, jnp.max(cand, axis=2))
    last = lax.fori_loop(0, 32, body, jnp.full((32, 128), -1, jnp.int32))
    biota = (lax.broadcasted_iota(jnp.int32, (32, 128), 0) * 128
             + lax.broadcasted_iota(jnp.int32, (32, 128), 1))
    widx_ref[...] = jnp.where(last == biota, x, M)


def _k1(idx32):
    return pl.pallas_call(
        _winner_body,
        out_shape=jax.ShapeDtypeStruct((32, 128), jnp.int32),
        interpret=_INTERPRET,
    )(idx32)


def _scatter_body(mem_hbm, widx_hbm, val_hbm, out_hbm,
                  buf, widx_v, lidx_v, lval_v, gbuf, sem,
                  isem0, isem1, osem0, osem1):
    wid = lax.axis_index("s") * 2 + lax.axis_index("c")
    lo = wid * ROWS_PW
    nc = ROWS_PW // 128
    isems = [isem0, isem1]
    osems = [osem0, osem1]
    in_cp = [None] * nc
    out_cp = [None] * nc
    in_cp[0] = pltpu.make_async_copy(
        mem_hbm.at[pl.ds(lo, 128), :], buf.at[0], isems[0])
    in_cp[0].start()
    for c in range(nc):
        if c + 1 < nc:
            if c >= 1:
                out_cp[c - 1].wait()
            in_cp[c + 1] = pltpu.make_async_copy(
                mem_hbm.at[pl.ds(lo + (c + 1) * 128, 128), :],
                buf.at[(c + 1) % 2], isems[(c + 1) % 2])
            in_cp[c + 1].start()
        in_cp[c].wait()
        out_cp[c] = pltpu.make_async_copy(
            buf.at[c % 2], out_hbm.at[pl.ds(lo + c * 128, 128), :],
            osems[c % 2])
        out_cp[c].start()
    out_cp[nc - 2].wait()
    out_cp[nc - 1].wait()
    pltpu.sync_copy(widx_hbm, widx_v)
    lanes = lax.broadcasted_iota(jnp.int32, (16,), 0)
    for c in range(CAPX // 16):
        lidx_v[pl.ds(c * 16, 16)] = jnp.full((16,), M, jnp.int32)
        lval_v[pl.ds(c * 16, 16)] = jnp.zeros((16,), jnp.int32)

    def body(c, cur):
        v = widx_v[pl.ds(c * 16, 16)]
        m = (v >= lo) & (v < lo + ROWS_PW)
        cs = plsc.cumsum(jnp.where(m, 1, 0))
        tgt = cur + cs - 1
        ok = m & (tgt < CAP)
        tgt = jnp.where(ok, tgt, CAP + lanes)
        plsc.store_scatter(lidx_v, [tgt], jnp.where(ok, v, M))
        plsc.store_scatter(lval_v, [tgt], jnp.where(ok, c * 16 + lanes, 0))
        return cur + jnp.max(cs)
    lax.fori_loop(0, B // 16, body, jnp.int32(0))
    pltpu.async_copy(val_hbm.at[lval_v], gbuf, sem).wait()
    pltpu.async_copy(gbuf, out_hbm.at[lidx_v], sem).wait()


def _k2(mem, widx, val):
    mesh = plsc.VectorSubcoreMesh(core_axis_name="c", subcore_axis_name="s",
                                  num_cores=2, num_subcores=16)
    f = pl.kernel(
        _scatter_body,
        out_type=jax.ShapeDtypeStruct((MP, D), jnp.float32),
        mesh=mesh,
        scratch_types=[
            pltpu.VMEM((2, 128, D), jnp.float32),
            pltpu.VMEM((B,), jnp.int32),
            pltpu.VMEM((CAPX,), jnp.int32),
            pltpu.VMEM((CAPX,), jnp.int32),
            pltpu.VMEM((CAPX, D), jnp.float32),
            pltpu.SemaphoreType.DMA,
            pltpu.SemaphoreType.DMA,
            pltpu.SemaphoreType.DMA,
            pltpu.SemaphoreType.DMA,
            pltpu.SemaphoreType.DMA,
        ],
        compiler_params=pltpu.CompilerParams(use_tc_tiling_on_sc=False, needs_layout_passes=False),
        interpret=_INTERPRET,
    )
    return f(mem, widx, val)


def _mm_body(q_ref, mem_ref, gm_ref):
    q = q_ref[...]
    mt = mem_ref[...]
    s = lax.dot_general(q, mt, (((1,), (1,)), ((), ())),
                        preferred_element_type=jnp.float32)
    gm_ref[...] = jnp.maximum(
        jnp.maximum(s[:, 0:128], s[:, 128:256]),
        jnp.maximum(s[:, 256:384], s[:, 384:512]))


def _k3(query, mem_new):
    return pl.pallas_call(
        _mm_body,
        grid=(NT,),
        in_specs=[
            pl.BlockSpec((B, D), lambda t: (0, 0)),
            pl.BlockSpec((TS, D), lambda t: (t, 0)),
        ],
        out_specs=pl.BlockSpec((B, GPT), lambda t: (0, t)),
        out_shape=jax.ShapeDtypeStruct((B, NG), jnp.float32),
        compiler_params=pltpu.CompilerParams(
            dimension_semantics=("arbitrary",)),
        interpret=_INTERPRET,
    )(query, mem_new)


def _sel_body(gm_ref, cid_ref):
    x = gm_ref[...]
    li = lax.broadcasted_iota(jnp.int32, (128, NG), 1)
    bases = []
    for _ in range(TOPG):
        m = jnp.max(x, axis=1, keepdims=True)
        p = jnp.min(jnp.where(x == m, li, NG), axis=1, keepdims=True)
        x = jnp.where(li == p, NEG, x)
        bases.append((p // GPT) * TS + (p % GPT))
    bs = jnp.concatenate(bases, axis=1)
    rows = bs[:, :, None] + GPT * lax.broadcasted_iota(
        jnp.int32, (128, TOPG, GSZ), 2)
    cid_ref[...] = rows.reshape(128, NCAND)


def _k4(gm):
    return pl.pallas_call(
        _sel_body,
        grid=(B // 128,),
        in_specs=[pl.BlockSpec((128, NG), lambda r: (r, 0))],
        out_specs=pl.BlockSpec((128, NCAND), lambda r: (r, 0)),
        out_shape=jax.ShapeDtypeStruct((B, NCAND), jnp.int32),
        compiler_params=pltpu.CompilerParams(
            dimension_semantics=("arbitrary",)),
        interpret=_INTERPRET,
    )(gm)


def _gather_body(mem_hbm, cid_hbm, out_hbm, cidx_v, gbuf, sem):
    wid = lax.axis_index("s") * 2 + lax.axis_index("c")
    base = wid * (B * NCAND // NW)
    for c in range((B * NCAND // NW) // 256):
        pltpu.sync_copy(cid_hbm.at[pl.ds(base + c * 256, 256)], cidx_v)
        pltpu.async_copy(mem_hbm.at[cidx_v], gbuf, sem).wait()
        pltpu.sync_copy(gbuf, out_hbm.at[pl.ds(base + c * 256, 256), :])


def _k5(mem_new, cids):
    mesh = plsc.VectorSubcoreMesh(core_axis_name="c", subcore_axis_name="s",
                                  num_cores=2, num_subcores=16)
    f = pl.kernel(
        _gather_body,
        out_type=jax.ShapeDtypeStruct((B * NCAND, D), jnp.float32),
        mesh=mesh,
        scratch_types=[
            pltpu.VMEM((256,), jnp.int32),
            pltpu.VMEM((256, D), jnp.float32),
            pltpu.SemaphoreType.DMA,
        ],
        compiler_params=pltpu.CompilerParams(use_tc_tiling_on_sc=False, needs_layout_passes=False),
        interpret=_INTERPRET,
    )
    return f(mem_new, cids)


def _combine_body(q_ref, cand_ref, out_ref):
    q = q_ref[...]
    c3 = cand_ref[...].reshape(QB, NCAND, D)
    cols = [jnp.sum(c3[:, c, :] * q, axis=1, keepdims=True)
            for c in range(NCAND)]
    s = jnp.concatenate(cols, axis=1) * SCALE
    li = lax.broadcasted_iota(jnp.int32, (QB, NCAND), 1)
    vals, poss = [], []
    x = s
    for _ in range(TOPK):
        m = jnp.max(x, axis=1, keepdims=True)
        p = jnp.min(jnp.where(x == m, li, NCAND), axis=1, keepdims=True)
        x = jnp.where(li == p, NEG, x)
        vals.append(m)
        poss.append(p)
    es = [jnp.exp(v - vals[0]) for v in vals]
    den = ((es[0] + es[1]) + (es[2] + es[3]))
    wc = jnp.zeros((QB, NCAND), jnp.float32)
    for k in range(TOPK):
        wc = jnp.where(li == poss[k], es[k] / den, wc)
    acc = jnp.zeros((QB, D), jnp.float32)
    for c in range(NCAND):
        acc = acc + wc[:, c:c + 1] * c3[:, c, :]
    out_ref[...] = acc


def _k6(query, cand):
    return pl.pallas_call(
        _combine_body,
        grid=(B // QB,),
        in_specs=[
            pl.BlockSpec((QB, D), lambda i: (i, 0)),
            pl.BlockSpec((QB * NCAND, D), lambda i: (i, 0)),
        ],
        out_specs=pl.BlockSpec((QB, D), lambda i: (i, 0)),
        out_shape=jax.ShapeDtypeStruct((B, D), jnp.float32),
        compiler_params=pltpu.CompilerParams(
            dimension_semantics=("arbitrary",)),
        interpret=_INTERPRET,
    )(query, cand)


def kernel(mem, idx, val, query):
    widx = _k1(idx.reshape(32, 128)).reshape(B)
    mem_new = _k2(mem, widx, val)
    gm = _k3(query, mem_new)
    cids = _k4(gm).reshape(B * NCAND)
    cand = _k5(mem_new, cids)
    return _k6(query, cand)

# --- scband reference (transcript-rebuilt; emitter-appended) ---
"""Pipeline reference for scband-cognate-refiner-89489938580158 (READ-ONLY COPY).

The authoritative reference and input builder live on the scoring server;
editing this copy changes nothing except your own understanding.
"""

import jax, jax.numpy as jnp
import numpy as np

M = 65536   # mem_capacity
D = 216     # d_mem == d_model
B = 4096    # write/read batch
TOPK = 4    # mem_topk


def setup_inputs(seed: int = 0) -> dict:
    key = jax.random.key(seed)
    k1, k2, k3, k4 = jax.random.split(key, 4)
    mem = jax.random.normal(k1, (M, D), dtype=jnp.float32)
    idx = jax.random.randint(k2, (B,), 0, M)
    val = jax.random.normal(k3, (B, D), dtype=jnp.float32)
    query = jax.random.normal(k4, (B, D), dtype=jnp.float32)
    return {"mem": mem, "idx": idx, "val": val, "query": query}


def reference(mem, idx, val, query):
    # Surprise/novelty-gated WRITE: scatter-overwrite new memory vectors into the
    # long-term memory bank at the slots selected by the write policy (idx).
    mem_new = mem.at[idx].set(val)
    # Entropy-gated READ: scaled dot-product similarity against the full memory
    # bank, select mem_topk slots per query, softmax-weight and combine.
    scale = 1.0 / jnp.sqrt(jnp.asarray(D, dtype=jnp.float32))
    scores = jnp.dot(query, mem_new.T) * scale          # [B, M]
    top_vals, top_idx = jax.lax.top_k(scores, TOPK)     # [B, TOPK]
    w = jax.nn.softmax(top_vals, axis=-1)               # [B, TOPK]
    gathered = jnp.take(mem_new, top_idx, axis=0)       # [B, TOPK, D]
    read = jnp.sum(w[..., None] * gathered, axis=1)     # [B, D]
    return read

if __name__ == "__main__":
    import jax
    _d = setup_inputs()
    print(jax.jit(kernel)(*tuple(_d.values())))

</pallas_src>

<mosaic_0001>
#map = affine_map<(d0, d1) -> (0, 0)>
#map1 = affine_map<(d0, d1) -> (0)>
module attributes {stable_mosaic.version = 14 : i64} {
  func.func @_gather_body(%arg0: i32, %arg1: i32, %arg2: memref<65544x216xf32, #tpu.memory_space<hbm>>, %arg3: memref<65536xi32, #tpu.memory_space<hbm>>, %arg4: memref<65536x216xf32, #tpu.memory_space<hbm>>, %arg5: memref<256xi32, #tpu.memory_space<vmem>>, %arg6: memref<256x216xf32, #tpu.memory_space<vmem>>, %arg7: memref<!tpu.dma_semaphore, #tpu.memory_space<semaphore_mem>>) attributes {dimension_semantics = [#tpu.dimension_semantics<core_parallel>, #tpu.dimension_semantics<subcore_parallel>], iteration_bounds = array<i64: 2, 16>, scalar_prefetch = 0 : i64, scratch_operands = 3 : i64, tpu.core_type = #tpu.core_type<sc_vector_subcore>, window_params = [{transform_indices = #map}, {transform_indices = #map1}, {transform_indices = #map}]} {
    %mul3A = arith.constant 2 : i32
    %mul3A_0 = arith.muli %arg1, %mul3A : i32
    %add3A = arith.addi %mul3A_0, %arg0 : i32
    %mul3A_1 = arith.constant 2048 : i32
    %mul3A_2 = arith.muli %add3A, %mul3A_1 : i32
    %add3A_3 = arith.constant 0 : i32
    %add3A_4 = arith.addi %mul3A_2, %add3A_3 : i32
    "tpu.region"() ({
      %run_scoped3A = tpu.sem_alloc : memref<!tpu.dma_semaphore, #tpu.memory_space<semaphore_mem>>
      %dma_start3A_81 = tpu.memref_slice %arg3[%add3A_4] : memref<65536xi32, #tpu.memory_space<hbm>> -> memref<256xi32, #tpu.memory_space<hbm>>
      %dma_start3A_82 = tpu.memref_slice %arg3[%add3A_4] : memref<65536xi32, #tpu.memory_space<hbm>> -> memref<256xi32, #tpu.memory_space<hbm>>
      tpu.enqueue_dma source(%dma_start3A_82 : memref<256xi32, #tpu.memory_space<hbm>>) target(%arg5 : memref<256xi32, #tpu.memory_space<vmem>>) target_semaphore(%run_scoped3A : memref<!tpu.dma_semaphore, #tpu.memory_space<semaphore_mem>>)
      %dma_wait3A_83 = tpu.memref_slice %arg3[%add3A_4] : memref<65536xi32, #tpu.memory_space<hbm>> -> memref<256xi32, #tpu.memory_space<hbm>>
      %dma_wait3A_84 = tpu.memref_slice %arg3[%add3A_4] : memref<65536xi32, #tpu.memory_space<hbm>> -> memref<256xi32, #tpu.memory_space<hbm>>
      tpu.wait_dma2 semaphore(%run_scoped3A : memref<!tpu.dma_semaphore, #tpu.memory_space<semaphore_mem>>) src(%dma_wait3A_84 : memref<256xi32, #tpu.memory_space<hbm>>) dst(%arg5 : memref<256xi32, #tpu.memory_space<vmem>>)
      tpu.yield
    }) : () -> ()
    %dma_start3A = arith.constant 0 : i32
    %dma_start3A_5 = arith.constant 0 : i32
    %dma_start3A_6 = tpu.memref_slice %arg2[%dma_start3A, %dma_start3A_5] : memref<65544x216xf32, #tpu.memory_space<hbm>> -> memref<65544x216xf32, #tpu.memory_space<hbm>>
    tpu.enqueue_indirect_dma source(%dma_start3A_6 : memref<65544x216xf32, #tpu.memory_space<hbm>>) target(%arg6 : memref<256x216xf32, #tpu.memory_space<vmem>>) offsets(%arg5 : memref<256xi32, #tpu.memory_space<vmem>>) semaphore(%arg7 : memref<!tpu.dma_semaphore, #tpu.memory_space<semaphore_mem>>)
    %dma_wait3A = arith.constant 0 : i32
    %dma_wait3A_7 = arith.constant 0 : i32
    %dma_wait3A_8 = tpu.memref_slice %arg2[%dma_wait3A, %dma_wait3A_7] : memref<65544x216xf32, #tpu.memory_space<hbm>> -> memref<65544x216xf32, #tpu.memory_space<hbm>>
    tpu.wait_indirect_dma semaphore(%arg7 : memref<!tpu.dma_semaphore, #tpu.memory_space<semaphore_mem>>) src(%dma_wait3A_8 : memref<65544x216xf32, #tpu.memory_space<hbm>>) dst(%arg6 : memref<256x216xf32, #tpu.memory_space<vmem>>)
    %add3A_9 = arith.constant 0 : i32
    %add3A_10 = arith.addi %mul3A_2, %add3A_9 : i32
    "tpu.region"() ({
      %run_scoped3A = tpu.sem_alloc : memref<!tpu.dma_semaphore, #tpu.memory_space<semaphore_mem>>
      %dma_start3A_81 = arith.constant 0 : i32
      %dma_start3A_82 = tpu.memref_slice %arg4[%add3A_10, %dma_start3A_81] : memref<65536x216xf32, #tpu.memory_space<hbm>> -> memref<256x216xf32, #tpu.memory_space<hbm>>
      %dma_start3A_83 = arith.constant 0 : i32
      %dma_start3A_84 = tpu.memref_slice %arg4[%add3A_10, %dma_start3A_83] : memref<65536x216xf32, #tpu.memory_space<hbm>> -> memref<256x216xf32, #tpu.memory_space<hbm>>
      tpu.enqueue_dma source(%arg6 : memref<256x216xf32, #tpu.memory_space<vmem>>) target(%dma_start3A_84 : memref<256x216xf32, #tpu.memory_space<hbm>>) target_semaphore(%run_scoped3A : memref<!tpu.dma_semaphore, #tpu.memory_space<semaphore_mem>>)
      %dma_wait3A_85 = arith.constant 0 : i32
      %dma_wait3A_86 = tpu.memref_slice %arg4[%add3A_10, %dma_wait3A_85] : memref<65536x216xf32, #tpu.memory_space<hbm>> -> memref<256x216xf32, #tpu.memory_space<hbm>>
      %dma_wait3A_87 = arith.constant 0 : i32
      %dma_wait3A_88 = tpu.memref_slice %arg4[%add3A_10, %dma_wait3A_87] : memref<65536x216xf32, #tpu.memory_space<hbm>> -> memref<256x216xf32, #tpu.memory_space<hbm>>
      tpu.wait_dma2 semaphore(%run_scoped3A : memref<!tpu.dma_semaphore, #tpu.memory_space<semaphore_mem>>) src(%arg6 : memref<256x216xf32, #tpu.memory_space<vmem>>) dst(%dma_wait3A_88 : memref<256x216xf32, #tpu.memory_space<hbm>>)
      tpu.yield
    }) : () -> ()
    %add3A_11 = arith.constant 256 : i32
    %add3A_12 = arith.addi %mul3A_2, %add3A_11 : i32
    "tpu.region"() ({
      %run_scoped3A = tpu.sem_alloc : memref<!tpu.dma_semaphore, #tpu.memory_space<semaphore_mem>>
      %dma_start3A_81 = tpu.memref_slice %arg3[%add3A_12] : memref<65536xi32, #tpu.memory_space<hbm>> -> memref<256xi32, #tpu.memory_space<hbm>>
      %dma_start3A_82 = tpu.memref_slice %arg3[%add3A_12] : memref<65536xi32, #tpu.memory_space<hbm>> -> memref<256xi32, #tpu.memory_space<hbm>>
      tpu.enqueue_dma source(%dma_start3A_82 : memref<256xi32, #tpu.memory_space<hbm>>) target(%arg5 : memref<256xi32, #tpu.memory_space<vmem>>) target_semaphore(%run_scoped3A : memref<!tpu.dma_semaphore, #tpu.memory_space<semaphore_mem>>)
      %dma_wait3A_83 = tpu.memref_slice %arg3[%add3A_12] : memref<65536xi32, #tpu.memory_space<hbm>> -> memref<256xi32, #tpu.memory_space<hbm>>
      %dma_wait3A_84 = tpu.memref_slice %arg3[%add3A_12] : memref<65536xi32, #tpu.memory_space<hbm>> -> memref<256xi32, #tpu.memory_space<hbm>>
      tpu.wait_dma2 semaphore(%run_scoped3A : memref<!tpu.dma_semaphore, #tpu.memory_space<semaphore_mem>>) src(%dma_wait3A_84 : memref<256xi32, #tpu.memory_space<hbm>>) dst(%arg5 : memref<256xi32, #tpu.memory_space<vmem>>)
      tpu.yield
    }) : () -> ()
    %dma_start3A_13 = arith.constant 0 : i32
    %dma_start3A_14 = arith.constant 0 : i32
    %dma_start3A_15 = tpu.memref_slice %arg2[%dma_start3A_13, %dma_start3A_14] : memref<65544x216xf32, #tpu.memory_space<hbm>> -> memref<65544x216xf32, #tpu.memory_space<hbm>>
    tpu.enqueue_indirect_dma source(%dma_start3A_15 : memref<65544x216xf32, #tpu.memory_space<hbm>>) target(%arg6 : memref<256x216xf32, #tpu.memory_space<vmem>>) offsets(%arg5 : memref<256xi32, #tpu.memory_space<vmem>>) semaphore(%arg7 : memref<!tpu.dma_semaphore, #tpu.memory_space<semaphore_mem>>)
    %dma_wait3A_16 = arith.constant 0 : i32
    %dma_wait3A_17 = arith.constant 0 : i32
    %dma_wait3A_18 = tpu.memref_slice %arg2[%dma_wait3A_16, %dma_wait3A_17] : memref<65544x216xf32, #tpu.memory_space<hbm>> -> memref<65544x216xf32, #tpu.memory_space<hbm>>
    tpu.wait_indirect_dma semaphore(%arg7 : memref<!tpu.dma_semaphore, #tpu.memory_space<semaphore_mem>>) src(%dma_wait3A_18 : memref<65544x216xf32, #tpu.memory_space<hbm>>) dst(%arg6 : memref<256x216xf32, #tpu.memory_space<vmem>>)
    %add3A_19 = arith.constant 256 : i32
    %add3A_20 = arith.addi %mul3A_2, %add3A_19 : i32
    "tpu.region"() ({
      %run_scoped3A = tpu.sem_alloc : memref<!tpu.dma_semaphore, #tpu.memory_space<semaphore_mem>>
      %dma_start3A_81 = arith.constant 0 : i32
      %dma_start3A_82 = tpu.memref_slice %arg4[%add3A_20, %dma_start3A_81] : memref<65536x216xf32, #tpu.memory_space<hbm>> -> memref<256x216xf32, #tpu.memory_space<hbm>>
      %dma_start3A_83 = arith.constant 0 : i32
      %dma_start3A_84 = tpu.memref_slice %arg4[%add3A_20, %dma_start3A_83] : memref<65536x216xf32, #tpu.memory_space<hbm>> -> memref<256x216xf32, #tpu.memory_space<hbm>>
      tpu.enqueue_dma source(%arg6 : memref<256x216xf32, #tpu.memory_space<vmem>>) target(%dma_start3A_84 : memref<256x216xf32, #tpu.memory_space<hbm>>) target_semaphore(%run_scoped3A : memref<!tpu.dma_semaphore, #tpu.memory_space<semaphore_mem>>)
      %dma_wait3A_85 = arith.constant 0 : i32
      %dma_wait3A_86 = tpu.memref_slice %arg4[%add3A_20, %dma_wait3A_85] : memref<65536x216xf32, #tpu.memory_space<hbm>> -> memref<256x216xf32, #tpu.memory_space<hbm>>
      %dma_wait3A_87 = arith.constant 0 : i32
      %dma_wait3A_88 = tpu.memref_slice %arg4[%add3A_20, %dma_wait3A_87] : memref<65536x216xf32, #tpu.memory_space<hbm>> -> memref<256x216xf32, #tpu.memory_space<hbm>>
      tpu.wait_dma2 semaphore(%run_scoped3A : memref<!tpu.dma_semaphore, #tpu.memory_space<semaphore_mem>>) src(%arg6 : memref<256x216xf32, #tpu.memory_space<vmem>>) dst(%dma_wait3A_88 : memref<256x216xf32, #tpu.memory_space<hbm>>)
      tpu.yield
    }) : () -> ()
    %add3A_21 = arith.constant 512 : i32
    %add3A_22 = arith.addi %mul3A_2, %add3A_21 : i32
    "tpu.region"() ({
      %run_scoped3A = tpu.sem_alloc : memref<!tpu.dma_semaphore, #tpu.memory_space<semaphore_mem>>
      %dma_start3A_81 = tpu.memref_slice %arg3[%add3A_22] : memref<65536xi32, #tpu.memory_space<hbm>> -> memref<256xi32, #tpu.memory_space<hbm>>
      %dma_start3A_82 = tpu.memref_slice %arg3[%add3A_22] : memref<65536xi32, #tpu.memory_space<hbm>> -> memref<256xi32, #tpu.memory_space<hbm>>
      tpu.enqueue_dma source(%dma_start3A_82 : memref<256xi32, #tpu.memory_space<hbm>>) target(%arg5 : memref<256xi32, #tpu.memory_space<vmem>>) target_semaphore(%run_scoped3A : memref<!tpu.dma_semaphore, #tpu.memory_space<semaphore_mem>>)
      %dma_wait3A_83 = tpu.memref_slice %arg3[%add3A_22] : memref<65536xi32, #tpu.memory_space<hbm>> -> memref<256xi32, #tpu.memory_space<hbm>>
      %dma_wait3A_84 = tpu.memref_slice %arg3[%add3A_22] : memref<65536xi32, #tpu.memory_space<hbm>> -> memref<256xi32, #tpu.memory_space<hbm>>
      tpu.wait_dma2 semaphore(%run_scoped3A : memref<!tpu.dma_semaphore, #tpu.memory_space<semaphore_mem>>) src(%dma_wait3A_84 : memref<256xi32, #tpu.memory_space<hbm>>) dst(%arg5 : memref<256xi32, #tpu.memory_space<vmem>>)
      tpu.yield
    }) : () -> ()
    %dma_start3A_23 = arith.constant 0 : i32
    %dma_start3A_24 = arith.constant 0 : i32
    %dma_start3A_25 = tpu.memref_slice %arg2[%dma_start3A_23, %dma_start3A_24] : memref<65544x216xf32, #tpu.memory_space<hbm>> -> memref<65544x216xf32, #tpu.memory_space<hbm>>
    tpu.enqueue_indirect_dma source(%dma_start3A_25 : memref<65544x216xf32, #tpu.memory_space<hbm>>) target(%arg6 : memref<256x216xf32, #tpu.memory_space<vmem>>) offsets(%arg5 : memref<256xi32, #tpu.memory_space<vmem>>) semaphore(%arg7 : memref<!tpu.dma_semaphore, #tpu.memory_space<semaphore_mem>>)
    %dma_wait3A_26 = arith.constant 0 : i32
    %dma_wait3A_27 = arith.constant 0 : i32
    %dma_wait3A_28 = tpu.memref_slice %arg2[%dma_wait3A_26, %dma_wait3A_27] : memref<65544x216xf32, #tpu.memory_space<hbm>> -> memref<65544x216xf32, #tpu.memory_space<hbm>>
    tpu.wait_indirect_dma semaphore(%arg7 : memref<!tpu.dma_semaphore, #tpu.memory_space<semaphore_mem>>) src(%dma_wait3A_28 : memref<65544x216xf32, #tpu.memory_space<hbm>>) dst(%arg6 : memref<256x216xf32, #tpu.memory_space<vmem>>)
    %add3A_29 = arith.constant 512 : i32
    %add3A_30 = arith.addi %mul3A_2, %add3A_29 : i32
    "tpu.region"() ({
      %run_scoped3A = tpu.sem_alloc : memref<!tpu.dma_semaphore, #tpu.memory_space<semaphore_mem>>
      %dma_start3A_81 = arith.constant 0 : i32
      %dma_start3A_82 = tpu.memref_slice %arg4[%add3A_30, %dma_start3A_81] : memref<65536x216xf32, #tpu.memory_space<hbm>> -> memref<256x216xf32, #tpu.memory_space<hbm>>
      %dma_start3A_83 = arith.constant 0 : i32
      %dma_start3A_84 = tpu.memref_slice %arg4[%add3A_30, %dma_start3A_83] : memref<65536x216xf32, #tpu.memory_space<hbm>> -> memref<256x216xf32, #tpu.memory_space<hbm>>
      tpu.enqueue_dma source(%arg6 : memref<256x216xf32, #tpu.memory_space<vmem>>) target(%dma_start3A_84 : memref<256x216xf32, #tpu.memory_space<hbm>>) target_semaphore(%run_scoped3A : memref<!tpu.dma_semaphore, #tpu.memory_space<semaphore_mem>>)
      %dma_wait3A_85 = arith.constant 0 : i32
      %dma_wait3A_86 = tpu.memref_slice %arg4[%add3A_30, %dma_wait3A_85] : memref<65536x216xf32, #tpu.memory_space<hbm>> -> memref<256x216xf32, #tpu.memory_space<hbm>>
      %dma_wait3A_87 = arith.constant 0 : i32
      %dma_wait3A_88 = tpu.memref_slice %arg4[%add3A_30, %dma_wait3A_87] : memref<65536x216xf32, #tpu.memory_space<hbm>> -> memref<256x216xf32, #tpu.memory_space<hbm>>
      tpu.wait_dma2 semaphore(%run_scoped3A : memref<!tpu.dma_semaphore, #tpu.memory_space<semaphore_mem>>) src(%arg6 : memref<256x216xf32, #tpu.memory_space<vmem>>) dst(%dma_wait3A_88 : memref<256x216xf32, #tpu.memory_space<hbm>>)
      tpu.yield
    }) : () -> ()
    %add3A_31 = arith.constant 768 : i32
    %add3A_32 = arith.addi %mul3A_2, %add3A_31 : i32
    "tpu.region"() ({
      %run_scoped3A = tpu.sem_alloc : memref<!tpu.dma_semaphore, #tpu.memory_space<semaphore_mem>>
      %dma_start3A_81 = tpu.memref_slice %arg3[%add3A_32] : memref<65536xi32, #tpu.memory_space<hbm>> -> memref<256xi32, #tpu.memory_space<hbm>>
      %dma_start3A_82 = tpu.memref_slice %arg3[%add3A_32] : memref<65536xi32, #tpu.memory_space<hbm>> -> memref<256xi32, #tpu.memory_space<hbm>>
      tpu.enqueue_dma source(%dma_start3A_82 : memref<256xi32, #tpu.memory_space<hbm>>) target(%arg5 : memref<256xi32, #tpu.memory_space<vmem>>) target_semaphore(%run_scoped3A : memref<!tpu.dma_semaphore, #tpu.memory_space<semaphore_mem>>)
      %dma_wait3A_83 = tpu.memref_slice %arg3[%add3A_32] : memref<65536xi32, #tpu.memory_space<hbm>> -> memref<256xi32, #tpu.memory_space<hbm>>
      %dma_wait3A_84 = tpu.memref_slice %arg3[%add3A_32] : memref<65536xi32, #tpu.memory_space<hbm>> -> memref<256xi32, #tpu.memory_space<hbm>>
      tpu.wait_dma2 semaphore(%run_scoped3A : memref<!tpu.dma_semaphore, #tpu.memory_space<semaphore_mem>>) src(%dma_wait3A_84 : memref<256xi32, #tpu.memory_space<hbm>>) dst(%arg5 : memref<256xi32, #tpu.memory_space<vmem>>)
      tpu.yield
    }) : () -> ()
    %dma_start3A_33 = arith.constant 0 : i32
    %dma_start3A_34 = arith.constant 0 : i32
    %dma_start3A_35 = tpu.memref_slice %arg2[%dma_start3A_33, %dma_start3A_34] : memref<65544x216xf32, #tpu.memory_space<hbm>> -> memref<65544x216xf32, #tpu.memory_space<hbm>>
    tpu.enqueue_indirect_dma source(%dma_start3A_35 : memref<65544x216xf32, #tpu.memory_space<hbm>>) target(%arg6 : memref<256x216xf32, #tpu.memory_space<vmem>>) offsets(%arg5 : memref<256xi32, #tpu.memory_space<vmem>>) semaphore(%arg7 : memref<!tpu.dma_semaphore, #tpu.memory_space<semaphore_mem>>)
    %dma_wait3A_36 = arith.constant 0 : i32
    %dma_wait3A_37 = arith.constant 0 : i32
    %dma_wait3A_38 = tpu.memref_slice %arg2[%dma_wait3A_36, %dma_wait3A_37] : memref<65544x216xf32, #tpu.memory_space<hbm>> -> memref<65544x216xf32, #tpu.memory_space<hbm>>
    tpu.wait_indirect_dma semaphore(%arg7 : memref<!tpu.dma_semaphore, #tpu.memory_space<semaphore_mem>>) src(%dma_wait3A_38 : memref<65544x216xf32, #tpu.memory_space<hbm>>) dst(%arg6 : memref<256x216xf32, #tpu.memory_space<vmem>>)
    %add3A_39 = arith.constant 768 : i32
    %add3A_40 = arith.addi %mul3A_2, %add3A_39 : i32
    "tpu.region"() ({
      %run_scoped3A = tpu.sem_alloc : memref<!tpu.dma_semaphore, #tpu.memory_space<semaphore_mem>>
      %dma_start3A_81 = arith.constant 0 : i32
      %dma_start3A_82 = tpu.memref_slice %arg4[%add3A_40, %dma_start3A_81] : memref<65536x216xf32, #tpu.memory_space<hbm>> -> memref<256x216xf32, #tpu.memory_space<hbm>>
      %dma_start3A_83 = arith.constant 0 : i32
      %dma_start3A_84 = tpu.memref_slice %arg4[%add3A_40, %dma_start3A_83] : memref<65536x216xf32, #tpu.memory_space<hbm>> -> memref<256x216xf32, #tpu.memory_space<hbm>>
      tpu.enqueue_dma source(%arg6 : memref<256x216xf32, #tpu.memory_space<vmem>>) target(%dma_start3A_84 : memref<256x216xf32, #tpu.memory_space<hbm>>) target_semaphore(%run_scoped3A : memref<!tpu.dma_semaphore, #tpu.memory_space<semaphore_mem>>)
      %dma_wait3A_85 = arith.constant 0 : i32
      %dma_wait3A_86 = tpu.memref_slice %arg4[%add3A_40, %dma_wait3A_85] : memref<65536x216xf32, #tpu.memory_space<hbm>> -> memref<256x216xf32, #tpu.memory_space<hbm>>
      %dma_wait3A_87 = arith.constant 0 : i32
      %dma_wait3A_88 = tpu.memref_slice %arg4[%add3A_40, %dma_wait3A_87] : memref<65536x216xf32, #tpu.memory_space<hbm>> -> memref<256x216xf32, #tpu.memory_space<hbm>>
      tpu.wait_dma2 semaphore(%run_scoped3A : memref<!tpu.dma_semaphore, #tpu.memory_space<semaphore_mem>>) src(%arg6 : memref<256x216xf32, #tpu.memory_space<vmem>>) dst(%dma_wait3A_88 : memref<256x216xf32, #tpu.memory_space<hbm>>)
      tpu.yield
    }) : () -> ()
    %add3A_41 = arith.constant 1024 : i32
    %add3A_42 = arith.addi %mul3A_2, %add3A_41 : i32
    "tpu.region"() ({
      %run_scoped3A = tpu.sem_alloc : memref<!tpu.dma_semaphore, #tpu.memory_space<semaphore_mem>>
      %dma_start3A_81 = tpu.memref_slice %arg3[%add3A_42] : memref<65536xi32, #tpu.memory_space<hbm>> -> memref<256xi32, #tpu.memory_space<hbm>>
      %dma_start3A_82 = tpu.memref_slice %arg3[%add3A_42] : memref<65536xi32, #tpu.memory_space<hbm>> -> memref<256xi32, #tpu.memory_space<hbm>>
      tpu.enqueue_dma source(%dma_start3A_82 : memref<256xi32, #tpu.memory_space<hbm>>) target(%arg5 : memref<256xi32, #tpu.memory_space<vmem>>) target_semaphore(%run_scoped3A : memref<!tpu.dma_semaphore, #tpu.memory_space<semaphore_mem>>)
      %dma_wait3A_83 = tpu.memref_slice %arg3[%add3A_42] : memref<65536xi32, #tpu.memory_space<hbm>> -> memref<256xi32, #tpu.memory_space<hbm>>
      %dma_wait3A_84 = tpu.memref_slice %arg3[%add3A_42] : memref<65536xi32, #tpu.memory_space<hbm>> -> memref<256xi32, #tpu.memory_space<hbm>>
      tpu.wait_dma2 semaphore(%run_scoped3A : memref<!tpu.dma_semaphore, #tpu.memory_space<semaphore_mem>>) src(%dma_wait3A_84 : memref<256xi32, #tpu.memory_space<hbm>>) dst(%arg5 : memref<256xi32, #tpu.memory_space<vmem>>)
      tpu.yield
    }) : () -> ()
    %dma_start3A_43 = arith.constant 0 : i32
    %dma_start3A_44 = arith.constant 0 : i32
    %dma_start3A_45 = tpu.memref_slice %arg2[%dma_start3A_43, %dma_start3A_44] : memref<65544x216xf32, #tpu.memory_space<hbm>> -> memref<65544x216xf32, #tpu.memory_space<hbm>>
    tpu.enqueue_indirect_dma source(%dma_start3A_45 : memref<65544x216xf32, #tpu.memory_space<hbm>>) target(%arg6 : memref<256x216xf32, #tpu.memory_space<vmem>>) offsets(%arg5 : memref<256xi32, #tpu.memory_space<vmem>>) semaphore(%arg7 : memref<!tpu.dma_semaphore, #tpu.memory_space<semaphore_mem>>)
    %dma_wait3A_46 = arith.constant 0 : i32
    %dma_wait3A_47 = arith.constant 0 : i32
    %dma_wait3A_48 = tpu.memref_slice %arg2[%dma_wait3A_46, %dma_wait3A_47] : memref<65544x216xf32, #tpu.memory_space<hbm>> -> memref<65544x216xf32, #tpu.memory_space<hbm>>
    tpu.wait_indirect_dma semaphore(%arg7 : memref<!tpu.dma_semaphore, #tpu.memory_space<semaphore_mem>>) src(%dma_wait3A_48 : memref<65544x216xf32, #tpu.memory_space<hbm>>) dst(%arg6 : memref<256x216xf32, #tpu.memory_space<vmem>>)
    %add3A_49 = arith.constant 1024 : i32
    %add3A_50 = arith.addi %mul3A_2, %add3A_49 : i32
    "tpu.region"() ({
      %run_scoped3A = tpu.sem_alloc : memref<!tpu.dma_semaphore, #tpu.memory_space<semaphore_mem>>
      %dma_start3A_81 = arith.constant 0 : i32
      %dma_start3A_82 = tpu.memref_slice %arg4[%add3A_50, %dma_start3A_81] : memref<65536x216xf32, #tpu.memory_space<hbm>> -> memref<256x216xf32, #tpu.memory_space<hbm>>
      %dma_start3A_83 = arith.constant 0 : i32
      %dma_start3A_84 = tpu.memref_slice %arg4[%add3A_50, %dma_start3A_83] : memref<65536x216xf32, #tpu.memory_space<hbm>> -> memref<256x216xf32, #tpu.memory_space<hbm>>
      tpu.enqueue_dma source(%arg6 : memref<256x216xf32, #tpu.memory_space<vmem>>) target(%dma_start3A_84 : memref<256x216xf32, #tpu.memory_space<hbm>>) target_semaphore(%run_scoped3A : memref<!tpu.dma_semaphore, #tpu.memory_space<semaphore_mem>>)
      %dma_wait3A_85 = arith.constant 0 : i32
      %dma_wait3A_86 = tpu.memref_slice %arg4[%add3A_50, %dma_wait3A_85] : memref<65536x216xf32, #tpu.memory_space<hbm>> -> memref<256x216xf32, #tpu.memory_space<hbm>>
      %dma_wait3A_87 = arith.constant 0 : i32
      %dma_wait3A_88 = tpu.memref_slice %arg4[%add3A_50, %dma_wait3A_87] : memref<65536x216xf32, #tpu.memory_space<hbm>> -> memref<256x216xf32, #tpu.memory_space<hbm>>
      tpu.wait_dma2 semaphore(%run_scoped3A : memref<!tpu.dma_semaphore, #tpu.memory_space<semaphore_mem>>) src(%arg6 : memref<256x216xf32, #tpu.memory_space<vmem>>) dst(%dma_wait3A_88 : memref<256x216xf32, #tpu.memory_space<hbm>>)
      tpu.yield
    }) : () -> ()
    %add3A_51 = arith.constant 1280 : i32
    %add3A_52 = arith.addi %mul3A_2, %add3A_51 : i32
    "tpu.region"() ({
      %run_scoped3A = tpu.sem_alloc : memref<!tpu.dma_semaphore, #tpu.memory_space<semaphore_mem>>
      %dma_start3A_81 = tpu.memref_slice %arg3[%add3A_52] : memref<65536xi32, #tpu.memory_space<hbm>> -> memref<256xi32, #tpu.memory_space<hbm>>
      %dma_start3A_82 = tpu.memref_slice %arg3[%add3A_52] : memref<65536xi32, #tpu.memory_space<hbm>> -> memref<256xi32, #tpu.memory_space<hbm>>
      tpu.enqueue_dma source(%dma_start3A_82 : memref<256xi32, #tpu.memory_space<hbm>>) target(%arg5 : memref<256xi32, #tpu.memory_space<vmem>>) target_semaphore(%run_scoped3A : memref<!tpu.dma_semaphore, #tpu.memory_space<semaphore_mem>>)
      %dma_wait3A_83 = tpu.memref_slice %arg3[%add3A_52] : memref<65536xi32, #tpu.memory_space<hbm>> -> memref<256xi32, #tpu.memory_space<hbm>>
      %dma_wait3A_84 = tpu.memref_slice %arg3[%add3A_52] : memref<65536xi32, #tpu.memory_space<hbm>> -> memref<256xi32, #tpu.memory_space<hbm>>
      tpu.wait_dma2 semaphore(%run_scoped3A : memref<!tpu.dma_semaphore, #tpu.memory_space<semaphore_mem>>) src(%dma_wait3A_84 : memref<256xi32, #tpu.memory_space<hbm>>) dst(%arg5 : memref<256xi32, #tpu.memory_space<vmem>>)
      tpu.yield
    }) : () -> ()
    %dma_start3A_53 = arith.constant 0 : i32
    %dma_start3A_54 = arith.constant 0 : i32
    %dma_start3A_55 = tpu.memref_slice %arg2[%dma_start3A_53, %dma_start3A_54] : memref<65544x216xf32, #tpu.memory_space<hbm>> -> memref<65544x216xf32, #tpu.memory_space<hbm>>
    tpu.enqueue_indirect_dma source(%dma_start3A_55 : memref<65544x216xf32, #tpu.memory_space<hbm>>) target(%arg6 : memref<256x216xf32, #tpu.memory_space<vmem>>) offsets(%arg5 : memref<256xi32, #tpu.memory_space<vmem>>) semaphore(%arg7 : memref<!tpu.dma_semaphore, #tpu.memory_space<semaphore_mem>>)
    %dma_wait3A_56 = arith.constant 0 : i32
    %dma_wait3A_57 = arith.constant 0 : i32
    %dma_wait3A_58 = tpu.memref_slice %arg2[%dma_wait3A_56, %dma_wait3A_57] : memref<65544x216xf32, #tpu.memory_space<hbm>> -> memref<65544x216xf32, #tpu.memory_space<hbm>>
    tpu.wait_indirect_dma semaphore(%arg7 : memref<!tpu.dma_semaphore, #tpu.memory_space<semaphore_mem>>) src(%dma_wait3A_58 : memref<65544x216xf32, #tpu.memory_space<hbm>>) dst(%arg6 : memref<256x216xf32, #tpu.memory_space<vmem>>)
    %add3A_59 = arith.constant 1280 : i32
    %add3A_60 = arith.addi %mul3A_2, %add3A_59 : i32
    "tpu.region"() ({
      %run_scoped3A = tpu.sem_alloc : memref<!tpu.dma_semaphore, #tpu.memory_space<semaphore_mem>>
      %dma_start3A_81 = arith.constant 0 : i32
      %dma_start3A_82 = tpu.memref_slice %arg4[%add3A_60, %dma_start3A_81] : memref<65536x216xf32, #tpu.memory_space<hbm>> -> memref<256x216xf32, #tpu.memory_space<hbm>>
      %dma_start3A_83 = arith.constant 0 : i32
      %dma_start3A_84 = tpu.memref_slice %arg4[%add3A_60, %dma_start3A_83] : memref<65536x216xf32, #tpu.memory_space<hbm>> -> memref<256x216xf32, #tpu.memory_space<hbm>>
      tpu.enqueue_dma source(%arg6 : memref<256x216xf32, #tpu.memory_space<vmem>>) target(%dma_start3A_84 : memref<256x216xf32, #tpu.memory_space<hbm>>) target_semaphore(%run_scoped3A : memref<!tpu.dma_semaphore, #tpu.memory_space<semaphore_mem>>)
      %dma_wait3A_85 = arith.constant 0 : i32
      %dma_wait3A_86 = tpu.memref_slice %arg4[%add3A_60, %dma_wait3A_85] : memref<65536x216xf32, #tpu.memory_space<hbm>> -> memref<256x216xf32, #tpu.memory_space<hbm>>
      %dma_wait3A_87 = arith.constant 0 : i32
      %dma_wait3A_88 = tpu.memref_slice %arg4[%add3A_60, %dma_wait3A_87] : memref<65536x216xf32, #tpu.memory_space<hbm>> -> memref<256x216xf32, #tpu.memory_space<hbm>>
      tpu.wait_dma2 semaphore(%run_scoped3A : memref<!tpu.dma_semaphore, #tpu.memory_space<semaphore_mem>>) src(%arg6 : memref<256x216xf32, #tpu.memory_space<vmem>>) dst(%dma_wait3A_88 : memref<256x216xf32, #tpu.memory_space<hbm>>)
      tpu.yield
    }) : () -> ()
    %add3A_61 = arith.constant 1536 : i32
    %add3A_62 = arith.addi %mul3A_2, %add3A_61 : i32
    "tpu.region"() ({
      %run_scoped3A = tpu.sem_alloc : memref<!tpu.dma_semaphore, #tpu.memory_space<semaphore_mem>>
      %dma_start3A_81 = tpu.memref_slice %arg3[%add3A_62] : memref<65536xi32, #tpu.memory_space<hbm>> -> memref<256xi32, #tpu.memory_space<hbm>>
      %dma_start3A_82 = tpu.memref_slice %arg3[%add3A_62] : memref<65536xi32, #tpu.memory_space<hbm>> -> memref<256xi32, #tpu.memory_space<hbm>>
      tpu.enqueue_dma source(%dma_start3A_82 : memref<256xi32, #tpu.memory_space<hbm>>) target(%arg5 : memref<256xi32, #tpu.memory_space<vmem>>) target_semaphore(%run_scoped3A : memref<!tpu.dma_semaphore, #tpu.memory_space<semaphore_mem>>)
      %dma_wait3A_83 = tpu.memref_slice %arg3[%add3A_62] : memref<65536xi32, #tpu.memory_space<hbm>> -> memref<256xi32, #tpu.memory_space<hbm>>
      %dma_wait3A_84 = tpu.memref_slice %arg3[%add3A_62] : memref<65536xi32, #tpu.memory_space<hbm>> -> memref<256xi32, #tpu.memory_space<hbm>>
      tpu.wait_dma2 semaphore(%run_scoped3A : memref<!tpu.dma_semaphore, #tpu.memory_space<semaphore_mem>>) src(%dma_wait3A_84 : memref<256xi32, #tpu.memory_space<hbm>>) dst(%arg5 : memref<256xi32, #tpu.memory_space<vmem>>)
      tpu.yield
    }) : () -> ()
    %dma_start3A_63 = arith.constant 0 : i32
    %dma_start3A_64 = arith.constant 0 : i32
    %dma_start3A_65 = tpu.memref_slice %arg2[%dma_start3A_63, %dma_start3A_64] : memref<65544x216xf32, #tpu.memory_space<hbm>> -> memref<65544x216xf32, #tpu.memory_space<hbm>>
    tpu.enqueue_indirect_dma source(%dma_start3A_65 : memref<65544x216xf32, #tpu.memory_space<hbm>>) target(%arg6 : memref<256x216xf32, #tpu.memory_space<vmem>>) offsets(%arg5 : memref<256xi32, #tpu.memory_space<vmem>>) semaphore(%arg7 : memref<!tpu.dma_semaphore, #tpu.memory_space<semaphore_mem>>)
    %dma_wait3A_66 = arith.constant 0 : i32
    %dma_wait3A_67 = arith.constant 0 : i32
    %dma_wait3A_68 = tpu.memref_slice %arg2[%dma_wait3A_66, %dma_wait3A_67] : memref<65544x216xf32, #tpu.memory_space<hbm>> -> memref<65544x216xf32, #tpu.memory_space<hbm>>
    tpu.wait_indirect_dma semaphore(%arg7 : memref<!tpu.dma_semaphore, #tpu.memory_space<semaphore_mem>>) src(%dma_wait3A_68 : memref<65544x216xf32, #tpu.memory_space<hbm>>) dst(%arg6 : memref<256x216xf32, #tpu.memory_space<vmem>>)
    %add3A_69 = arith.constant 1536 : i32
    %add3A_70 = arith.addi %mul3A_2, %add3A_69 : i32
    "tpu.region"() ({
      %run_scoped3A = tpu.sem_alloc : memref<!tpu.dma_semaphore, #tpu.memory_space<semaphore_mem>>
      %dma_start3A_81 = arith.constant 0 : i32
      %dma_start3A_82 = tpu.memref_slice %arg4[%add3A_70, %dma_start3A_81] : memref<65536x216xf32, #tpu.memory_space<hbm>> -> memref<256x216xf32, #tpu.memory_space<hbm>>
      %dma_start3A_83 = arith.constant 0 : i32
      %dma_start3A_84 = tpu.memref_slice %arg4[%add3A_70, %dma_start3A_83] : memref<65536x216xf32, #tpu.memory_space<hbm>> -> memref<256x216xf32, #tpu.memory_space<hbm>>
      tpu.enqueue_dma source(%arg6 : memref<256x216xf32, #tpu.memory_space<vmem>>) target(%dma_start3A_84 : memref<256x216xf32, #tpu.memory_space<hbm>>) target_semaphore(%run_scoped3A : memref<!tpu.dma_semaphore, #tpu.memory_space<semaphore_mem>>)
      %dma_wait3A_85 = arith.constant 0 : i32
      %dma_wait3A_86 = tpu.memref_slice %arg4[%add3A_70, %dma_wait3A_85] : memref<65536x216xf32, #tpu.memory_space<hbm>> -> memref<256x216xf32, #tpu.memory_space<hbm>>
      %dma_wait3A_87 = arith.constant 0 : i32
      %dma_wait3A_88 = tpu.memref_slice %arg4[%add3A_70, %dma_wait3A_87] : memref<65536x216xf32, #tpu.memory_space<hbm>> -> memref<256x216xf32, #tpu.memory_space<hbm>>
      tpu.wait_dma2 semaphore(%run_scoped3A : memref<!tpu.dma_semaphore, #tpu.memory_space<semaphore_mem>>) src(%arg6 : memref<256x216xf32, #tpu.memory_space<vmem>>) dst(%dma_wait3A_88 : memref<256x216xf32, #tpu.memory_space<hbm>>)
      tpu.yield
    }) : () -> ()
    %add3A_71 = arith.constant 1792 : i32
    %add3A_72 = arith.addi %mul3A_2, %add3A_71 : i32
    "tpu.region"() ({
      %run_scoped3A = tpu.sem_alloc : memref<!tpu.dma_semaphore, #tpu.memory_space<semaphore_mem>>
      %dma_start3A_81 = tpu.memref_slice %arg3[%add3A_72] : memref<65536xi32, #tpu.memory_space<hbm>> -> memref<256xi32, #tpu.memory_space<hbm>>
      %dma_start3A_82 = tpu.memref_slice %arg3[%add3A_72] : memref<65536xi32, #tpu.memory_space<hbm>> -> memref<256xi32, #tpu.memory_space<hbm>>
      tpu.enqueue_dma source(%dma_start3A_82 : memref<256xi32, #tpu.memory_space<hbm>>) target(%arg5 : memref<256xi32, #tpu.memory_space<vmem>>) target_semaphore(%run_scoped3A : memref<!tpu.dma_semaphore, #tpu.memory_space<semaphore_mem>>)
      %dma_wait3A_83 = tpu.memref_slice %arg3[%add3A_72] : memref<65536xi32, #tpu.memory_space<hbm>> -> memref<256xi32, #tpu.memory_space<hbm>>
      %dma_wait3A_84 = tpu.memref_slice %arg3[%add3A_72] : memref<65536xi32, #tpu.memory_space<hbm>> -> memref<256xi32, #tpu.memory_space<hbm>>
      tpu.wait_dma2 semaphore(%run_scoped3A : memref<!tpu.dma_semaphore, #tpu.memory_space<semaphore_mem>>) src(%dma_wait3A_84 : memref<256xi32, #tpu.memory_space<hbm>>) dst(%arg5 : memref<256xi32, #tpu.memory_space<vmem>>)
      tpu.yield
    }) : () -> ()
    %dma_start3A_73 = arith.constant 0 : i32
    %dma_start3A_74 = arith.constant 0 : i32
    %dma_start3A_75 = tpu.memref_slice %arg2[%dma_start3A_73, %dma_start3A_74] : memref<65544x216xf32, #tpu.memory_space<hbm>> -> memref<65544x216xf32, #tpu.memory_space<hbm>>
    tpu.enqueue_indirect_dma source(%dma_start3A_75 : memref<65544x216xf32, #tpu.memory_space<hbm>>) target(%arg6 : memref<256x216xf32, #tpu.memory_space<vmem>>) offsets(%arg5 : memref<256xi32, #tpu.memory_space<vmem>>) semaphore(%arg7 : memref<!tpu.dma_semaphore, #tpu.memory_space<semaphore_mem>>)
    %dma_wait3A_76 = arith.constant 0 : i32
    %dma_wait3A_77 = arith.constant 0 : i32
    %dma_wait3A_78 = tpu.memref_slice %arg2[%dma_wait3A_76, %dma_wait3A_77] : memref<65544x216xf32, #tpu.memory_space<hbm>> -> memref<65544x216xf32, #tpu.memory_space<hbm>>
    tpu.wait_indirect_dma semaphore(%arg7 : memref<!tpu.dma_semaphore, #tpu.memory_space<semaphore_mem>>) src(%dma_wait3A_78 : memref<65544x216xf32, #tpu.memory_space<hbm>>) dst(%arg6 : memref<256x216xf32, #tpu.memory_space<vmem>>)
    %add3A_79 = arith.constant 1792 : i32
    %add3A_80 = arith.addi %mul3A_2, %add3A_79 : i32
    "tpu.region"() ({
      %run_scoped3A = tpu.sem_alloc : memref<!tpu.dma_semaphore, #tpu.memory_space<semaphore_mem>>
      %dma_start3A_81 = arith.constant 0 : i32
      %dma_start3A_82 = tpu.memref_slice %arg4[%add3A_80, %dma_start3A_81] : memref<65536x216xf32, #tpu.memory_space<hbm>> -> memref<256x216xf32, #tpu.memory_space<hbm>>
      %dma_start3A_83 = arith.constant 0 : i32
      %dma_start3A_84 = tpu.memref_slice %arg4[%add3A_80, %dma_start3A_83] : memref<65536x216xf32, #tpu.memory_space<hbm>> -> memref<256x216xf32, #tpu.memory_space<hbm>>
      tpu.enqueue_dma source(%arg6 : memref<256x216xf32, #tpu.memory_space<vmem>>) target(%dma_start3A_84 : memref<256x216xf32, #tpu.memory_space<hbm>>) target_semaphore(%run_scoped3A : memref<!tpu.dma_semaphore, #tpu.memory_space<semaphore_mem>>)
      %dma_wait3A_85 = arith.constant 0 : i32
      %dma_wait3A_86 = tpu.memref_slice %arg4[%add3A_80, %dma_wait3A_85] : memref<65536x216xf32, #tpu.memory_space<hbm>> -> memref<256x216xf32, #tpu.memory_space<hbm>>
      %dma_wait3A_87 = arith.constant 0 : i32
      %dma_wait3A_88 = tpu.memref_slice %arg4[%add3A_80, %dma_wait3A_87] : memref<65536x216xf32, #tpu.memory_space<hbm>> -> memref<256x216xf32, #tpu.memory_space<hbm>>
      tpu.wait_dma2 semaphore(%run_scoped3A : memref<!tpu.dma_semaphore, #tpu.memory_space<semaphore_mem>>) src(%arg6 : memref<256x216xf32, #tpu.memory_space<vmem>>) dst(%dma_wait3A_88 : memref<256x216xf32, #tpu.memory_space<hbm>>)
      tpu.yield
    }) : () -> ()
    return
  }
}

#map = affine_map<(d0, d1) -> (0, 0)>
#map1 = affine_map<(d0, d1) -> (0)>
module attributes {stable_mosaic.version = 14 : i64} {
  func.func @_scatter_body(%arg0: i32, %arg1: i32, %arg2: memref<65536x216xf32, #tpu.memory_space<hbm>>, %arg3: memref<4096xi32, #tpu.memory_space<hbm>>, %arg4: memref<4096x216xf32, #tpu.memory_space<hbm>>, %arg5: memref<65544x216xf32, #tpu.memory_space<hbm>>, %arg6: memref<2x128x216xf32, #tpu.memory_space<vmem>>, %arg7: memref<4096xi32, #tpu.memory_space<vmem>>, %arg8: memref<272xi32, #tpu.memory_space<vmem>>, %arg9: memref<272xi32, #tpu.memory_space<vmem>>, %arg10: memref<272x216xf32, #tpu.memory_space<vmem>>, %arg11: memref<!tpu.dma_semaphore, #tpu.memory_space<semaphore_mem>>, %arg12: memref<!tpu.dma_semaphore, #tpu.memory_space<semaphore_mem>>, %arg13: memref<!tpu.dma_semaphore, #tpu.memory_space<semaphore_mem>>, %arg14: memref<!tpu.dma_semaphore, #tpu.memory_space<semaphore_mem>>, %arg15: memref<!tpu.dma_semaphore, #tpu.memory_space<semaphore_mem>>) attributes {dimension_semantics = [#tpu.dimension_semantics<core_parallel>, #tpu.dimension_semantics<subcore_parallel>], iteration_bounds = array<i64: 2, 16>, scalar_prefetch = 0 : i64, scratch_operands = 10 : i64, tpu.core_type = #tpu.core_type<sc_vector_subcore>, window_params = [{transform_indices = #map}, {transform_indices = #map1}, {transform_indices = #map}, {transform_indices = #map}]} {
    %mul3A = arith.constant 2 : i32
    %mul3A_0 = arith.muli %arg1, %mul3A : i32
    %add3A = arith.addi %mul3A_0, %arg0 : i32
    %mul3A_1 = arith.constant 2048 : i32
    %mul3A_2 = arith.muli %add3A, %mul3A_1 : i32
    %dma_start3A = arith.constant 0 : i32
    %dma_start3A_3 = arith.constant 0 : i32
    %dma_start3A_4 = arith.constant 0 : i32
    %dma_start3A_5 = tpu.memref_slice %arg6[%dma_start3A, %dma_start3A_3, %dma_start3A_4] : memref<2x128x216xf32, #tpu.memory_space<vmem>> -> memref<1x128x216xf32, #tpu.memory_space<vmem>>
    %dma_start3A_6 = tpu.memref_squeeze %dma_start3A_5 : memref<1x128x216xf32, #tpu.memory_space<vmem>> -> memref<128x216xf32, #tpu.memory_space<vmem>>
    %dma_start3A_7 = arith.constant 0 : i32
    %dma_start3A_8 = tpu.memref_slice %arg2[%mul3A_2, %dma_start3A_7] : memref<65536x216xf32, #tpu.memory_space<hbm>> -> memref<128x216xf32, #tpu.memory_space<hbm>>
    %dma_start3A_9 = arith.constant 0 : i32
    %dma_start3A_10 = arith.constant 0 : i32
    %dma_start3A_11 = tpu.memref_slice %arg6[%dma_start3A, %dma_start3A_9, %dma_start3A_10] : memref<2x128x216xf32, #tpu.memory_space<vmem>> -> memref<1x128x216xf32, #tpu.memory_space<vmem>>
    %dma_start3A_12 = tpu.memref_squeeze %dma_start3A_11 : memref<1x128x216xf32, #tpu.memory_space<vmem>> -> memref<128x216xf32, #tpu.memory_space<vmem>>
    %dma_start3A_13 = arith.constant 0 : i32
    %dma_start3A_14 = tpu.memref_slice %arg2[%mul3A_2, %dma_start3A_13] : memref<65536x216xf32, #tpu.memory_space<hbm>> -> memref<128x216xf32, #tpu.memory_space<hbm>>
    tpu.enqueue_dma source(%dma_start3A_14 : memref<128x216xf32, #tpu.memory_space<hbm>>) target(%dma_start3A_12 : memref<128x216xf32, #tpu.memory_space<vmem>>) target_semaphore(%arg12 : memref<!tpu.dma_semaphore, #tpu.memory_space<semaphore_mem>>)
    %add3A_15 = arith.constant 128 : i32
    %add3A_16 = arith.addi %mul3A_2, %add3A_15 : i32
    %dma_start3A_17 = arith.constant 1 : i32
    %dma_start3A_18 = arith.constant 0 : i32
    %dma_start3A_19 = arith.constant 0 : i32
    %dma_start3A_20 = tpu.memref_slice %arg6[%dma_start3A_17, %dma_start3A_18, %dma_start3A_19] : memref<2x128x216xf32, #tpu.memory_space<vmem>> -> memref<1x128x216xf32, #tpu.memory_space<vmem>>
    %dma_start3A_21 = tpu.memref_squeeze %dma_start3A_20 : memref<1x128x216xf32, #tpu.memory_space<vmem>> -> memref<128x216xf32, #tpu.memory_space<vmem>>
    %dma_start3A_22 = arith.constant 0 : i32
    %dma_start3A_23 = tpu.memref_slice %arg2[%add3A_16, %dma_start3A_22] : memref<65536x216xf32, #tpu.memory_space<hbm>> -> memref<128x216xf32, #tpu.memory_space<hbm>>
    %dma_start3A_24 = arith.constant 0 : i32
    %dma_start3A_25 = arith.constant 0 : i32
    %dma_start3A_26 = tpu.memref_slice %arg6[%dma_start3A_17, %dma_start3A_24, %dma_start3A_25] : memref<2x128x216xf32, #tpu.memory_space<vmem>> -> memref<1x128x216xf32, #tpu.memory_space<vmem>>
    %dma_start3A_27 = tpu.memref_squeeze %dma_start3A_26 : memref<1x128x216xf32, #tpu.memory_space<vmem>> -> memref<128x216xf32, #tpu.memory_space<vmem>>
    %dma_start3A_28 = arith.constant 0 : i32
    %dma_start3A_29 = tpu.memref_slice %arg2[%add3A_16, %dma_start3A_28] : memref<65536x216xf32, #tpu.memory_space<hbm>> -> memref<128x216xf32, #tpu.memory_space<hbm>>
    tpu.enqueue_dma source(%dma_start3A_29 : memref<128x216xf32, #tpu.memory_space<hbm>>) target(%dma_start3A_27 : memref<128x216xf32, #tpu.memory_space<vmem>>) target_semaphore(%arg13 : memref<!tpu.dma_semaphore, #tpu.memory_space<semaphore_mem>>)
    %dma_wait3A = arith.constant 0 : i32
    %dma_wait3A_30 = arith.constant 0 : i32
    %dma_wait3A_31 = arith.constant 0 : i32
    %dma_wait3A_32 = tpu.memref_slice %arg6[%dma_wait3A, %dma_wait3A_30, %dma_wait3A_31] : memref<2x128x216xf32, #tpu.memory_space<vmem>> -> memref<1x128x216xf32, #tpu.memory_space<vmem>>
    %dma_wait3A_33 = tpu.memref_squeeze %dma_wait3A_32 : memref<1x128x216xf32, #tpu.memory_space<vmem>> -> memref<128x216xf32, #tpu.memory_space<vmem>>
    %dma_wait3A_34 = arith.constant 0 : i32
    %dma_wait3A_35 = tpu.memref_slice %arg2[%mul3A_2, %dma_wait3A_34] : memref<65536x216xf32, #tpu.memory_space<hbm>> -> memref<128x216xf32, #tpu.memory_space<hbm>>
    %dma_wait3A_36 = arith.constant 0 : i32
    %dma_wait3A_37 = arith.constant 0 : i32
    %dma_wait3A_38 = tpu.memref_slice %arg6[%dma_wait3A, %dma_wait3A_36, %dma_wait3A_37] : memref<2x128x216xf32, #tpu.memory_space<vmem>> -> memref<1x128x216xf32, #tpu.memory_space<vmem>>
    %dma_wait3A_39 = tpu.memref_squeeze %dma_wait3A_38 : memref<1x128x216xf32, #tpu.memory_space<vmem>> -> memref<128x216xf32, #tpu.memory_space<vmem>>
    %dma_wait3A_40 = arith.constant 0 : i32
    %dma_wait3A_41 = tpu.memref_slice %arg2[%mul3A_2, %dma_wait3A_40] : memref<65536x216xf32, #tpu.memory_space<hbm>> -> memref<128x216xf32, #tpu.memory_space<hbm>>
    tpu.wait_dma2 semaphore(%arg12 : memref<!tpu.dma_semaphore, #tpu.memory_space<semaphore_mem>>) src(%dma_wait3A_41 : memref<128x216xf32, #tpu.memory_space<hbm>>) dst(%dma_wait3A_39 : memref<128x216xf32, #tpu.memory_space<vmem>>)
    %add3A_42 = arith.constant 0 : i32
    %add3A_43 = arith.addi %mul3A_2, %add3A_42 : i32
    %dma_start3A_44 = arith.constant 0 : i32
    %dma_start3A_45 = arith.constant 0 : i32
    %dma_start3A_46 = arith.constant 0 : i32
    %dma_start3A_47 = tpu.memref_slice %arg6[%dma_start3A_44, %dma_start3A_45, %dma_start3A_46] : memref<2x128x216xf32, #tpu.memory_space<vmem>> -> memref<1x128x216xf32, #tpu.memory_space<vmem>>
    %dma_start3A_48 = tpu.memref_squeeze %dma_start3A_47 : memref<1x128x216xf32, #tpu.memory_space<vmem>> -> memref<128x216xf32, #tpu.memory_space<vmem>>
    %dma_start3A_49 = arith.constant 0 : i32
    %dma_start3A_50 = tpu.memref_slice %arg5[%add3A_43, %dma_start3A_49] : memref<65544x216xf32, #tpu.memory_space<hbm>> -> memref<128x216xf32, #tpu.memory_space<hbm>>
    %dma_start3A_51 = arith.constant 0 : i32
    %dma_start3A_52 = tpu.memref_slice %arg5[%add3A_43, %dma_start3A_51] : memref<65544x216xf32, #tpu.memory_space<hbm>> -> memref<128x216xf32, #tpu.memory_space<hbm>>
    %dma_start3A_53 = arith.constant 0 : i32
    %dma_start3A_54 = arith.constant 0 : i32
    %dma_start3A_55 = tpu.memref_slice %arg6[%dma_start3A_44, %dma_start3A_53, %dma_start3A_54] : memref<2x128x216xf32, #tpu.memory_space<vmem>> -> memref<1x128x216xf32, #tpu.memory_space<vmem>>
    %dma_start3A_56 = tpu.memref_squeeze %dma_start3A_55 : memref<1x128x216xf32, #tpu.memory_space<vmem>> -> memref<128x216xf32, #tpu.memory_space<vmem>>
    tpu.enqueue_dma source(%dma_start3A_56 : memref<128x216xf32, #tpu.memory_space<vmem>>) target(%dma_start3A_52 : memref<128x216xf32, #tpu.memory_space<hbm>>) target_semaphore(%arg14 : memref<!tpu.dma_semaphore, #tpu.memory_space<semaphore_mem>>)
    %dma_wait3A_57 = arith.constant 0 : i32
    %dma_wait3A_58 = arith.constant 0 : i32
    %dma_wait3A_59 = arith.constant 0 : i32
    %dma_wait3A_60 = tpu.memref_slice %arg6[%dma_wait3A_57, %dma_wait3A_58, %dma_wait3A_59] : memref<2x128x216xf32, #tpu.memory_space<vmem>> -> memref<1x128x216xf32, #tpu.memory_space<vmem>>
    %dma_wait3A_61 = tpu.memref_squeeze %dma_wait3A_60 : memref<1x128x216xf32, #tpu.memory_space<vmem>> -> memref<128x216xf32, #tpu.memory_space<vmem>>
    %dma_wait3A_62 = arith.constant 0 : i32
    %dma_wait3A_63 = tpu.memref_slice %arg5[%add3A_43, %dma_wait3A_62] : memref<65544x216xf32, #tpu.memory_space<hbm>> -> memref<128x216xf32, #tpu.memory_space<hbm>>
    %dma_wait3A_64 = arith.constant 0 : i32
    %dma_wait3A_65 = tpu.memref_slice %arg5[%add3A_43, %dma_wait3A_64] : memref<65544x216xf32, #tpu.memory_space<hbm>> -> memref<128x216xf32, #tpu.memory_space<hbm>>
    %dma_wait3A_66 = arith.constant 0 : i32
    %dma_wait3A_67 = arith.constant 0 : i32
    %dma_wait3A_68 = tpu.memref_slice %arg6[%dma_wait3A_57, %dma_wait3A_66, %dma_wait3A_67] : memref<2x128x216xf32, #tpu.memory_space<vmem>> -> memref<1x128x216xf32, #tpu.memory_space<vmem>>
    %dma_wait3A_69 = tpu.memref_squeeze %dma_wait3A_68 : memref<1x128x216xf32, #tpu.memory_space<vmem>> -> memref<128x216xf32, #tpu.memory_space<vmem>>
    tpu.wait_dma2 semaphore(%arg14 : memref<!tpu.dma_semaphore, #tpu.memory_space<semaphore_mem>>) src(%dma_wait3A_69 : memref<128x216xf32, #tpu.memory_space<vmem>>) dst(%dma_wait3A_65 : memref<128x216xf32, #tpu.memory_space<hbm>>)
    %add3A_70 = arith.constant 256 : i32
    %add3A_71 = arith.addi %mul3A_2, %add3A_70 : i32
    %dma_start3A_72 = arith.constant 0 : i32
    %dma_start3A_73 = arith.constant 0 : i32
    %dma_start3A_74 = arith.constant 0 : i32
    %dma_start3A_75 = tpu.memref_slice %arg6[%dma_start3A_72, %dma_start3A_73, %dma_start3A_74] : memref<2x128x216xf32, #tpu.memory_space<vmem>> -> memref<1x128x216xf32, #tpu.memory_space<vmem>>
    %dma_start3A_76 = tpu.memref_squeeze %dma_start3A_75 : memref<1x128x216xf32, #tpu.memory_space<vmem>> -> memref<128x216xf32, #tpu.memory_space<vmem>>
    %dma_start3A_77 = arith.constant 0 : i32
    %dma_start3A_78 = tpu.memref_slice %arg2[%add3A_71, %dma_start3A_77] : memref<65536x216xf32, #tpu.memory_space<hbm>> -> memref<128x216xf32, #tpu.memory_space<hbm>>
    %dma_start3A_79 = arith.constant 0 : i32
    %dma_start3A_80 = arith.constant 0 : i32
    %dma_start3A_81 = tpu.memref_slice %arg6[%dma_start3A_72, %dma_start3A_79, %dma_start3A_80] : memref<2x128x216xf32, #tpu.memory_space<vmem>> -> memref<1x128x216xf32, #tpu.memory_space<vmem>>
    %dma_start3A_82 = tpu.memref_squeeze %dma_start3A_81 : memref<1x128x216xf32, #tpu.memory_space<vmem>> -> memref<128x216xf32, #tpu.memory_space<vmem>>
    %dma_start3A_83 = arith.constant 0 : i32
    %dma_start3A_84 = tpu.memref_slice %arg2[%add3A_71, %dma_start3A_83] : memref<65536x216xf32, #tpu.memory_space<hbm>> -> memref<128x216xf32, #tpu.memory_space<hbm>>
    tpu.enqueue_dma source(%dma_start3A_84 : memref<128x216xf32, #tpu.memory_space<hbm>>) target(%dma_start3A_82 : memref<128x216xf32, #tpu.memory_space<vmem>>) target_semaphore(%arg12 : memref<!tpu.dma_semaphore, #tpu.memory_space<semaphore_mem>>)
    %dma_wait3A_85 = arith.constant 1 : i32
    %dma_wait3A_86 = arith.constant 0 : i32
    %dma_wait3A_87 = arith.constant 0 : i32
    %dma_wait3A_88 = tpu.memref_slice %arg6[%dma_wait3A_85, %dma_wait3A_86, %dma_wait3A_87] : memref<2x128x216xf32, #tpu.memory_space<vmem>> -> memref<1x128x216xf32, #tpu.memory_space<vmem>>
    %dma_wait3A_89 = tpu.memref_squeeze %dma_wait3A_88 : memref<1x128x216xf32, #tpu.memory_space<vmem>> -> memref<128x216xf32, #tpu.memory_space<vmem>>
    %dma_wait3A_90 = arith.constant 0 : i32
    %dma_wait3A_91 = tpu.memref_slice %arg2[%add3A_16, %dma_wait3A_90] : memref<65536x216xf32, #tpu.memory_space<hbm>> -> memref<128x216xf32, #tpu.memory_space<hbm>>
    %dma_wait3A_92 = arith.constant 0 : i32
    %dma_wait3A_93 = arith.constant 0 : i32
    %dma_wait3A_94 = tpu.memref_slice %arg6[%dma_wait3A_85, %dma_wait3A_92, %dma_wait3A_93] : memref<2x128x216xf32, #tpu.memory_space<vmem>> -> memref<1x128x216xf32, #tpu.memory_space<vmem>>
    %dma_wait3A_95 = tpu.memref_squeeze %dma_wait3A_94 : memref<1x128x216xf32, #tpu.memory_space<vmem>> -> memref<128x216xf32, #tpu.memory_space<vmem>>
    %dma_wait3A_96 = arith.constant 0 : i32
    %dma_wait3A_97 = tpu.memref_slice %arg2[%add3A_16, %dma_wait3A_96] : memref<65536x216xf32, #tpu.memory_space<hbm>> -> memref<128x216xf32, #tpu.memory_space<hbm>>
    tpu.wait_dma2 semaphore(%arg13 : memref<!tpu.dma_semaphore, #tpu.memory_space<semaphore_mem>>) src(%dma_wait3A_97 : memref<128x216xf32, #tpu.memory_space<hbm>>) dst(%dma_wait3A_95 : memref<128x216xf32, #tpu.memory_space<vmem>>)
    %add3A_98 = arith.constant 128 : i32
    %add3A_99 = arith.addi %mul3A_2, %add3A_98 : i32
    %dma_start3A_100 = arith.constant 1 : i32
    %dma_start3A_101 = arith.constant 0 : i32
    %dma_start3A_102 = arith.constant 0 : i32
    %dma_start3A_103 = tpu.memref_slice %arg6[%dma_start3A_100, %dma_start3A_101, %dma_start3A_102] : memref<2x128x216xf32, #tpu.memory_space<vmem>> -> memref<1x128x216xf32, #tpu.memory_space<vmem>>
    %dma_start3A_104 = tpu.memref_squeeze %dma_start3A_103 : memref<1x128x216xf32, #tpu.memory_space<vmem>> -> memref<128x216xf32, #tpu.memory_space<vmem>>
    %dma_start3A_105 = arith.constant 0 : i32
    %dma_start3A_106 = tpu.memref_slice %arg5[%add3A_99, %dma_start3A_105] : memref<65544x216xf32, #tpu.memory_space<hbm>> -> memref<128x216xf32, #tpu.memory_space<hbm>>
    %dma_start3A_107 = arith.constant 0 : i32
    %dma_start3A_108 = tpu.memref_slice %arg5[%add3A_99, %dma_start3A_107] : memref<65544x216xf32, #tpu.memory_space<hbm>> -> memref<128x216xf32, #tpu.memory_space<hbm>>
    %dma_start3A_109 = arith.constant 0 : i32
    %dma_start3A_110 = arith.constant 0 : i32
    %dma_start3A_111 = tpu.memref_slice %arg6[%dma_start3A_100, %dma_start3A_109, %dma_start3A_110] : memref<2x128x216xf32, #tpu.memory_space<vmem>> -> memref<1x128x216xf32, #tpu.memory_space<vmem>>
    %dma_start3A_112 = tpu.memref_squeeze %dma_start3A_111 : memref<1x128x216xf32, #tpu.memory_space<vmem>> -> memref<128x216xf32, #tpu.memory_space<vmem>>
    tpu.enqueue_dma source(%dma_start3A_112 : memref<128x216xf32, #tpu.memory_space<vmem>>) target(%dma_start3A_108 : memref<128x216xf32, #tpu.memory_space<hbm>>) target_semaphore(%arg15 : memref<!tpu.dma_semaphore, #tpu.memory_space<semaphore_mem>>)
    %dma_wait3A_113 = arith.constant 1 : i32
    %dma_wait3A_114 = arith.constant 0 : i32
    %dma_wait3A_115 = arith.constant 0 : i32
    %dma_wait3A_116 = tpu.memref_slice %arg6[%dma_wait3A_113, %dma_wait3A_114, %dma_wait3A_115] : memref<2x128x216xf32, #tpu.memory_space<vmem>> -> memref<1x128x216xf32, #tpu.memory_space<vmem>>
    %dma_wait3A_117 = tpu.memref_squeeze %dma_wait3A_116 : memref<1x128x216xf32, #tpu.memory_space<vmem>> -> memref<128x216xf32, #tpu.memory_space<vmem>>
    %dma_wait3A_118 = arith.constant 0 : i32
    %dma_wait3A_119 = tpu.memref_slice %arg5[%add3A_99, %dma_wait3A_118] : memref<65544x216xf32, #tpu.memory_space<hbm>> -> memref<128x216xf32, #tpu.memory_space<hbm>>
    %dma_wait3A_120 = arith.constant 0 : i32
    %dma_wait3A_121 = tpu.memref_slice %arg5[%add3A_99, %dma_wait3A_120] : memref<65544x216xf32, #tpu.memory_space<hbm>> -> memref<128x216xf32, #tpu.memory_space<hbm>>
    %dma_wait3A_122 = arith.constant 0 : i32
    %dma_wait3A_123 = arith.constant 0 : i32
    %dma_wait3A_124 = tpu.memref_slice %arg6[%dma_wait3A_113, %dma_wait3A_122, %dma_wait3A_123] : memref<2x128x216xf32, #tpu.memory_space<vmem>> -> memref<1x128x216xf32, #tpu.memory_space<vmem>>
    %dma_wait3A_125 = tpu.memref_squeeze %dma_wait3A_124 : memref<1x128x216xf32, #tpu.memory_space<vmem>> -> memref<128x216xf32, #tpu.memory_space<vmem>>
    tpu.wait_dma2 semaphore(%arg15 : memref<!tpu.dma_semaphore, #tpu.memory_space<semaphore_mem>>) src(%dma_wait3A_125 : memref<128x216xf32, #tpu.memory_space<vmem>>) dst(%dma_wait3A_121 : memref<128x216xf32, #tpu.memory_space<hbm>>)
    %add3A_126 = arith.constant 384 : i32
    %add3A_127 = arith.addi %mul3A_2, %add3A_126 : i32
    %dma_start3A_128 = arith.constant 1 : i32
    %dma_start3A_129 = arith.constant 0 : i32
    %dma_start3A_130 = arith.constant 0 : i32
    %dma_start3A_131 = tpu.memref_slice %arg6[%dma_start3A_128, %dma_start3A_129, %dma_start3A_130] : memref<2x128x216xf32, #tpu.memory_space<vmem>> -> memref<1x128x216xf32, #tpu.memory_space<vmem>>
    %dma_start3A_132 = tpu.memref_squeeze %dma_start3A_131 : memref<1x128x216xf32, #tpu.memory_space<vmem>> -> memref<128x216xf32, #tpu.memory_space<vmem>>
    %dma_start3A_133 = arith.constant 0 : i32
    %dma_start3A_134 = tpu.memref_slice %arg2[%add3A_127, %dma_start3A_133] : memref<65536x216xf32, #tpu.memory_space<hbm>> -> memref<128x216xf32, #tpu.memory_space<hbm>>
    %dma_start3A_135 = arith.constant 0 : i32
    %dma_start3A_136 = arith.constant 0 : i32
    %dma_start3A_137 = tpu.memref_slice %arg6[%dma_start3A_128, %dma_start3A_135, %dma_start3A_136] : memref<2x128x216xf32, #tpu.memory_space<vmem>> -> memref<1x128x216xf32, #tpu.memory_space<vmem>>
    %dma_start3A_138 = tpu.memref_squeeze %dma_start3A_137 : memref<1x128x216xf32, #tpu.memory_space<vmem>> -> memref<128x216xf32, #tpu.memory_space<vmem>>
    %dma_start3A_139 = arith.constant 0 : i32
    %dma_start3A_140 = tpu.memref_slice %arg2[%add3A_127, %dma_start3A_139] : memref<65536x216xf32, #tpu.memory_space<hbm>> -> memref<128x216xf32, #tpu.memory_space<hbm>>
    tpu.enqueue_dma source(%dma_start3A_140 : memref<128x216xf32, #tpu.memory_space<hbm>>) target(%dma_start3A_138 : memref<128x216xf32, #tpu.memory_space<vmem>>) target_semaphore(%arg13 : memref<!tpu.dma_semaphore, #tpu.memory_space<semaphore_mem>>)
    %dma_wait3A_141 = arith.constant 0 : i32
    %dma_wait3A_142 = arith.constant 0 : i32
    %dma_wait3A_143 = arith.constant 0 : i32
    %dma_wait3A_144 = tpu.memref_slice %arg6[%dma_wait3A_141, %dma_wait3A_142, %dma_wait3A_143] : memref<2x128x216xf32, #tpu.memory_space<vmem>> -> memref<1x128x216xf32, #tpu.memory_space<vmem>>
    %dma_wait3A_145 = tpu.memref_squeeze %dma_wait3A_144 : memref<1x128x216xf32, #tpu.memory_space<vmem>> -> memref<128x216xf32, #tpu.memory_space<vmem>>
    %dma_wait3A_146 = arith.constant 0 : i32
    %dma_wait3A_147 = tpu.memref_slice %arg2[%add3A_71, %dma_wait3A_146] : memref<65536x216xf32, #tpu.memory_space<hbm>> -> memref<128x216xf32, #tpu.memory_space<hbm>>
    %dma_wait3A_148 = arith.constant 0 : i32
    %dma_wait3A_149 = arith.constant 0 : i32
    %dma_wait3A_150 = tpu.memref_slice %arg6[%dma_wait3A_141, %dma_wait3A_148, %dma_wait3A_149] : memref<2x128x216xf32, #tpu.memory_space<vmem>> -> memref<1x128x216xf32, #tpu.memory_space<vmem>>
    %dma_wait3A_151 = tpu.memref_squeeze %dma_wait3A_150 : memref<1x128x216xf32, #tpu.memory_space<vmem>> -> memref<128x216xf32, #tpu.memory_space<vmem>>
    %dma_wait3A_152 = arith.constant 0 : i32
    %dma_wait3A_153 = tpu.memref_slice %arg2[%add3A_71, %dma_wait3A_152] : memref<65536x216xf32, #tpu.memory_space<hbm>> -> memref<128x216xf32, #tpu.memory_space<hbm>>
    tpu.wait_dma2 semaphore(%arg12 : memref<!tpu.dma_semaphore, #tpu.memory_space<semaphore_mem>>) src(%dma_wait3A_153 : memref<128x216xf32, #tpu.memory_space<hbm>>) dst(%dma_wait3A_151 : memref<128x216xf32, #tpu.memory_space<vmem>>)
    %add3A_154 = arith.constant 256 : i32
    %add3A_155 = arith.addi %mul3A_2, %add3A_154 : i32
    %dma_start3A_156 = arith.constant 0 : i32
    %dma_start3A_157 = arith.constant 0 : i32
    %dma_start3A_158 = arith.constant 0 : i32
    %dma_start3A_159 = tpu.memref_slice %arg6[%dma_start3A_156, %dma_start3A_157, %dma_start3A_158] : memref<2x128x216xf32, #tpu.memory_space<vmem>> -> memref<1x128x216xf32, #tpu.memory_space<vmem>>
    %dma_start3A_160 = tpu.memref_squeeze %dma_start3A_159 : memref<1x128x216xf32, #tpu.memory_space<vmem>> -> memref<128x216xf32, #tpu.memory_space<vmem>>
    %dma_start3A_161 = arith.constant 0 : i32
    %dma_start3A_162 = tpu.memref_slice %arg5[%add3A_155, %dma_start3A_161] : memref<65544x216xf32, #tpu.memory_space<hbm>> -> memref<128x216xf32, #tpu.memory_space<hbm>>
    %dma_start3A_163 = arith.constant 0 : i32
    %dma_start3A_164 = tpu.memref_slice %arg5[%add3A_155, %dma_start3A_163] : memref<65544x216xf32, #tpu.memory_space<hbm>> -> memref<128x216xf32, #tpu.memory_space<hbm>>
    %dma_start3A_165 = arith.constant 0 : i32
    %dma_start3A_166 = arith.constant 0 : i32
    %dma_start3A_167 = tpu.memref_slice %arg6[%dma_start3A_156, %dma_start3A_165, %dma_start3A_166] : memref<2x128x216xf32, #tpu.memory_space<vmem>> -> memref<1x128x216xf32, #tpu.memory_space<vmem>>
    %dma_start3A_168 = tpu.memref_squeeze %dma_start3A_167 : memref<1x128x216xf32, #tpu.memory_space<vmem>> -> memref<128x216xf32, #tpu.memory_space<vmem>>
    tpu.enqueue_dma source(%dma_start3A_168 : memref<128x216xf32, #tpu.memory_space<vmem>>) target(%dma_start3A_164 : memref<128x216xf32, #tpu.memory_space<hbm>>) target_semaphore(%arg14 : memref<!tpu.dma_semaphore, #tpu.memory_space<semaphore_mem>>)
    %dma_wait3A_169 = arith.constant 0 : i32
    %dma_wait3A_170 = arith.constant 0 : i32
    %dma_wait3A_171 = arith.constant 0 : i32
    %dma_wait3A_172 = tpu.memref_slice %arg6[%dma_wait3A_169, %dma_wait3A_170, %dma_wait3A_171] : memref<2x128x216xf32, #tpu.memory_space<vmem>> -> memref<1x128x216xf32, #tpu.memory_space<vmem>>
    %dma_wait3A_173 = tpu.memref_squeeze %dma_wait3A_172 : memref<1x128x216xf32, #tpu.memory_space<vmem>> -> memref<128x216xf32, #tpu.memory_space<vmem>>
    %dma_wait3A_174 = arith.constant 0 : i32
    %dma_wait3A_175 = tpu.memref_slice %arg5[%add3A_155, %dma_wait3A_174] : memref<65544x216xf32, #tpu.memory_space<hbm>> -> memref<128x216xf32, #tpu.memory_space<hbm>>
    %dma_wait3A_176 = arith.constant 0 : i32
    %dma_wait3A_177 = tpu.memref_slice %arg5[%add3A_155, %dma_wait3A_176] : memref<65544x216xf32, #tpu.memory_space<hbm>> -> memref<128x216xf32, #tpu.memory_space<hbm>>
    %dma_wait3A_178 = arith.constant 0 : i32
    %dma_wait3A_179 = arith.constant 0 : i32
    %dma_wait3A_180 = tpu.memref_slice %arg6[%dma_wait3A_169, %dma_wait3A_178, %dma_wait3A_179] : memref<2x128x216xf32, #tpu.memory_space<vmem>> -> memref<1x128x216xf32, #tpu.memory_space<vmem>>
    %dma_wait3A_181 = tpu.memref_squeeze %dma_wait3A_180 : memref<1x128x216xf32, #tpu.memory_space<vmem>> -> memref<128x216xf32, #tpu.memory_space<vmem>>
    tpu.wait_dma2 semaphore(%arg14 : memref<!tpu.dma_semaphore, #tpu.memory_space<semaphore_mem>>) src(%dma_wait3A_181 : memref<128x216xf32, #tpu.memory_space<vmem>>) dst(%dma_wait3A_177 : memref<128x216xf32, #tpu.memory_space<hbm>>)
    %add3A_182 = arith.constant 512 : i32
    %add3A_183 = arith.addi %mul3A_2, %add3A_182 : i32
    %dma_start3A_184 = arith.constant 0 : i32
    %dma_start3A_185 = arith.constant 0 : i32
    %dma_start3A_186 = arith.constant 0 : i32
    %dma_start3A_187 = tpu.memref_slice %arg6[%dma_start3A_184, %dma_start3A_185, %dma_start3A_186] : memref<2x128x216xf32, #tpu.memory_space<vmem>> -> memref<1x128x216xf32, #tpu.memory_space<vmem>>
    %dma_start3A_188 = tpu.memref_squeeze %dma_start3A_187 : memref<1x128x216xf32, #tpu.memory_space<vmem>> -> memref<128x216xf32, #tpu.memory_space<vmem>>
    %dma_start3A_189 = arith.constant 0 : i32
    %dma_start3A_190 = tpu.memref_slice %arg2[%add3A_183, %dma_start3A_189] : memref<65536x216xf32, #tpu.memory_space<hbm>> -> memref<128x216xf32, #tpu.memory_space<hbm>>
    %dma_start3A_191 = arith.constant 0 : i32
    %dma_start3A_192 = arith.constant 0 : i32
    %dma_start3A_193 = tpu.memref_slice %arg6[%dma_start3A_184, %dma_start3A_191, %dma_start3A_192] : memref<2x128x216xf32, #tpu.memory_space<vmem>> -> memref<1x128x216xf32, #tpu.memory_space<vmem>>
    %dma_start3A_194 = tpu.memref_squeeze %dma_start3A_193 : memref<1x128x216xf32, #tpu.memory_space<vmem>> -> memref<128x216xf32, #tpu.memory_space<vmem>>
    %dma_start3A_195 = arith.constant 0 : i32
    %dma_start3A_196 = tpu.memref_slice %arg2[%add3A_183, %dma_start3A_195] : memref<65536x216xf32, #tpu.memory_space<hbm>> -> memref<128x216xf32, #tpu.memory_space<hbm>>
    tpu.enqueue_dma source(%dma_start3A_196 : memref<128x216xf32, #tpu.memory_space<hbm>>) target(%dma_start3A_194 : memref<128x216xf32, #tpu.memory_space<vmem>>) target_semaphore(%arg12 : memref<!tpu.dma_semaphore, #tpu.memory_space<semaphore_mem>>)
    %dma_wait3A_197 = arith.constant 1 : i32
    %dma_wait3A_198 = arith.constant 0 : i32
    %dma_wait3A_199 = arith.constant 0 : i32
    %dma_wait3A_200 = tpu.memref_slice %arg6[%dma_wait3A_197, %dma_wait3A_198, %dma_wait3A_199] : memref<2x128x216xf32, #tpu.memory_space<vmem>> -> memref<1x128x216xf32, #tpu.memory_space<vmem>>
    %dma_wait3A_201 = tpu.memref_squeeze %dma_wait3A_200 : memref<1x128x216xf32, #tpu.memory_space<vmem>> -> memref<128x216xf32, #tpu.memory_space<vmem>>
    %dma_wait3A_202 = arith.constant 0 : i32
    %dma_wait3A_203 = tpu.memref_slice %arg2[%add3A_127, %dma_wait3A_202] : memref<65536x216xf32, #tpu.memory_space<hbm>> -> memref<128x216xf32, #tpu.memory_space<hbm>>
    %dma_wait3A_204 = arith.constant 0 : i32
    %dma_wait3A_205 = arith.constant 0 : i32
    %dma_wait3A_206 = tpu.memref_slice %arg6[%dma_wait3A_197, %dma_wait3A_204, %dma_wait3A_205] : memref<2x128x216xf32, #tpu.memory_space<vmem>> -> memref<1x128x216xf32, #tpu.memory_space<vmem>>
    %dma_wait3A_207 = tpu.memref_squeeze %dma_wait3A_206 : memref<1x128x216xf32, #tpu.memory_space<vmem>> -> memref<128x216xf32, #tpu.memory_space<vmem>>
    %dma_wait3A_208 = arith.constant 0 : i32
    %dma_wait3A_209 = tpu.memref_slice %arg2[%add3A_127, %dma_wait3A_208] : memref<65536x216xf32, #tpu.memory_space<hbm>> -> memref<128x216xf32, #tpu.memory_space<hbm>>
    tpu.wait_dma2 semaphore(%arg13 : memref<!tpu.dma_semaphore, #tpu.memory_space<semaphore_mem>>) src(%dma_wait3A_209 : memref<128x216xf32, #tpu.memory_space<hbm>>) dst(%dma_wait3A_207 : memref<128x216xf32, #tpu.memory_space<vmem>>)
    %add3A_210 = arith.constant 384 : i32
    %add3A_211 = arith.addi %mul3A_2, %add3A_210 : i32
    %dma_start3A_212 = arith.constant 1 : i32
    %dma_start3A_213 = arith.constant 0 : i32
    %dma_start3A_214 = arith.constant 0 : i32
    %dma_start3A_215 = tpu.memref_slice %arg6[%dma_start3A_212, %dma_start3A_213, %dma_start3A_214] : memref<2x128x216xf32, #tpu.memory_space<vmem>> -> memref<1x128x216xf32, #tpu.memory_space<vmem>>
    %dma_start3A_216 = tpu.memref_squeeze %dma_start3A_215 : memref<1x128x216xf32, #tpu.memory_space<vmem>> -> memref<128x216xf32, #tpu.memory_space<vmem>>
    %dma_start3A_217 = arith.constant 0 : i32
    %dma_start3A_218 = tpu.memref_slice %arg5[%add3A_211, %dma_start3A_217] : memref<65544x216xf32, #tpu.memory_space<hbm>> -> memref<128x216xf32, #tpu.memory_space<hbm>>
    %dma_start3A_219 = arith.constant 0 : i32
    %dma_start3A_220 = tpu.memref_slice %arg5[%add3A_211, %dma_start3A_219] : memref<65544x216xf32, #tpu.memory_space<hbm>> -> memref<128x216xf32, #tpu.memory_space<hbm>>
    %dma_start3A_221 = arith.constant 0 : i32
    %dma_start3A_222 = arith.constant 0 : i32
    %dma_start3A_223 = tpu.memref_slice %arg6[%dma_start3A_212, %dma_start3A_221, %dma_start3A_222] : memref<2x128x216xf32, #tpu.memory_space<vmem>> -> memref<1x128x216xf32, #tpu.memory_space<vmem>>
    %dma_start3A_224 = tpu.memref_squeeze %dma_start3A_223 : memref<1x128x216xf32, #tpu.memory_space<vmem>> -> memref<128x216xf32, #tpu.memory_space<vmem>>
    tpu.enqueue_dma source(%dma_start3A_224 : memref<128x216xf32, #tpu.memory_space<vmem>>) target(%dma_start3A_220 : memref<128x216xf32, #tpu.memory_space<hbm>>) target_semaphore(%arg15 : memref<!tpu.dma_semaphore, #tpu.memory_space<semaphore_mem>>)
    %dma_wait3A_225 = arith.constant 1 : i32
    %dma_wait3A_226 = arith.constant 0 : i32
    %dma_wait3A_227 = arith.constant 0 : i32
    %dma_wait3A_228 = tpu.memref_slice %arg6[%dma_wait3A_225, %dma_wait3A_226, %dma_wait3A_227] : memref<2x128x216xf32, #tpu.memory_space<vmem>> -> memref<1x128x216xf32, #tpu.memory_space<vmem>>
    %dma_wait3A_229 = tpu.memref_squeeze %dma_wait3A_228 : memref<1x128x216xf32, #tpu.memory_space<vmem>> -> memref<128x216xf32, #tpu.memory_space<vmem>>
    %dma_wait3A_230 = arith.constant 0 : i32
    %dma_wait3A_231 = tpu.memref_slice %arg5[%add3A_211, %dma_wait3A_230] : memref<65544x216xf32, #tpu.memory_space<hbm>> -> memref<128x216xf32, #tpu.memory_space<hbm>>
    %dma_wait3A_232 = arith.constant 0 : i32
    %dma_wait3A_233 = tpu.memref_slice %arg5[%add3A_211, %dma_wait3A_232] : memref<65544x216xf32, #tpu.memory_space<hbm>> -> memref<128x216xf32, #tpu.memory_space<hbm>>
    %dma_wait3A_234 = arith.constant 0 : i32
    %dma_wait3A_235 = arith.constant 0 : i32
    %dma_wait3A_236 = tpu.memref_slice %arg6[%dma_wait3A_225, %dma_wait3A_234, %dma_wait3A_235] : memref<2x128x216xf32, #tpu.memory_space<vmem>> -> memref<1x128x216xf32, #tpu.memory_space<vmem>>
    %dma_wait3A_237 = tpu.memref_squeeze %dma_wait3A_236 : memref<1x128x216xf32, #tpu.memory_space<vmem>> -> memref<128x216xf32, #tpu.memory_space<vmem>>
    tpu.wait_dma2 semaphore(%arg15 : memref<!tpu.dma_semaphore, #tpu.memory_space<semaphore_mem>>) src(%dma_wait3A_237 : memref<128x216xf32, #tpu.memory_space<vmem>>) dst(%dma_wait3A_233 : memref<128x216xf32, #tpu.memory_space<hbm>>)
    %add3A_238 = arith.constant 640 : i32
    %add3A_239 = arith.addi %mul3A_2, %add3A_238 : i32
    %dma_start3A_240 = arith.constant 1 : i32
    %dma_start3A_241 = arith.constant 0 : i32
    %dma_start3A_242 = arith.constant 0 : i32
    %dma_start3A_243 = tpu.memref_slice %arg6[%dma_start3A_240, %dma_start3A_241, %dma_start3A_242] : memref<2x128x216xf32, #tpu.memory_space<vmem>> -> memref<1x128x216xf32, #tpu.memory_space<vmem>>
    %dma_start3A_244 = tpu.memref_squeeze %dma_start3A_243 : memref<1x128x216xf32, #tpu.memory_space<vmem>> -> memref<128x216xf32, #tpu.memory_space<vmem>>
    %dma_start3A_245 = arith.constant 0 : i32
    %dma_start3A_246 = tpu.memref_slice %arg2[%add3A_239, %dma_start3A_245] : memref<65536x216xf32, #tpu.memory_space<hbm>> -> memref<128x216xf32, #tpu.memory_space<hbm>>
    %dma_start3A_247 = arith.constant 0 : i32
    %dma_start3A_248 = arith.constant 0 : i32
    %dma_start3A_249 = tpu.memref_slice %arg6[%dma_start3A_240, %dma_start3A_247, %dma_start3A_248] : memref<2x128x216xf32, #tpu.memory_space<vmem>> -> memref<1x128x216xf32, #tpu.memory_space<vmem>>
    %dma_start3A_250 = tpu.memref_squeeze %dma_start3A_249 : memref<1x128x216xf32, #tpu.memory_space<vmem>> -> memref<128x216xf32, #tpu.memory_space<vmem>>
    %dma_start3A_251 = arith.constant 0 : i32
    %dma_start3A_252 = tpu.memref_slice %arg2[%add3A_239, %dma_start3A_251] : memref<65536x216xf32, #tpu.memory_space<hbm>> -> memref<128x216xf32, #tpu.memory_space<hbm>>
    tpu.enqueue_dma source(%dma_start3A_252 : memref<128x216xf32, #tpu.memory_space<hbm>>) target(%dma_start3A_250 : memref<128x216xf32, #tpu.memory_space<vmem>>) target_semaphore(%arg13 : memref<!tpu.dma_semaphore, #tpu.memory_space<semaphore_mem>>)
    %dma_wait3A_253 = arith.constant 0 : i32
    %dma_wait3A_254 = arith.constant 0 : i32
    %dma_wait3A_255 = arith.constant 0 : i32
    %dma_wait3A_256 = tpu.memref_slice %arg6[%dma_wait3A_253, %dma_wait3A_254, %dma_wait3A_255] : memref<2x128x216xf32, #tpu.memory_space<vmem>> -> memref<1x128x216xf32, #tpu.memory_space<vmem>>
    %dma_wait3A_257 = tpu.memref_squeeze %dma_wait3A_256 : memref<1x128x216xf32, #tpu.memory_space<vmem>> -> memref<128x216xf32, #tpu.memory_space<vmem>>
    %dma_wait3A_258 = arith.constant 0 : i32
    %dma_wait3A_259 = tpu.memref_slice %arg2[%add3A_183, %dma_wait3A_258] : memref<65536x216xf32, #tpu.memory_space<hbm>> -> memref<128x216xf32, #tpu.memory_space<hbm>>
    %dma_wait3A_260 = arith.constant 0 : i32
    %dma_wait3A_261 = arith.constant 0 : i32
    %dma_wait3A_262 = tpu.memref_slice %arg6[%dma_wait3A_253, %dma_wait3A_260, %dma_wait3A_261] : memref<2x128x216xf32, #tpu.memory_space<vmem>> -> memref<1x128x216xf32, #tpu.memory_space<vmem>>
    %dma_wait3A_263 = tpu.memref_squeeze %dma_wait3A_262 : memref<1x128x216xf32, #tpu.memory_space<vmem>> -> memref<128x216xf32, #tpu.memory_space<vmem>>
    %dma_wait3A_264 = arith.constant 0 : i32
    %dma_wait3A_265 = tpu.memref_slice %arg2[%add3A_183, %dma_wait3A_264] : memref<65536x216xf32, #tpu.memory_space<hbm>> -> memref<128x216xf32, #tpu.memory_space<hbm>>
    tpu.wait_dma2 semaphore(%arg12 : memref<!tpu.dma_semaphore, #tpu.memory_space<semaphore_mem>>) src(%dma_wait3A_265 : memref<128x216xf32, #tpu.memory_space<hbm>>) dst(%dma_wait3A_263 : memref<128x216xf32, #tpu.memory_space<vmem>>)
    %add3A_266 = arith.constant 512 : i32
    %add3A_267 = arith.addi %mul3A_2, %add3A_266 : i32
    %dma_start3A_268 = arith.constant 0 : i32
    %dma_start3A_269 = arith.constant 0 : i32
    %dma_start3A_270 = arith.constant 0 : i32
    %dma_start3A_271 = tpu.memref_slice %arg6[%dma_start3A_268, %dma_start3A_269, %dma_start3A_270] : memref<2x128x216xf32, #tpu.memory_space<vmem>> -> memref<1x128x216xf32, #tpu.memory_space<vmem>>
    %dma_start3A_272 = tpu.memref_squeeze %dma_start3A_271 : memref<1x128x216xf32, #tpu.memory_space<vmem>> -> memref<128x216xf32, #tpu.memory_space<vmem>>
    %dma_start3A_273 = arith.constant 0 : i32
    %dma_start3A_274 = tpu.memref_slice %arg5[%add3A_267, %dma_start3A_273] : memref<65544x216xf32, #tpu.memory_space<hbm>> -> memref<128x216xf32, #tpu.memory_space<hbm>>
    %dma_start3A_275 = arith.constant 0 : i32
    %dma_start3A_276 = tpu.memref_slice %arg5[%add3A_267, %dma_start3A_275] : memref<65544x216xf32, #tpu.memory_space<hbm>> -> memref<128x216xf32, #tpu.memory_space<hbm>>
    %dma_start3A_277 = arith.constant 0 : i32
    %dma_start3A_278 = arith.constant 0 : i32
    %dma_start3A_279 = tpu.memref_slice %arg6[%dma_start3A_268, %dma_start3A_277, %dma_start3A_278] : memref<2x128x216xf32, #tpu.memory_space<vmem>> -> memref<1x128x216xf32, #tpu.memory_space<vmem>>
    %dma_start3A_280 = tpu.memref_squeeze %dma_start3A_279 : memref<1x128x216xf32, #tpu.memory_space<vmem>> -> memref<128x216xf32, #tpu.memory_space<vmem>>
    tpu.enqueue_dma source(%dma_start3A_280 : memref<128x216xf32, #tpu.memory_space<vmem>>) target(%dma_start3A_276 : memref<128x216xf32, #tpu.memory_space<hbm>>) target_semaphore(%arg14 : memref<!tpu.dma_semaphore, #tpu.memory_space<semaphore_mem>>)
    %dma_wait3A_281 = arith.constant 0 : i32
    %dma_wait3A_282 = arith.constant 0 : i32
    %dma_wait3A_283 = arith.constant 0 : i32
    %dma_wait3A_284 = tpu.memref_slice %arg6[%dma_wait3A_281, %dma_wait3A_282, %dma_wait3A_283] : memref<2x128x216xf32, #tpu.memory_space<vmem>> -> memref<1x128x216xf32, #tpu.memory_space<vmem>>
    %dma_wait3A_285 = tpu.memref_squeeze %dma_wait3A_284 : memref<1x128x216xf32, #tpu.memory_space<vmem>> -> memref<128x216xf32, #tpu.memory_space<vmem>>
    %dma_wait3A_286 = arith.constant 0 : i32
    %dma_wait3A_287 = tpu.memref_slice %arg5[%add3A_267, %dma_wait3A_286] : memref<65544x216xf32, #tpu.memory_space<hbm>> -> memref<128x216xf32, #tpu.memory_space<hbm>>
    %dma_wait3A_288 = arith.constant 0 : i32
    %dma_wait3A_289 = tpu.memref_slice %arg5[%add3A_267, %dma_wait3A_288] : memref<65544x216xf32, #tpu.memory_space<hbm>> -> memref<128x216xf32, #tpu.memory_space<hbm>>
    %dma_wait3A_290 = arith.constant 0 : i32
    %dma_wait3A_291 = arith.constant 0 : i32
    %dma_wait3A_292 = tpu.memref_slice %arg6[%dma_wait3A_281, %dma_wait3A_290, %dma_wait3A_291] : memref<2x128x216xf32, #tpu.memory_space<vmem>> -> memref<1x128x216xf32, #tpu.memory_space<vmem>>
    %dma_wait3A_293 = tpu.memref_squeeze %dma_wait3A_292 : memref<1x128x216xf32, #tpu.memory_space<vmem>> -> memref<128x216xf32, #tpu.memory_space<vmem>>
    tpu.wait_dma2 semaphore(%arg14 : memref<!tpu.dma_semaphore, #tpu.memory_space<semaphore_mem>>) src(%dma_wait3A_293 : memref<128x216xf32, #tpu.memory_space<vmem>>) dst(%dma_wait3A_289 : memref<128x216xf32, #tpu.memory_space<hbm>>)
    %add3A_294 = arith.constant 768 : i32
    %add3A_295 = arith.addi %mul3A_2, %add3A_294 : i32
    %dma_start3A_296 = arith.constant 0 : i32
    %dma_start3A_297 = arith.constant 0 : i32
    %dma_start3A_298 = arith.constant 0 : i32
    %dma_start3A_299 = tpu.memref_slice %arg6[%dma_start3A_296, %dma_start3A_297, %dma_start3A_298] : memref<2x128x216xf32, #tpu.memory_space<vmem>> -> memref<1x128x216xf32, #tpu.memory_space<vmem>>
    %dma_start3A_300 = tpu.memref_squeeze %dma_start3A_299 : memref<1x128x216xf32, #tpu.memory_space<vmem>> -> memref<128x216xf32, #tpu.memory_space<vmem>>
    %dma_start3A_301 = arith.constant 0 : i32
    %dma_start3A_302 = tpu.memref_slice %arg2[%add3A_295, %dma_start3A_301] : memref<65536x216xf32, #tpu.memory_space<hbm>> -> memref<128x216xf32, #tpu.memory_space<hbm>>
    %dma_start3A_303 = arith.constant 0 : i32
    %dma_start3A_304 = arith.constant 0 : i32
    %dma_start3A_305 = tpu.memref_slice %arg6[%dma_start3A_296, %dma_start3A_303, %dma_start3A_304] : memref<2x128x216xf32, #tpu.memory_space<vmem>> -> memref<1x128x216xf32, #tpu.memory_space<vmem>>
    %dma_start3A_306 = tpu.memref_squeeze %dma_start3A_305 : memref<1x128x216xf32, #tpu.memory_space<vmem>> -> memref<128x216xf32, #tpu.memory_space<vmem>>
    %dma_start3A_307 = arith.constant 0 : i32
    %dma_start3A_308 = tpu.memref_slice %arg2[%add3A_295, %dma_start3A_307] : memref<65536x216xf32, #tpu.memory_space<hbm>> -> memref<128x216xf32, #tpu.memory_space<hbm>>
    tpu.enqueue_dma source(%dma_start3A_308 : memref<128x216xf32, #tpu.memory_space<hbm>>) target(%dma_start3A_306 : memref<128x216xf32, #tpu.memory_space<vmem>>) target_semaphore(%arg12 : memref<!tpu.dma_semaphore, #tpu.memory_space<semaphore_mem>>)
    %dma_wait3A_309 = arith.constant 1 : i32
    %dma_wait3A_310 = arith.constant 0 : i32
    %dma_wait3A_311 = arith.constant 0 : i32
    %dma_wait3A_312 = tpu.memref_slice %arg6[%dma_wait3A_309, %dma_wait3A_310, %dma_wait3A_311] : memref<2x128x216xf32, #tpu.memory_space<vmem>> -> memref<1x128x216xf32, #tpu.memory_space<vmem>>
    %dma_wait3A_313 = tpu.memref_squeeze %dma_wait3A_312 : memref<1x128x216xf32, #tpu.memory_space<vmem>> -> memref<128x216xf32, #tpu.memory_space<vmem>>
    %dma_wait3A_314 = arith.constant 0 : i32
    %dma_wait3A_315 = tpu.memref_slice %arg2[%add3A_239, %dma_wait3A_314] : memref<65536x216xf32, #tpu.memory_space<hbm>> -> memref<128x216xf32, #tpu.memory_space<hbm>>
    %dma_wait3A_316 = arith.constant 0 : i32
    %dma_wait3A_317 = arith.constant 0 : i32
    %dma_wait3A_318 = tpu.memref_slice %arg6[%dma_wait3A_309, %dma_wait3A_316, %dma_wait3A_317] : memref<2x128x216xf32, #tpu.memory_space<vmem>> -> memref<1x128x216xf32, #tpu.memory_space<vmem>>
    %dma_wait3A_319 = tpu.memref_squeeze %dma_wait3A_318 : memref<1x128x216xf32, #tpu.memory_space<vmem>> -> memref<128x216xf32, #tpu.memory_space<vmem>>
    %dma_wait3A_320 = arith.constant 0 : i32
    %dma_wait3A_321 = tpu.memref_slice %arg2[%add3A_239, %dma_wait3A_320] : memref<65536x216xf32, #tpu.memory_space<hbm>> -> memref<128x216xf32, #tpu.memory_space<hbm>>
    tpu.wait_dma2 semaphore(%arg13 : memref<!tpu.dma_semaphore, #tpu.memory_space<semaphore_mem>>) src(%dma_wait3A_321 : memref<128x216xf32, #tpu.memory_space<hbm>>) dst(%dma_wait3A_319 : memref<128x216xf32, #tpu.memory_space<vmem>>)
    %add3A_322 = arith.constant 640 : i32
    %add3A_323 = arith.addi %mul3A_2, %add3A_322 : i32
    %dma_start3A_324 = arith.constant 1 : i32
    %dma_start3A_325 = arith.constant 0 : i32
    %dma_start3A_326 = arith.constant 0 : i32
    %dma_start3A_327 = tpu.memref_slice %arg6[%dma_start3A_324, %dma_start3A_325, %dma_start3A_326] : memref<2x128x216xf32, #tpu.memory_space<vmem>> -> memref<1x128x216xf32, #tpu.memory_space<vmem>>
    %dma_start3A_328 = tpu.memref_squeeze %dma_start3A_327 : memref<1x128x216xf32, #tpu.memory_space<vmem>> -> memref<128x216xf32, #tpu.memory_space<vmem>>
    %dma_start3A_329 = arith.constant 0 : i32
    %dma_start3A_330 = tpu.memref_slice %arg5[%add3A_323, %dma_start3A_329] : memref<65544x216xf32, #tpu.memory_space<hbm>> -> memref<128x216xf32, #tpu.memory_space<hbm>>
    %dma_start3A_331 = arith.constant 0 : i32
    %dma_start3A_332 = tpu.memref_slice %arg5[%add3A_323, %dma_start3A_331] : memref<65544x216xf32, #tpu.memory_space<hbm>> -> memref<128x216xf32, #tpu.memory_space<hbm>>
    %dma_start3A_333 = arith.constant 0 : i32
    %dma_start3A_334 = arith.constant 0 : i32
    %dma_start3A_335 = tpu.memref_slice %arg6[%dma_start3A_324, %dma_start3A_333, %dma_start3A_334] : memref<2x128x216xf32, #tpu.memory_space<vmem>> -> memref<1x128x216xf32, #tpu.memory_space<vmem>>
    %dma_start3A_336 = tpu.memref_squeeze %dma_start3A_335 : memref<1x128x216xf32, #tpu.memory_space<vmem>> -> memref<128x216xf32, #tpu.memory_space<vmem>>
    tpu.enqueue_dma source(%dma_start3A_336 : memref<128x216xf32, #tpu.memory_space<vmem>>) target(%dma_start3A_332 : memref<128x216xf32, #tpu.memory_space<hbm>>) target_semaphore(%arg15 : memref<!tpu.dma_semaphore, #tpu.memory_space<semaphore_mem>>)
    %dma_wait3A_337 = arith.constant 1 : i32
    %dma_wait3A_338 = arith.constant 0 : i32
    %dma_wait3A_339 = arith.constant 0 : i32
    %dma_wait3A_340 = tpu.memref_slice %arg6[%dma_wait3A_337, %dma_wait3A_338, %dma_wait3A_339] : memref<2x128x216xf32, #tpu.memory_space<vmem>> -> memref<1x128x216xf32, #tpu.memory_space<vmem>>
    %dma_wait3A_341 = tpu.memref_squeeze %dma_wait3A_340 : memref<1x128x216xf32, #tpu.memory_space<vmem>> -> memref<128x216xf32, #tpu.memory_space<vmem>>
    %dma_wait3A_342 = arith.constant 0 : i32
    %dma_wait3A_343 = tpu.memref_slice %arg5[%add3A_323, %dma_wait3A_342] : memref<65544x216xf32, #tpu.memory_space<hbm>> -> memref<128x216xf32, #tpu.memory_space<hbm>>
    %dma_wait3A_344 = arith.constant 0 : i32
    %dma_wait3A_345 = tpu.memref_slice %arg5[%add3A_323, %dma_wait3A_344] : memref<65544x216xf32, #tpu.memory_space<hbm>> -> memref<128x216xf32, #tpu.memory_space<hbm>>
    %dma_wait3A_346 = arith.constant 0 : i32
    %dma_wait3A_347 = arith.constant 0 : i32
    %dma_wait3A_348 = tpu.memref_slice %arg6[%dma_wait3A_337, %dma_wait3A_346, %dma_wait3A_347] : memref<2x128x216xf32, #tpu.memory_space<vmem>> -> memref<1x128x216xf32, #tpu.memory_space<vmem>>
    %dma_wait3A_349 = tpu.memref_squeeze %dma_wait3A_348 : memref<1x128x216xf32, #tpu.memory_space<vmem>> -> memref<128x216xf32, #tpu.memory_space<vmem>>
    tpu.wait_dma2 semaphore(%arg15 : memref<!tpu.dma_semaphore, #tpu.memory_space<semaphore_mem>>) src(%dma_wait3A_349 : memref<128x216xf32, #tpu.memory_space<vmem>>) dst(%dma_wait3A_345 : memref<128x216xf32, #tpu.memory_space<hbm>>)
    %add3A_350 = arith.constant 896 : i32
    %add3A_351 = arith.addi %mul3A_2, %add3A_350 : i32
    %dma_start3A_352 = arith.constant 1 : i32
    %dma_start3A_353 = arith.constant 0 : i32
    %dma_start3A_354 = arith.constant 0 : i32
    %dma_start3A_355 = tpu.memref_slice %arg6[%dma_start3A_352, %dma_start3A_353, %dma_start3A_354] : memref<2x128x216xf32, #tpu.memory_space<vmem>> -> memref<1x128x216xf32, #tpu.memory_space<vmem>>
    %dma_start3A_356 = tpu.memref_squeeze %dma_start3A_355 : memref<1x128x216xf32, #tpu.memory_space<vmem>> -> memref<128x216xf32, #tpu.memory_space<vmem>>
    %dma_start3A_357 = arith.constant 0 : i32
    %dma_start3A_358 = tpu.memref_slice %arg2[%add3A_351, %dma_start3A_357] : memref<65536x216xf32, #tpu.memory_space<hbm>> -> memref<128x216xf32, #tpu.memory_space<hbm>>
    %dma_start3A_359 = arith.constant 0 : i32
    %dma_start3A_360 = arith.constant 0 : i32
    %dma_start3A_361 = tpu.memref_slice %arg6[%dma_start3A_352, %dma_start3A_359, %dma_start3A_360] : memref<2x128x216xf32, #tpu.memory_space<vmem>> -> memref<1x128x216xf32, #tpu.memory_space<vmem>>
    %dma_start3A_362 = tpu.memref_squeeze %dma_start3A_361 : memref<1x128x216xf32, #tpu.memory_space<vmem>> -> memref<128x216xf32, #tpu.memory_space<vmem>>
    %dma_start3A_363 = arith.constant 0 : i32
    %dma_start3A_364 = tpu.memref_slice %arg2[%add3A_351, %dma_start3A_363] : memref<65536x216xf32, #tpu.memory_space<hbm>> -> memref<128x216xf32, #tpu.memory_space<hbm>>
    tpu.enqueue_dma source(%dma_start3A_364 : memref<128x216xf32, #tpu.memory_space<hbm>>) target(%dma_start3A_362 : memref<128x216xf32, #tpu.memory_space<vmem>>) target_semaphore(%arg13 : memref<!tpu.dma_semaphore, #tpu.memory_space<semaphore_mem>>)
    %dma_wait3A_365 = arith.constant 0 : i32
    %dma_wait3A_366 = arith.constant 0 : i32
    %dma_wait3A_367 = arith.constant 0 : i32
    %dma_wait3A_368 = tpu.memref_slice %arg6[%dma_wait3A_365, %dma_wait3A_366, %dma_wait3A_367] : memref<2x128x216xf32, #tpu.memory_space<vmem>> -> memref<1x128x216xf32, #tpu.memory_space<vmem>>
    %dma_wait3A_369 = tpu.memref_squeeze %dma_wait3A_368 : memref<1x128x216xf32, #tpu.memory_space<vmem>> -> memref<128x216xf32, #tpu.memory_space<vmem>>
    %dma_wait3A_370 = arith.constant 0 : i32
    %dma_wait3A_371 = tpu.memref_slice %arg2[%add3A_295, %dma_wait3A_370] : memref<65536x216xf32, #tpu.memory_space<hbm>> -> memref<128x216xf32, #tpu.memory_space<hbm>>
    %dma_wait3A_372 = arith.constant 0 : i32
    %dma_wait3A_373 = arith.constant 0 : i32
    %dma_wait3A_374 = tpu.memref_slice %arg6[%dma_wait3A_365, %dma_wait3A_372, %dma_wait3A_373] : memref<2x128x216xf32, #tpu.memory_space<vmem>> -> memref<1x128x216xf32, #tpu.memory_space<vmem>>
    %dma_wait3A_375 = tpu.memref_squeeze %dma_wait3A_374 : memref<1x128x216xf32, #tpu.memory_space<vmem>> -> memref<128x216xf32, #tpu.memory_space<vmem>>
    %dma_wait3A_376 = arith.constant 0 : i32
    %dma_wait3A_377 = tpu.memref_slice %arg2[%add3A_295, %dma_wait3A_376] : memref<65536x216xf32, #tpu.memory_space<hbm>> -> memref<128x216xf32, #tpu.memory_space<hbm>>
    tpu.wait_dma2 semaphore(%arg12 : memref<!tpu.dma_semaphore, #tpu.memory_space<semaphore_mem>>) src(%dma_wait3A_377 : memref<128x216xf32, #tpu.memory_space<hbm>>) dst(%dma_wait3A_375 : memref<128x216xf32, #tpu.memory_space<vmem>>)
    %add3A_378 = arith.constant 768 : i32
    %add3A_379 = arith.addi %mul3A_2, %add3A_378 : i32
    %dma_start3A_380 = arith.constant 0 : i32
    %dma_start3A_381 = arith.constant 0 : i32
    %dma_start3A_382 = arith.constant 0 : i32
    %dma_start3A_383 = tpu.memref_slice %arg6[%dma_start3A_380, %dma_start3A_381, %dma_start3A_382] : memref<2x128x216xf32, #tpu.memory_space<vmem>> -> memref<1x128x216xf32, #tpu.memory_space<vmem>>
    %dma_start3A_384 = tpu.memref_squeeze %dma_start3A_383 : memref<1x128x216xf32, #tpu.memory_space<vmem>> -> memref<128x216xf32, #tpu.memory_space<vmem>>
    %dma_start3A_385 = arith.constant 0 : i32
    %dma_start3A_386 = tpu.memref_slice %arg5[%add3A_379, %dma_start3A_385] : memref<65544x216xf32, #tpu.memory_space<hbm>> -> memref<128x216xf32, #tpu.memory_space<hbm>>
    %dma_start3A_387 = arith.constant 0 : i32
    %dma_start3A_388 = tpu.memref_slice %arg5[%add3A_379, %dma_start3A_387] : memref<65544x216xf32, #tpu.memory_space<hbm>> -> memref<128x216xf32, #tpu.memory_space<hbm>>
    %dma_start3A_389 = arith.constant 0 : i32
    %dma_start3A_390 = arith.constant 0 : i32
    %dma_start3A_391 = tpu.memref_slice %arg6[%dma_start3A_380, %dma_start3A_389, %dma_start3A_390] : memref<2x128x216xf32, #tpu.memory_space<vmem>> -> memref<1x128x216xf32, #tpu.memory_space<vmem>>
    %dma_start3A_392 = tpu.memref_squeeze %dma_start3A_391 : memref<1x128x216xf32, #tpu.memory_space<vmem>> -> memref<128x216xf32, #tpu.memory_space<vmem>>
    tpu.enqueue_dma source(%dma_start3A_392 : memref<128x216xf32, #tpu.memory_space<vmem>>) target(%dma_start3A_388 : memref<128x216xf32, #tpu.memory_space<hbm>>) target_semaphore(%arg14 : memref<!tpu.dma_semaphore, #tpu.memory_space<semaphore_mem>>)
    %dma_wait3A_393 = arith.constant 0 : i32
    %dma_wait3A_394 = arith.constant 0 : i32
    %dma_wait3A_395 = arith.constant 0 : i32
    %dma_wait3A_396 = tpu.memref_slice %arg6[%dma_wait3A_393, %dma_wait3A_394, %dma_wait3A_395] : memref<2x128x216xf32, #tpu.memory_space<vmem>> -> memref<1x128x216xf32, #tpu.memory_space<vmem>>
    %dma_wait3A_397 = tpu.memref_squeeze %dma_wait3A_396 : memref<1x128x216xf32, #tpu.memory_space<vmem>> -> memref<128x216xf32, #tpu.memory_space<vmem>>
    %dma_wait3A_398 = arith.constant 0 : i32
    %dma_wait3A_399 = tpu.memref_slice %arg5[%add3A_379, %dma_wait3A_398] : memref<65544x216xf32, #tpu.memory_space<hbm>> -> memref<128x216xf32, #tpu.memory_space<hbm>>
    %dma_wait3A_400 = arith.constant 0 : i32
    %dma_wait3A_401 = tpu.memref_slice %arg5[%add3A_379, %dma_wait3A_400] : memref<65544x216xf32, #tpu.memory_space<hbm>> -> memref<128x216xf32, #tpu.memory_space<hbm>>
    %dma_wait3A_402 = arith.constant 0 : i32
    %dma_wait3A_403 = arith.constant 0 : i32
    %dma_wait3A_404 = tpu.memref_slice %arg6[%dma_wait3A_393, %dma_wait3A_402, %dma_wait3A_403] : memref<2x128x216xf32, #tpu.memory_space<vmem>> -> memref<1x128x216xf32, #tpu.memory_space<vmem>>
    %dma_wait3A_405 = tpu.memref_squeeze %dma_wait3A_404 : memref<1x128x216xf32, #tpu.memory_space<vmem>> -> memref<128x216xf32, #tpu.memory_space<vmem>>
    tpu.wait_dma2 semaphore(%arg14 : memref<!tpu.dma_semaphore, #tpu.memory_space<semaphore_mem>>) src(%dma_wait3A_405 : memref<128x216xf32, #tpu.memory_space<vmem>>) dst(%dma_wait3A_401 : memref<128x216xf32, #tpu.memory_space<hbm>>)
    %add3A_406 = arith.constant 1024 : i32
    %add3A_407 = arith.addi %mul3A_2, %add3A_406 : i32
    %dma_start3A_408 = arith.constant 0 : i32
    %dma_start3A_409 = arith.constant 0 : i32
    %dma_start3A_410 = arith.constant 0 : i32
    %dma_start3A_411 = tpu.memref_slice %arg6[%dma_start3A_408, %dma_start3A_409, %dma_start3A_410] : memref<2x128x216xf32, #tpu.memory_space<vmem>> -> memref<1x128x216xf32, #tpu.memory_space<vmem>>
    %dma_start3A_412 = tpu.memref_squeeze %dma_start3A_411 : memref<1x128x216xf32, #tpu.memory_space<vmem>> -> memref<128x216xf32, #tpu.memory_space<vmem>>
    %dma_start3A_413 = arith.constant 0 : i32
    %dma_start3A_414 = tpu.memref_slice %arg2[%add3A_407, %dma_start3A_413] : memref<65536x216xf32, #tpu.memory_space<hbm>> -> memref<128x216xf32, #tpu.memory_space<hbm>>
    %dma_start3A_415 = arith.constant 0 : i32
    %dma_start3A_416 = arith.constant 0 : i32
    %dma_start3A_417 = tpu.memref_slice %arg6[%dma_start3A_408, %dma_start3A_415, %dma_start3A_416] : memref<2x128x216xf32, #tpu.memory_space<vmem>> -> memref<1x128x216xf32, #tpu.memory_space<vmem>>
    %dma_start3A_418 = tpu.memref_squeeze %dma_start3A_417 : memref<1x128x216xf32, #tpu.memory_space<vmem>> -> memref<128x216xf32, #tpu.memory_space<vmem>>
    %dma_start3A_419 = arith.constant 0 : i32
    %dma_start3A_420 = tpu.memref_slice %arg2[%add3A_407, %dma_start3A_419] : memref<65536x216xf32, #tpu.memory_space<hbm>> -> memref<128x216xf32, #tpu.memory_space<hbm>>
    tpu.enqueue_dma source(%dma_start3A_420 : memref<128x216xf32, #tpu.memory_space<hbm>>) target(%dma_start3A_418 : memref<128x216xf32, #tpu.memory_space<vmem>>) target_semaphore(%arg12 : memref<!tpu.dma_semaphore, #tpu.memory_space<semaphore_mem>>)
    %dma_wait3A_421 = arith.constant 1 : i32
    %dma_wait3A_422 = arith.constant 0 : i32
    %dma_wait3A_423 = arith.constant 0 : i32
    %dma_wait3A_424 = tpu.memref_slice %arg6[%dma_wait3A_421, %dma_wait3A_422, %dma_wait3A_423] : memref<2x128x216xf32, #tpu.memory_space<vmem>> -> memref<1x128x216xf32, #tpu.memory_space<vmem>>
    %dma_wait3A_425 = tpu.memref_squeeze %dma_wait3A_424 : memref<1x128x216xf32, #tpu.memory_space<vmem>> -> memref<128x216xf32, #tpu.memory_space<vmem>>
    %dma_wait3A_426 = arith.constant 0 : i32
    %dma_wait3A_427 = tpu.memref_slice %arg2[%add3A_351, %dma_wait3A_426] : memref<65536x216xf32, #tpu.memory_space<hbm>> -> memref<128x216xf32, #tpu.memory_space<hbm>>
    %dma_wait3A_428 = arith.constant 0 : i32
    %dma_wait3A_429 = arith.constant 0 : i32
    %dma_wait3A_430 = tpu.memref_slice %arg6[%dma_wait3A_421, %dma_wait3A_428, %dma_wait3A_429] : memref<2x128x216xf32, #tpu.memory_space<vmem>> -> memref<1x128x216xf32, #tpu.memory_space<vmem>>
    %dma_wait3A_431 = tpu.memref_squeeze %dma_wait3A_430 : memref<1x128x216xf32, #tpu.memory_space<vmem>> -> memref<128x216xf32, #tpu.memory_space<vmem>>
    %dma_wait3A_432 = arith.constant 0 : i32
    %dma_wait3A_433 = tpu.memref_slice %arg2[%add3A_351, %dma_wait3A_432] : memref<65536x216xf32, #tpu.memory_space<hbm>> -> memref<128x216xf32, #tpu.memory_space<hbm>>
    tpu.wait_dma2 semaphore(%arg13 : memref<!tpu.dma_semaphore, #tpu.memory_space<semaphore_mem>>) src(%dma_wait3A_433 : memref<128x216xf32, #tpu.memory_space<hbm>>) dst(%dma_wait3A_431 : memref<128x216xf32, #tpu.memory_space<vmem>>)
    %add3A_434 = arith.constant 896 : i32
    %add3A_435 = arith.addi %mul3A_2, %add3A_434 : i32
    %dma_start3A_436 = arith.constant 1 : i32
    %dma_start3A_437 = arith.constant 0 : i32
    %dma_start3A_438 = arith.constant 0 : i32
    %dma_start3A_439 = tpu.memref_slice %arg6[%dma_start3A_436, %dma_start3A_437, %dma_start3A_438] : memref<2x128x216xf32, #tpu.memory_space<vmem>> -> memref<1x128x216xf32, #tpu.memory_space<vmem>>
    %dma_start3A_440 = tpu.memref_squeeze %dma_start3A_439 : memref<1x128x216xf32, #tpu.memory_space<vmem>> -> memref<128x216xf32, #tpu.memory_space<vmem>>
    %dma_start3A_441 = arith.constant 0 : i32
    %dma_start3A_442 = tpu.memref_slice %arg5[%add3A_435, %dma_start3A_441] : memref<65544x216xf32, #tpu.memory_space<hbm>> -> memref<128x216xf32, #tpu.memory_space<hbm>>
    %dma_start3A_443 = arith.constant 0 : i32
    %dma_start3A_444 = tpu.memref_slice %arg5[%add3A_435, %dma_start3A_443] : memref<65544x216xf32, #tpu.memory_space<hbm>> -> memref<128x216xf32, #tpu.memory_space<hbm>>
    %dma_start3A_445 = arith.constant 0 : i32
    %dma_start3A_446 = arith.constant 0 : i32
    %dma_start3A_447 = tpu.memref_slice %arg6[%dma_start3A_436, %dma_start3A_445, %dma_start3A_446] : memref<2x128x216xf32, #tpu.memory_space<vmem>> -> memref<1x128x216xf32, #tpu.memory_space<vmem>>
    %dma_start3A_448 = tpu.memref_squeeze %dma_start3A_447 : memref<1x128x216xf32, #tpu.memory_space<vmem>> -> memref<128x216xf32, #tpu.memory_space<vmem>>
    tpu.enqueue_dma source(%dma_start3A_448 : memref<128x216xf32, #tpu.memory_space<vmem>>) target(%dma_start3A_444 : memref<128x216xf32, #tpu.memory_space<hbm>>) target_semaphore(%arg15 : memref<!tpu.dma_semaphore, #tpu.memory_space<semaphore_mem>>)
    %dma_wait3A_449 = arith.constant 1 : i32
    %dma_wait3A_450 = arith.constant 0 : i32
    %dma_wait3A_451 = arith.constant 0 : i32
    %dma_wait3A_452 = tpu.memref_slice %arg6[%dma_wait3A_449, %dma_wait3A_450, %dma_wait3A_451] : memref<2x128x216xf32, #tpu.memory_space<vmem>> -> memref<1x128x216xf32, #tpu.memory_space<vmem>>
    %dma_wait3A_453 = tpu.memref_squeeze %dma_wait3A_452 : memref<1x128x216xf32, #tpu.memory_space<vmem>> -> memref<128x216xf32, #tpu.memory_space<vmem>>
    %dma_wait3A_454 = arith.constant 0 : i32
    %dma_wait3A_455 = tpu.memref_slice %arg5[%add3A_435, %dma_wait3A_454] : memref<65544x216xf32, #tpu.memory_space<hbm>> -> memref<128x216xf32, #tpu.memory_space<hbm>>
    %dma_wait3A_456 = arith.constant 0 : i32
    %dma_wait3A_457 = tpu.memref_slice %arg5[%add3A_435, %dma_wait3A_456] : memref<65544x216xf32, #tpu.memory_space<hbm>> -> memref<128x216xf32, #tpu.memory_space<hbm>>
    %dma_wait3A_458 = arith.constant 0 : i32
    %dma_wait3A_459 = arith.constant 0 : i32
    %dma_wait3A_460 = tpu.memref_slice %arg6[%dma_wait3A_449, %dma_wait3A_458, %dma_wait3A_459] : memref<2x128x216xf32, #tpu.memory_space<vmem>> -> memref<1x128x216xf32, #tpu.memory_space<vmem>>
    %dma_wait3A_461 = tpu.memref_squeeze %dma_wait3A_460 : memref<1x128x216xf32, #tpu.memory_space<vmem>> -> memref<128x216xf32, #tpu.memory_space<vmem>>
    tpu.wait_dma2 semaphore(%arg15 : memref<!tpu.dma_semaphore, #tpu.memory_space<semaphore_mem>>) src(%dma_wait3A_461 : memref<128x216xf32, #tpu.memory_space<vmem>>) dst(%dma_wait3A_457 : memref<128x216xf32, #tpu.memory_space<hbm>>)
    %add3A_462 = arith.constant 1152 : i32
    %add3A_463 = arith.addi %mul3A_2, %add3A_462 : i32
    %dma_start3A_464 = arith.constant 1 : i32
    %dma_start3A_465 = arith.constant 0 : i32
    %dma_start3A_466 = arith.constant 0 : i32
    %dma_start3A_467 = tpu.memref_slice %arg6[%dma_start3A_464, %dma_start3A_465, %dma_start3A_466] : memref<2x128x216xf32, #tpu.memory_space<vmem>> -> memref<1x128x216xf32, #tpu.memory_space<vmem>>
    %dma_start3A_468 = tpu.memref_squeeze %dma_start3A_467 : memref<1x128x216xf32, #tpu.memory_space<vmem>> -> memref<128x216xf32, #tpu.memory_space<vmem>>
    %dma_start3A_469 = arith.constant 0 : i32
    %dma_start3A_470 = tpu.memref_slice %arg2[%add3A_463, %dma_start3A_469] : memref<65536x216xf32, #tpu.memory_space<hbm>> -> memref<128x216xf32, #tpu.memory_space<hbm>>
    %dma_start3A_471 = arith.constant 0 : i32
    %dma_start3A_472 = arith.constant 0 : i32
    %dma_start3A_473 = tpu.memref_slice %arg6[%dma_start3A_464, %dma_start3A_471, %dma_start3A_472] : memref<2x128x216xf32, #tpu.memory_space<vmem>> -> memref<1x128x216xf32, #tpu.memory_space<vmem>>
    %dma_start3A_474 = tpu.memref_squeeze %dma_start3A_473 : memref<1x128x216xf32, #tpu.memory_space<vmem>> -> memref<128x216xf32, #tpu.memory_space<vmem>>
    %dma_start3A_475 = arith.constant 0 : i32
    %dma_start3A_476 = tpu.memref_slice %arg2[%add3A_463, %dma_start3A_475] : memref<65536x216xf32, #tpu.memory_space<hbm>> -> memref<128x216xf32, #tpu.memory_space<hbm>>
    tpu.enqueue_dma source(%dma_start3A_476 : memref<128x216xf32, #tpu.memory_space<hbm>>) target(%dma_start3A_474 : memref<128x216xf32, #tpu.memory_space<vmem>>) target_semaphore(%arg13 : memref<!tpu.dma_semaphore, #tpu.memory_space<semaphore_mem>>)
    %dma_wait3A_477 = arith.constant 0 : i32
    %dma_wait3A_478 = arith.constant 0 : i32
    %dma_wait3A_479 = arith.constant 0 : i32
    %dma_wait3A_480 = tpu.memref_slice %arg6[%dma_wait3A_477, %dma_wait3A_478, %dma_wait3A_479] : memref<2x128x216xf32, #tpu.memory_space<vmem>> -> memref<1x128x216xf32, #tpu.memory_space<vmem>>
    %dma_wait3A_481 = tpu.memref_squeeze %dma_wait3A_480 : memref<1x128x216xf32, #tpu.memory_space<vmem>> -> memref<128x216xf32, #tpu.memory_space<vmem>>
    %dma_wait3A_482 = arith.constant 0 : i32
    %dma_wait3A_483 = tpu.memref_slice %arg2[%add3A_407, %dma_wait3A_482] : memref<65536x216xf32, #tpu.memory_space<hbm>> -> memref<128x216xf32, #tpu.memory_space<hbm>>
    %dma_wait3A_484 = arith.constant 0 : i32
    %dma_wait3A_485 = arith.constant 0 : i32
    %dma_wait3A_486 = tpu.memref_slice %arg6[%dma_wait3A_477, %dma_wait3A_484, %dma_wait3A_485] : memref<2x128x216xf32, #tpu.memory_space<vmem>> -> memref<1x128x216xf32, #tpu.memory_space<vmem>>
    %dma_wait3A_487 = tpu.memref_squeeze %dma_wait3A_486 : memref<1x128x216xf32, #tpu.memory_space<vmem>> -> memref<128x216xf32, #tpu.memory_space<vmem>>
    %dma_wait3A_488 = arith.constant 0 : i32
    %dma_wait3A_489 = tpu.memref_slice %arg2[%add3A_407, %dma_wait3A_488] : memref<65536x216xf32, #tpu.memory_space<hbm>> -> memref<128x216xf32, #tpu.memory_space<hbm>>
    tpu.wait_dma2 semaphore(%arg12 : memref<!tpu.dma_semaphore, #tpu.memory_space<semaphore_mem>>) src(%dma_wait3A_489 : memref<128x216xf32, #tpu.memory_space<hbm>>) dst(%dma_wait3A_487 : memref<128x216xf32, #tpu.memory_space<vmem>>)
    %add3A_490 = arith.constant 1024 : i32
    %add3A_491 = arith.addi %mul3A_2, %add3A_490 : i32
    %dma_start3A_492 = arith.constant 0 : i32
    %dma_start3A_493 = arith.constant 0 : i32
    %dma_start3A_494 = arith.constant 0 : i32
    %dma_start3A_495 = tpu.memref_slice %arg6[%dma_start3A_492, %dma_start3A_493, %dma_start3A_494] : memref<2x128x216xf32, #tpu.memory_space<vmem>> -> memref<1x128x216xf32, #tpu.memory_space<vmem>>
    %dma_start3A_496 = tpu.memref_squeeze %dma_start3A_495 : memref<1x128x216xf32, #tpu.memory_space<vmem>> -> memref<128x216xf32, #tpu.memory_space<vmem>>
    %dma_start3A_497 = arith.constant 0 : i32
    %dma_start3A_498 = tpu.memref_slice %arg5[%add3A_491, %dma_start3A_497] : memref<65544x216xf32, #tpu.memory_space<hbm>> -> memref<128x216xf32, #tpu.memory_space<hbm>>
    %dma_start3A_499 = arith.constant 0 : i32
    %dma_start3A_500 = tpu.memref_slice %arg5[%add3A_491, %dma_start3A_499] : memref<65544x216xf32, #tpu.memory_space<hbm>> -> memref<128x216xf32, #tpu.memory_space<hbm>>
    %dma_start3A_501 = arith.constant 0 : i32
    %dma_start3A_502 = arith.constant 0 : i32
    %dma_start3A_503 = tpu.memref_slice %arg6[%dma_start3A_492, %dma_start3A_501, %dma_start3A_502] : memref<2x128x216xf32, #tpu.memory_space<vmem>> -> memref<1x128x216xf32, #tpu.memory_space<vmem>>
    %dma_start3A_504 = tpu.memref_squeeze %dma_start3A_503 : memref<1x128x216xf32, #tpu.memory_space<vmem>> -> memref<128x216xf32, #tpu.memory_space<vmem>>
    tpu.enqueue_dma source(%dma_start3A_504 : memref<128x216xf32, #tpu.memory_space<vmem>>) target(%dma_start3A_500 : memref<128x216xf32, #tpu.memory_space<hbm>>) target_semaphore(%arg14 : memref<!tpu.dma_semaphore, #tpu.memory_space<semaphore_mem>>)
    %dma_wait3A_505 = arith.constant 0 : i32
    %dma_wait3A_506 = arith.constant 0 : i32
    %dma_wait3A_507 = arith.constant 0 : i32
    %dma_wait3A_508 = tpu.memref_slice %arg6[%dma_wait3A_505, %dma_wait3A_506, %dma_wait3A_507] : memref<2x128x216xf32, #tpu.memory_space<vmem>> -> memref<1x128x216xf32, #tpu.memory_space<vmem>>
    %dma_wait3A_509 = tpu.memref_squeeze %dma_wait3A_508 : memref<1x128x216xf32, #tpu.memory_space<vmem>> -> memref<128x216xf32, #tpu.memory_space<vmem>>
    %dma_wait3A_510 = arith.constant 0 : i32
    %dma_wait3A_511 = tpu.memref_slice %arg5[%add3A_491, %dma_wait3A_510] : memref<65544x216xf32, #tpu.memory_space<hbm>> -> memref<128x216xf32, #tpu.memory_space<hbm>>
    %dma_wait3A_512 = arith.constant 0 : i32
    %dma_wait3A_513 = tpu.memref_slice %arg5[%add3A_491, %dma_wait3A_512] : memref<65544x216xf32, #tpu.memory_space<hbm>> -> memref<128x216xf32, #tpu.memory_space<hbm>>
    %dma_wait3A_514 = arith.constant 0 : i32
    %dma_wait3A_515 = arith.constant 0 : i32
    %dma_wait3A_516 = tpu.memref_slice %arg6[%dma_wait3A_505, %dma_wait3A_514, %dma_wait3A_515] : memref<2x128x216xf32, #tpu.memory_space<vmem>> -> memref<1x128x216xf32, #tpu.memory_space<vmem>>
    %dma_wait3A_517 = tpu.memref_squeeze %dma_wait3A_516 : memref<1x128x216xf32, #tpu.memory_space<vmem>> -> memref<128x216xf32, #tpu.memory_space<vmem>>
    tpu.wait_dma2 semaphore(%arg14 : memref<!tpu.dma_semaphore, #tpu.memory_space<semaphore_mem>>) src(%dma_wait3A_517 : memref<128x216xf32, #tpu.memory_space<vmem>>) dst(%dma_wait3A_513 : memref<128x216xf32, #tpu.memory_space<hbm>>)
    %add3A_518 = arith.constant 1280 : i32
    %add3A_519 = arith.addi %mul3A_2, %add3A_518 : i32
    %dma_start3A_520 = arith.constant 0 : i32
    %dma_start3A_521 = arith.constant 0 : i32
    %dma_start3A_522 = arith.constant 0 : i32
    %dma_start3A_523 = tpu.memref_slice %arg6[%dma_start3A_520, %dma_start3A_521, %dma_start3A_522] : memref<2x128x216xf32, #tpu.memory_space<vmem>> -> memref<1x128x216xf32, #tpu.memory_space<vmem>>
    %dma_start3A_524 = tpu.memref_squeeze %dma_start3A_523 : memref<1x128x216xf32, #tpu.memory_space<vmem>> -> memref<128x216xf32, #tpu.memory_space<vmem>>
    %dma_start3A_525 = arith.constant 0 : i32
    %dma_start3A_526 = tpu.memref_slice %arg2[%add3A_519, %dma_start3A_525] : memref<65536x216xf32, #tpu.memory_space<hbm>> -> memref<128x216xf32, #tpu.memory_space<hbm>>
    %dma_start3A_527 = arith.constant 0 : i32
    %dma_start3A_528 = arith.constant 0 : i32
    %dma_start3A_529 = tpu.memref_slice %arg6[%dma_start3A_520, %dma_start3A_527, %dma_start3A_528] : memref<2x128x216xf32, #tpu.memory_space<vmem>> -> memref<1x128x216xf32, #tpu.memory_space<vmem>>
    %dma_start3A_530 = tpu.memref_squeeze %dma_start3A_529 : memref<1x128x216xf32, #tpu.memory_space<vmem>> -> memref<128x216xf32, #tpu.memory_space<vmem>>
    %dma_start3A_531 = arith.constant 0 : i32
    %dma_start3A_532 = tpu.memref_slice %arg2[%add3A_519, %dma_start3A_531] : memref<65536x216xf32, #tpu.memory_space<hbm>> -> memref<128x216xf32, #tpu.memory_space<hbm>>
    tpu.enqueue_dma source(%dma_start3A_532 : memref<128x216xf32, #tpu.memory_space<hbm>>) target(%dma_start3A_530 : memref<128x216xf32, #tpu.memory_space<vmem>>) target_semaphore(%arg12 : memref<!tpu.dma_semaphore, #tpu.memory_space<semaphore_mem>>)
    %dma_wait3A_533 = arith.constant 1 : i32
    %dma_wait3A_534 = arith.constant 0 : i32
    %dma_wait3A_535 = arith.constant 0 : i32
    %dma_wait3A_536 = tpu.memref_slice %arg6[%dma_wait3A_533, %dma_wait3A_534, %dma_wait3A_535] : memref<2x128x216xf32, #tpu.memory_space<vmem>> -> memref<1x128x216xf32, #tpu.memory_space<vmem>>
    %dma_wait3A_537 = tpu.memref_squeeze %dma_wait3A_536 : memref<1x128x216xf32, #tpu.memory_space<vmem>> -> memref<128x216xf32, #tpu.memory_space<vmem>>
    %dma_wait3A_538 = arith.constant 0 : i32
    %dma_wait3A_539 = tpu.memref_slice %arg2[%add3A_463, %dma_wait3A_538] : memref<65536x216xf32, #tpu.memory_space<hbm>> -> memref<128x216xf32, #tpu.memory_space<hbm>>
    %dma_wait3A_540 = arith.constant 0 : i32
    %dma_wait3A_541 = arith.constant 0 : i32
    %dma_wait3A_542 = tpu.memref_slice %arg6[%dma_wait3A_533, %dma_wait3A_540, %dma_wait3A_541] : memref<2x128x216xf32, #tpu.memory_space<vmem>> -> memref<1x128x216xf32, #tpu.memory_space<vmem>>
    %dma_wait3A_543 = tpu.memref_squeeze %dma_wait3A_542 : memref<1x128x216xf32, #tpu.memory_space<vmem>> -> memref<128x216xf32, #tpu.memory_space<vmem>>
    %dma_wait3A_544 = arith.constant 0 : i32
    %dma_wait3A_545 = tpu.memref_slice %arg2[%add3A_463, %dma_wait3A_544] : memref<65536x216xf32, #tpu.memory_space<hbm>> -> memref<128x216xf32, #tpu.memory_space<hbm>>
    tpu.wait_dma2 semaphore(%arg13 : memref<!tpu.dma_semaphore, #tpu.memory_space<semaphore_mem>>) src(%dma_wait3A_545 : memref<128x216xf32, #tpu.memory_space<hbm>>) dst(%dma_wait3A_543 : memref<128x216xf32, #tpu.memory_space<vmem>>)
    %add3A_546 = arith.constant 1152 : i32
    %add3A_547 = arith.addi %mul3A_2, %add3A_546 : i32
    %dma_start3A_548 = arith.constant 1 : i32
    %dma_start3A_549 = arith.constant 0 : i32
    %dma_start3A_550 = arith.constant 0 : i32
    %dma_start3A_551 = tpu.memref_slice %arg6[%dma_start3A_548, %dma_start3A_549, %dma_start3A_550] : memref<2x128x216xf32, #tpu.memory_space<vmem>> -> memref<1x128x216xf32, #tpu.memory_space<vmem>>
    %dma_start3A_552 = tpu.memref_squeeze %dma_start3A_551 : memref<1x128x216xf32, #tpu.memory_space<vmem>> -> memref<128x216xf32, #tpu.memory_space<vmem>>
    %dma_start3A_553 = arith.constant 0 : i32
    %dma_start3A_554 = tpu.memref_slice %arg5[%add3A_547, %dma_start3A_553] : memref<65544x216xf32, #tpu.memory_space<hbm>> -> memref<128x216xf32, #tpu.memory_space<hbm>>
    %dma_start3A_555 = arith.constant 0 : i32
    %dma_start3A_556 = tpu.memref_slice %arg5[%add3A_547, %dma_start3A_555] : memref<65544x216xf32, #tpu.memory_space<hbm>> -> memref<128x216xf32, #tpu.memory_space<hbm>>
    %dma_start3A_557 = arith.constant 0 : i32
    %dma_start3A_558 = arith.constant 0 : i32
    %dma_start3A_559 = tpu.memref_slice %arg6[%dma_start3A_548, %dma_start3A_557, %dma_start3A_558] : memref<2x128x216xf32, #tpu.memory_space<vmem>> -> memref<1x128x216xf32, #tpu.memory_space<vmem>>
    %dma_start3A_560 = tpu.memref_squeeze %dma_start3A_559 : memref<1x128x216xf32, #tpu.memory_space<vmem>> -> memref<128x216xf32, #tpu.memory_space<vmem>>
    tpu.enqueue_dma source(%dma_start3A_560 : memref<128x216xf32, #tpu.memory_space<vmem>>) target(%dma_start3A_556 : memref<128x216xf32, #tpu.memory_space<hbm>>) target_semaphore(%arg15 : memref<!tpu.dma_semaphore, #tpu.memory_space<semaphore_mem>>)
    %dma_wait3A_561 = arith.constant 1 : i32
    %dma_wait3A_562 = arith.constant 0 : i32
    %dma_wait3A_563 = arith.constant 0 : i32
    %dma_wait3A_564 = tpu.memref_slice %arg6[%dma_wait3A_561, %dma_wait3A_562, %dma_wait3A_563] : memref<2x128x216xf32, #tpu.memory_space<vmem>> -> memref<1x128x216xf32, #tpu.memory_space<vmem>>
    %dma_wait3A_565 = tpu.memref_squeeze %dma_wait3A_564 : memref<1x128x216xf32, #tpu.memory_space<vmem>> -> memref<128x216xf32, #tpu.memory_space<vmem>>
    %dma_wait3A_566 = arith.constant 0 : i32
    %dma_wait3A_567 = tpu.memref_slice %arg5[%add3A_547, %dma_wait3A_566] : memref<65544x216xf32, #tpu.memory_space<hbm>> -> memref<128x216xf32, #tpu.memory_space<hbm>>
    %dma_wait3A_568 = arith.constant 0 : i32
    %dma_wait3A_569 = tpu.memref_slice %arg5[%add3A_547, %dma_wait3A_568] : memref<65544x216xf32, #tpu.memory_space<hbm>> -> memref<128x216xf32, #tpu.memory_space<hbm>>
    %dma_wait3A_570 = arith.constant 0 : i32
    %dma_wait3A_571 = arith.constant 0 : i32
    %dma_wait3A_572 = tpu.memref_slice %arg6[%dma_wait3A_561, %dma_wait3A_570, %dma_wait3A_571] : memref<2x128x216xf32, #tpu.memory_space<vmem>> -> memref<1x128x216xf32, #tpu.memory_space<vmem>>
    %dma_wait3A_573 = tpu.memref_squeeze %dma_wait3A_572 : memref<1x128x216xf32, #tpu.memory_space<vmem>> -> memref<128x216xf32, #tpu.memory_space<vmem>>
    tpu.wait_dma2 semaphore(%arg15 : memref<!tpu.dma_semaphore, #tpu.memory_space<semaphore_mem>>) src(%dma_wait3A_573 : memref<128x216xf32, #tpu.memory_space<vmem>>) dst(%dma_wait3A_569 : memref<128x216xf32, #tpu.memory_space<hbm>>)
    %add3A_574 = arith.constant 1408 : i32
    %add3A_575 = arith.addi %mul3A_2, %add3A_574 : i32
    %dma_start3A_576 = arith.constant 1 : i32
    %dma_start3A_577 = arith.constant 0 : i32
    %dma_start3A_578 = arith.constant 0 : i32
    %dma_start3A_579 = tpu.memref_slice %arg6[%dma_start3A_576, %dma_start3A_577, %dma_start3A_578] : memref<2x128x216xf32, #tpu.memory_space<vmem>> -> memref<1x128x216xf32, #tpu.memory_space<vmem>>
    %dma_start3A_580 = tpu.memref_squeeze %dma_start3A_579 : memref<1x128x216xf32, #tpu.memory_space<vmem>> -> memref<128x216xf32, #tpu.memory_space<vmem>>
    %dma_start3A_581 = arith.constant 0 : i32
    %dma_start3A_582 = tpu.memref_slice %arg2[%add3A_575, %dma_start3A_581] : memref<65536x216xf32, #tpu.memory_space<hbm>> -> memref<128x216xf32, #tpu.memory_space<hbm>>
    %dma_start3A_583 = arith.constant 0 : i32
    %dma_start3A_584 = arith.constant 0 : i32
    %dma_start3A_585 = tpu.memref_slice %arg6[%dma_start3A_576, %dma_start3A_583, %dma_start3A_584] : memref<2x128x216xf32, #tpu.memory_space<vmem>> -> memref<1x128x216xf32, #tpu.memory_space<vmem>>
    %dma_start3A_586 = tpu.memref_squeeze %dma_start3A_585 : memref<1x128x216xf32, #tpu.memory_space<vmem>> -> memref<128x216xf32, #tpu.memory_space<vmem>>
    %dma_start3A_587 = arith.constant 0 : i32
    %dma_start3A_588 = tpu.memref_slice %arg2[%add3A_575, %dma_start3A_587] : memref<65536x216xf32, #tpu.memory_space<hbm>> -> memref<128x216xf32, #tpu.memory_space<hbm>>
    tpu.enqueue_dma source(%dma_start3A_588 : memref<128x216xf32, #tpu.memory_space<hbm>>) target(%dma_start3A_586 : memref<128x216xf32, #tpu.memory_space<vmem>>) target_semaphore(%arg13 : memref<!tpu.dma_semaphore, #tpu.memory_space<semaphore_mem>>)
    %dma_wait3A_589 = arith.constant 0 : i32
    %dma_wait3A_590 = arith.constant 0 : i32
    %dma_wait3A_591 = arith.constant 0 : i32
    %dma_wait3A_592 = tpu.memref_slice %arg6[%dma_wait3A_589, %dma_wait3A_590, %dma_wait3A_591] : memref<2x128x216xf32, #tpu.memory_space<vmem>> -> memref<1x128x216xf32, #tpu.memory_space<vmem>>
    %dma_wait3A_593 = tpu.memref_squeeze %dma_wait3A_592 : memref<1x128x216xf32, #tpu.memory_space<vmem>> -> memref<128x216xf32, #tpu.memory_space<vmem>>
    %dma_wait3A_594 = arith.constant 0 : i32
    %dma_wait3A_595 = tpu.memref_slice %arg2[%add3A_519, %dma_wait3A_594] : memref<65536x216xf32, #tpu.memory_space<hbm>> -> memref<128x216xf32, #tpu.memory_space<hbm>>
    %dma_wait3A_596 = arith.constant 0 : i32
    %dma_wait3A_597 = arith.constant 0 : i32
    %dma_wait3A_598 = tpu.memref_slice %arg6[%dma_wait3A_589, %dma_wait3A_596, %dma_wait3A_597] : memref<2x128x216xf32, #tpu.memory_space<vmem>> -> memref<1x128x216xf32, #tpu.memory_space<vmem>>
    %dma_wait3A_599 = tpu.memref_squeeze %dma_wait3A_598 : memref<1x128x216xf32, #tpu.memory_space<vmem>> -> memref<128x216xf32, #tpu.memory_space<vmem>>
    %dma_wait3A_600 = arith.constant 0 : i32
    %dma_wait3A_601 = tpu.memref_slice %arg2[%add3A_519, %dma_wait3A_600] : memref<65536x216xf32, #tpu.memory_space<hbm>> -> memref<128x216xf32, #tpu.memory_space<hbm>>
    tpu.wait_dma2 semaphore(%arg12 : memref<!tpu.dma_semaphore, #tpu.memory_space<semaphore_mem>>) src(%dma_wait3A_601 : memref<128x216xf32, #tpu.memory_space<hbm>>) dst(%dma_wait3A_599 : memref<128x216xf32, #tpu.memory_space<vmem>>)
    %add3A_602 = arith.constant 1280 : i32
    %add3A_603 = arith.addi %mul3A_2, %add3A_602 : i32
    %dma_start3A_604 = arith.constant 0 : i32
    %dma_start3A_605 = arith.constant 0 : i32
    %dma_start3A_606 = arith.constant 0 : i32
    %dma_start3A_607 = tpu.memref_slice %arg6[%dma_start3A_604, %dma_start3A_605, %dma_start3A_606] : memref<2x128x216xf32, #tpu.memory_space<vmem>> -> memref<1x128x216xf32, #tpu.memory_space<vmem>>
    %dma_start3A_608 = tpu.memref_squeeze %dma_start3A_607 : memref<1x128x216xf32, #tpu.memory_space<vmem>> -> memref<128x216xf32, #tpu.memory_space<vmem>>
    %dma_start3A_609 = arith.constant 0 : i32
    %dma_start3A_610 = tpu.memref_slice %arg5[%add3A_603, %dma_start3A_609] : memref<65544x216xf32, #tpu.memory_space<hbm>> -> memref<128x216xf32, #tpu.memory_space<hbm>>
    %dma_start3A_611 = arith.constant 0 : i32
    %dma_start3A_612 = tpu.memref_slice %arg5[%add3A_603, %dma_start3A_611] : memref<65544x216xf32, #tpu.memory_space<hbm>> -> memref<128x216xf32, #tpu.memory_space<hbm>>
    %dma_start3A_613 = arith.constant 0 : i32
    %dma_start3A_614 = arith.constant 0 : i32
    %dma_start3A_615 = tpu.memref_slice %arg6[%dma_start3A_604, %dma_start3A_613, %dma_start3A_614] : memref<2x128x216xf32, #tpu.memory_space<vmem>> -> memref<1x128x216xf32, #tpu.memory_space<vmem>>
    %dma_start3A_616 = tpu.memref_squeeze %dma_start3A_615 : memref<1x128x216xf32, #tpu.memory_space<vmem>> -> memref<128x216xf32, #tpu.memory_space<vmem>>
    tpu.enqueue_dma source(%dma_start3A_616 : memref<128x216xf32, #tpu.memory_space<vmem>>) target(%dma_start3A_612 : memref<128x216xf32, #tpu.memory_space<hbm>>) target_semaphore(%arg14 : memref<!tpu.dma_semaphore, #tpu.memory_space<semaphore_mem>>)
    %dma_wait3A_617 = arith.constant 0 : i32
    %dma_wait3A_618 = arith.constant 0 : i32
    %dma_wait3A_619 = arith.constant 0 : i32
    %dma_wait3A_620 = tpu.memref_slice %arg6[%dma_wait3A_617, %dma_wait3A_618, %dma_wait3A_619] : memref<2x128x216xf32, #tpu.memory_space<vmem>> -> memref<1x128x216xf32, #tpu.memory_space<vmem>>
    %dma_wait3A_621 = tpu.memref_squeeze %dma_wait3A_620 : memref<1x128x216xf32, #tpu.memory_space<vmem>> -> memref<128x216xf32, #tpu.memory_space<vmem>>
    %dma_wait3A_622 = arith.constant 0 : i32
    %dma_wait3A_623 = tpu.memref_slice %arg5[%add3A_603, %dma_wait3A_622] : memref<65544x216xf32, #tpu.memory_space<hbm>> -> memref<128x216xf32, #tpu.memory_space<hbm>>
    %dma_wait3A_624 = arith.constant 0 : i32
    %dma_wait3A_625 = tpu.memref_slice %arg5[%add3A_603, %dma_wait3A_624] : memref<65544x216xf32, #tpu.memory_space<hbm>> -> memref<128x216xf32, #tpu.memory_space<hbm>>
    %dma_wait3A_626 = arith.constant 0 : i32
    %dma_wait3A_627 = arith.constant 0 : i32
    %dma_wait3A_628 = tpu.memref_slice %arg6[%dma_wait3A_617, %dma_wait3A_626, %dma_wait3A_627] : memref<2x128x216xf32, #tpu.memory_space<vmem>> -> memref<1x128x216xf32, #tpu.memory_space<vmem>>
    %dma_wait3A_629 = tpu.memref_squeeze %dma_wait3A_628 : memref<1x128x216xf32, #tpu.memory_space<vmem>> -> memref<128x216xf32, #tpu.memory_space<vmem>>
    tpu.wait_dma2 semaphore(%arg14 : memref<!tpu.dma_semaphore, #tpu.memory_space<semaphore_mem>>) src(%dma_wait3A_629 : memref<128x216xf32, #tpu.memory_space<vmem>>) dst(%dma_wait3A_625 : memref<128x216xf32, #tpu.memory_space<hbm>>)
    %add3A_630 = arith.constant 1536 : i32
    %add3A_631 = arith.addi %mul3A_2, %add3A_630 : i32
    %dma_start3A_632 = arith.constant 0 : i32
    %dma_start3A_633 = arith.constant 0 : i32
    %dma_start3A_634 = arith.constant 0 : i32
    %dma_start3A_635 = tpu.memref_slice %arg6[%dma_start3A_632, %dma_start3A_633, %dma_start3A_634] : memref<2x128x216xf32, #tpu.memory_space<vmem>> -> memref<1x128x216xf32, #tpu.memory_space<vmem>>
    %dma_start3A_636 = tpu.memref_squeeze %dma_start3A_635 : memref<1x128x216xf32, #tpu.memory_space<vmem>> -> memref<128x216xf32, #tpu.memory_space<vmem>>
    %dma_start3A_637 = arith.constant 0 : i32
    %dma_start3A_638 = tpu.memref_slice %arg2[%add3A_631, %dma_start3A_637] : memref<65536x216xf32, #tpu.memory_space<hbm>> -> memref<128x216xf32, #tpu.memory_space<hbm>>
    %dma_start3A_639 = arith.constant 0 : i32
    %dma_start3A_640 = arith.constant 0 : i32
    %dma_start3A_641 = tpu.memref_slice %arg6[%dma_start3A_632, %dma_start3A_639, %dma_start3A_640] : memref<2x128x216xf32, #tpu.memory_space<vmem>> -> memref<1x128x216xf32, #tpu.memory_space<vmem>>
    %dma_start3A_642 = tpu.memref_squeeze %dma_start3A_641 : memref<1x128x216xf32, #tpu.memory_space<vmem>> -> memref<128x216xf32, #tpu.memory_space<vmem>>
    %dma_start3A_643 = arith.constant 0 : i32
    %dma_start3A_644 = tpu.memref_slice %arg2[%add3A_631, %dma_start3A_643] : memref<65536x216xf32, #tpu.memory_space<hbm>> -> memref<128x216xf32, #tpu.memory_space<hbm>>
    tpu.enqueue_dma source(%dma_start3A_644 : memref<128x216xf32, #tpu.memory_space<hbm>>) target(%dma_start3A_642 : memref<128x216xf32, #tpu.memory_space<vmem>>) target_semaphore(%arg12 : memref<!tpu.dma_semaphore, #tpu.memory_space<semaphore_mem>>)
    %dma_wait3A_645 = arith.constant 1 : i32
    %dma_wait3A_646 = arith.constant 0 : i32
    %dma_wait3A_647 = arith.constant 0 : i32
    %dma_wait3A_648 = tpu.memref_slice %arg6[%dma_wait3A_645, %dma_wait3A_646, %dma_wait3A_647] : memref<2x128x216xf32, #tpu.memory_space<vmem>> -> memref<1x128x216xf32, #tpu.memory_space<vmem>>
    %dma_wait3A_649 = tpu.memref_squeeze %dma_wait3A_648 : memref<1x128x216xf32, #tpu.memory_space<vmem>> -> memref<128x216xf32, #tpu.memory_space<vmem>>
    %dma_wait3A_650 = arith.constant 0 : i32
    %dma_wait3A_651 = tpu.memref_slice %arg2[%add3A_575, %dma_wait3A_650] : memref<65536x216xf32, #tpu.memory_space<hbm>> -> memref<128x216xf32, #tpu.memory_space<hbm>>
    %dma_wait3A_652 = arith.constant 0 : i32
    %dma_wait3A_653 = arith.constant 0 : i32
    %dma_wait3A_654 = tpu.memref_slice %arg6[%dma_wait3A_645, %dma_wait3A_652, %dma_wait3A_653] : memref<2x128x216xf32, #tpu.memory_space<vmem>> -> memref<1x128x216xf32, #tpu.memory_space<vmem>>
    %dma_wait3A_655 = tpu.memref_squeeze %dma_wait3A_654 : memref<1x128x216xf32, #tpu.memory_space<vmem>> -> memref<128x216xf32, #tpu.memory_space<vmem>>
    %dma_wait3A_656 = arith.constant 0 : i32
    %dma_wait3A_657 = tpu.memref_slice %arg2[%add3A_575, %dma_wait3A_656] : memref<65536x216xf32, #tpu.memory_space<hbm>> -> memref<128x216xf32, #tpu.memory_space<hbm>>
    tpu.wait_dma2 semaphore(%arg13 : memref<!tpu.dma_semaphore, #tpu.memory_space<semaphore_mem>>) src(%dma_wait3A_657 : memref<128x216xf32, #tpu.memory_space<hbm>>) dst(%dma_wait3A_655 : memref<128x216xf32, #tpu.memory_space<vmem>>)
    %add3A_658 = arith.constant 1408 : i32
    %add3A_659 = arith.addi %mul3A_2, %add3A_658 : i32
    %dma_start3A_660 = arith.constant 1 : i32
    %dma_start3A_661 = arith.constant 0 : i32
    %dma_start3A_662 = arith.constant 0 : i32
    %dma_start3A_663 = tpu.memref_slice %arg6[%dma_start3A_660, %dma_start3A_661, %dma_start3A_662] : memref<2x128x216xf32, #tpu.memory_space<vmem>> -> memref<1x128x216xf32, #tpu.memory_space<vmem>>
    %dma_start3A_664 = tpu.memref_squeeze %dma_start3A_663 : memref<1x128x216xf32, #tpu.memory_space<vmem>> -> memref<128x216xf32, #tpu.memory_space<vmem>>
    %dma_start3A_665 = arith.constant 0 : i32
    %dma_start3A_666 = tpu.memref_slice %arg5[%add3A_659, %dma_start3A_665] : memref<65544x216xf32, #tpu.memory_space<hbm>> -> memref<128x216xf32, #tpu.memory_space<hbm>>
    %dma_start3A_667 = arith.constant 0 : i32
    %dma_start3A_668 = tpu.memref_slice %arg5[%add3A_659, %dma_start3A_667] : memref<65544x216xf32, #tpu.memory_space<hbm>> -> memref<128x216xf32, #tpu.memory_space<hbm>>
    %dma_start3A_669 = arith.constant 0 : i32
    %dma_start3A_670 = arith.constant 0 : i32
    %dma_start3A_671 = tpu.memref_slice %arg6[%dma_start3A_660, %dma_start3A_669, %dma_start3A_670] : memref<2x128x216xf32, #tpu.memory_space<vmem>> -> memref<1x128x216xf32, #tpu.memory_space<vmem>>
    %dma_start3A_672 = tpu.memref_squeeze %dma_start3A_671 : memref<1x128x216xf32, #tpu.memory_space<vmem>> -> memref<128x216xf32, #tpu.memory_space<vmem>>
    tpu.enqueue_dma source(%dma_start3A_672 : memref<128x216xf32, #tpu.memory_space<vmem>>) target(%dma_start3A_668 : memref<128x216xf32, #tpu.memory_space<hbm>>) target_semaphore(%arg15 : memref<!tpu.dma_semaphore, #tpu.memory_space<semaphore_mem>>)
    %dma_wait3A_673 = arith.constant 1 : i32
    %dma_wait3A_674 = arith.constant 0 : i32
    %dma_wait3A_675 = arith.constant 0 : i32
    %dma_wait3A_676 = tpu.memref_slice %arg6[%dma_wait3A_673, %dma_wait3A_674, %dma_wait3A_675] : memref<2x128x216xf32, #tpu.memory_space<vmem>> -> memref<1x128x216xf32, #tpu.memory_space<vmem>>
    %dma_wait3A_677 = tpu.memref_squeeze %dma_wait3A_676 : memref<1x128x216xf32, #tpu.memory_space<vmem>> -> memref<128x216xf32, #tpu.memory_space<vmem>>
    %dma_wait3A_678 = arith.constant 0 : i32
    %dma_wait3A_679 = tpu.memref_slice %arg5[%add3A_659, %dma_wait3A_678] : memref<65544x216xf32, #tpu.memory_space<hbm>> -> memref<128x216xf32, #tpu.memory_space<hbm>>
    %dma_wait3A_680 = arith.constant 0 : i32
    %dma_wait3A_681 = tpu.memref_slice %arg5[%add3A_659, %dma_wait3A_680] : memref<65544x216xf32, #tpu.memory_space<hbm>> -> memref<128x216xf32, #tpu.memory_space<hbm>>
    %dma_wait3A_682 = arith.constant 0 : i32
    %dma_wait3A_683 = arith.constant 0 : i32
    %dma_wait3A_684 = tpu.memref_slice %arg6[%dma_wait3A_673, %dma_wait3A_682, %dma_wait3A_683] : memref<2x128x216xf32, #tpu.memory_space<vmem>> -> memref<1x128x216xf32, #tpu.memory_space<vmem>>
    %dma_wait3A_685 = tpu.memref_squeeze %dma_wait3A_684 : memref<1x128x216xf32, #tpu.memory_space<vmem>> -> memref<128x216xf32, #tpu.memory_space<vmem>>
    tpu.wait_dma2 semaphore(%arg15 : memref<!tpu.dma_semaphore, #tpu.memory_space<semaphore_mem>>) src(%dma_wait3A_685 : memref<128x216xf32, #tpu.memory_space<vmem>>) dst(%dma_wait3A_681 : memref<128x216xf32, #tpu.memory_space<hbm>>)
    %add3A_686 = arith.constant 1664 : i32
    %add3A_687 = arith.addi %mul3A_2, %add3A_686 : i32
    %dma_start3A_688 = arith.constant 1 : i32
    %dma_start3A_689 = arith.constant 0 : i32
    %dma_start3A_690 = arith.constant 0 : i32
    %dma_start3A_691 = tpu.memref_slice %arg6[%dma_start3A_688, %dma_start3A_689, %dma_start3A_690] : memref<2x128x216xf32, #tpu.memory_space<vmem>> -> memref<1x128x216xf32, #tpu.memory_space<vmem>>
    %dma_start3A_692 = tpu.memref_squeeze %dma_start3A_691 : memref<1x128x216xf32, #tpu.memory_space<vmem>> -> memref<128x216xf32, #tpu.memory_space<vmem>>
    %dma_start3A_693 = arith.constant 0 : i32
    %dma_start3A_694 = tpu.memref_slice %arg2[%add3A_687, %dma_start3A_693] : memref<65536x216xf32, #tpu.memory_space<hbm>> -> memref<128x216xf32, #tpu.memory_space<hbm>>
    %dma_start3A_695 = arith.constant 0 : i32
    %dma_start3A_696 = arith.constant 0 : i32
    %dma_start3A_697 = tpu.memref_slice %arg6[%dma_start3A_688, %dma_start3A_695, %dma_start3A_696] : memref<2x128x216xf32, #tpu.memory_space<vmem>> -> memref<1x128x216xf32, #tpu.memory_space<vmem>>
    %dma_start3A_698 = tpu.memref_squeeze %dma_start3A_697 : memref<1x128x216xf32, #tpu.memory_space<vmem>> -> memref<128x216xf32, #tpu.memory_space<vmem>>
    %dma_start3A_699 = arith.constant 0 : i32
    %dma_start3A_700 = tpu.memref_slice %arg2[%add3A_687, %dma_start3A_699] : memref<65536x216xf32, #tpu.memory_space<hbm>> -> memref<128x216xf32, #tpu.memory_space<hbm>>
    tpu.enqueue_dma source(%dma_start3A_700 : memref<128x216xf32, #tpu.memory_space<hbm>>) target(%dma_start3A_698 : memref<128x216xf32, #tpu.memory_space<vmem>>) target_semaphore(%arg13 : memref<!tpu.dma_semaphore, #tpu.memory_space<semaphore_mem>>)
    %dma_wait3A_701 = arith.constant 0 : i32
    %dma_wait3A_702 = arith.constant 0 : i32
    %dma_wait3A_703 = arith.constant 0 : i32
    %dma_wait3A_704 = tpu.memref_slice %arg6[%dma_wait3A_701, %dma_wait3A_702, %dma_wait3A_703] : memref<2x128x216xf32, #tpu.memory_space<vmem>> -> memref<1x128x216xf32, #tpu.memory_space<vmem>>
    %dma_wait3A_705 = tpu.memref_squeeze %dma_wait3A_704 : memref<1x128x216xf32, #tpu.memory_space<vmem>> -> memref<128x216xf32, #tpu.memory_space<vmem>>
    %dma_wait3A_706 = arith.constant 0 : i32
    %dma_wait3A_707 = tpu.memref_slice %arg2[%add3A_631, %dma_wait3A_706] : memref<65536x216xf32, #tpu.memory_space<hbm>> -> memref<128x216xf32, #tpu.memory_space<hbm>>
    %dma_wait3A_708 = arith.constant 0 : i32
    %dma_wait3A_709 = arith.constant 0 : i32
    %dma_wait3A_710 = tpu.memref_slice %arg6[%dma_wait3A_701, %dma_wait3A_708, %dma_wait3A_709] : memref<2x128x216xf32, #tpu.memory_space<vmem>> -> memref<1x128x216xf32, #tpu.memory_space<vmem>>
    %dma_wait3A_711 = tpu.memref_squeeze %dma_wait3A_710 : memref<1x128x216xf32, #tpu.memory_space<vmem>> -> memref<128x216xf32, #tpu.memory_space<vmem>>
    %dma_wait3A_712 = arith.constant 0 : i32
    %dma_wait3A_713 = tpu.memref_slice %arg2[%add3A_631, %dma_wait3A_712] : memref<65536x216xf32, #tpu.memory_space<hbm>> -> memref<128x216xf32, #tpu.memory_space<hbm>>
    tpu.wait_dma2 semaphore(%arg12 : memref<!tpu.dma_semaphore, #tpu.memory_space<semaphore_mem>>) src(%dma_wait3A_713 : memref<128x216xf32, #tpu.memory_space<hbm>>) dst(%dma_wait3A_711 : memref<128x216xf32, #tpu.memory_space<vmem>>)
    %add3A_714 = arith.constant 1536 : i32
    %add3A_715 = arith.addi %mul3A_2, %add3A_714 : i32
    %dma_start3A_716 = arith.constant 0 : i32
    %dma_start3A_717 = arith.constant 0 : i32
    %dma_start3A_718 = arith.constant 0 : i32
    %dma_start3A_719 = tpu.memref_slice %arg6[%dma_start3A_716, %dma_start3A_717, %dma_start3A_718] : memref<2x128x216xf32, #tpu.memory_space<vmem>> -> memref<1x128x216xf32, #tpu.memory_space<vmem>>
    %dma_start3A_720 = tpu.memref_squeeze %dma_start3A_719 : memref<1x128x216xf32, #tpu.memory_space<vmem>> -> memref<128x216xf32, #tpu.memory_space<vmem>>
    %dma_start3A_721 = arith.constant 0 : i32
    %dma_start3A_722 = tpu.memref_slice %arg5[%add3A_715, %dma_start3A_721] : memref<65544x216xf32, #tpu.memory_space<hbm>> -> memref<128x216xf32, #tpu.memory_space<hbm>>
    %dma_start3A_723 = arith.constant 0 : i32
    %dma_start3A_724 = tpu.memref_slice %arg5[%add3A_715, %dma_start3A_723] : memref<65544x216xf32, #tpu.memory_space<hbm>> -> memref<128x216xf32, #tpu.memory_space<hbm>>
    %dma_start3A_725 = arith.constant 0 : i32
    %dma_start3A_726 = arith.constant 0 : i32
    %dma_start3A_727 = tpu.memref_slice %arg6[%dma_start3A_716, %dma_start3A_725, %dma_start3A_726] : memref<2x128x216xf32, #tpu.memory_space<vmem>> -> memref<1x128x216xf32, #tpu.memory_space<vmem>>
    %dma_start3A_728 = tpu.memref_squeeze %dma_start3A_727 : memref<1x128x216xf32, #tpu.memory_space<vmem>> -> memref<128x216xf32, #tpu.memory_space<vmem>>
    tpu.enqueue_dma source(%dma_start3A_728 : memref<128x216xf32, #tpu.memory_space<vmem>>) target(%dma_start3A_724 : memref<128x216xf32, #tpu.memory_space<hbm>>) target_semaphore(%arg14 : memref<!tpu.dma_semaphore, #tpu.memory_space<semaphore_mem>>)
    %dma_wait3A_729 = arith.constant 0 : i32
    %dma_wait3A_730 = arith.constant 0 : i32
    %dma_wait3A_731 = arith.constant 0 : i32
    %dma_wait3A_732 = tpu.memref_slice %arg6[%dma_wait3A_729, %dma_wait3A_730, %dma_wait3A_731] : memref<2x128x216xf32, #tpu.memory_space<vmem>> -> memref<1x128x216xf32, #tpu.memory_space<vmem>>
    %dma_wait3A_733 = tpu.memref_squeeze %dma_wait3A_732 : memref<1x128x216xf32, #tpu.memory_space<vmem>> -> memref<128x216xf32, #tpu.memory_space<vmem>>
    %dma_wait3A_734 = arith.constant 0 : i32
    %dma_wait3A_735 = tpu.memref_slice %arg5[%add3A_715, %dma_wait3A_734] : memref<65544x216xf32, #tpu.memory_space<hbm>> -> memref<128x216xf32, #tpu.memory_space<hbm>>
    %dma_wait3A_736 = arith.constant 0 : i32
    %dma_wait3A_737 = tpu.memref_slice %arg5[%add3A_715, %dma_wait3A_736] : memref<65544x216xf32, #tpu.memory_space<hbm>> -> memref<128x216xf32, #tpu.memory_space<hbm>>
    %dma_wait3A_738 = arith.constant 0 : i32
    %dma_wait3A_739 = arith.constant 0 : i32
    %dma_wait3A_740 = tpu.memref_slice %arg6[%dma_wait3A_729, %dma_wait3A_738, %dma_wait3A_739] : memref<2x128x216xf32, #tpu.memory_space<vmem>> -> memref<1x128x216xf32, #tpu.memory_space<vmem>>
    %dma_wait3A_741 = tpu.memref_squeeze %dma_wait3A_740 : memref<1x128x216xf32, #tpu.memory_space<vmem>> -> memref<128x216xf32, #tpu.memory_space<vmem>>
    tpu.wait_dma2 semaphore(%arg14 : memref<!tpu.dma_semaphore, #tpu.memory_space<semaphore_mem>>) src(%dma_wait3A_741 : memref<128x216xf32, #tpu.memory_space<vmem>>) dst(%dma_wait3A_737 : memref<128x216xf32, #tpu.memory_space<hbm>>)
    %add3A_742 = arith.constant 1792 : i32
    %add3A_743 = arith.addi %mul3A_2, %add3A_742 : i32
    %dma_start3A_744 = arith.constant 0 : i32
    %dma_start3A_745 = arith.constant 0 : i32
    %dma_start3A_746 = arith.constant 0 : i32
    %dma_start3A_747 = tpu.memref_slice %arg6[%dma_start3A_744, %dma_start3A_745, %dma_start3A_746] : memref<2x128x216xf32, #tpu.memory_space<vmem>> -> memref<1x128x216xf32, #tpu.memory_space<vmem>>
    %dma_start3A_748 = tpu.memref_squeeze %dma_start3A_747 : memref<1x128x216xf32, #tpu.memory_space<vmem>> -> memref<128x216xf32, #tpu.memory_space<vmem>>
    %dma_start3A_749 = arith.constant 0 : i32
    %dma_start3A_750 = tpu.memref_slice %arg2[%add3A_743, %dma_start3A_749] : memref<65536x216xf32, #tpu.memory_space<hbm>> -> memref<128x216xf32, #tpu.memory_space<hbm>>
    %dma_start3A_751 = arith.constant 0 : i32
    %dma_start3A_752 = arith.constant 0 : i32
    %dma_start3A_753 = tpu.memref_slice %arg6[%dma_start3A_744, %dma_start3A_751, %dma_start3A_752] : memref<2x128x216xf32, #tpu.memory_space<vmem>> -> memref<1x128x216xf32, #tpu.memory_space<vmem>>
    %dma_start3A_754 = tpu.memref_squeeze %dma_start3A_753 : memref<1x128x216xf32, #tpu.memory_space<vmem>> -> memref<128x216xf32, #tpu.memory_space<vmem>>
    %dma_start3A_755 = arith.constant 0 : i32
    %dma_start3A_756 = tpu.memref_slice %arg2[%add3A_743, %dma_start3A_755] : memref<65536x216xf32, #tpu.memory_space<hbm>> -> memref<128x216xf32, #tpu.memory_space<hbm>>
    tpu.enqueue_dma source(%dma_start3A_756 : memref<128x216xf32, #tpu.memory_space<hbm>>) target(%dma_start3A_754 : memref<128x216xf32, #tpu.memory_space<vmem>>) target_semaphore(%arg12 : memref<!tpu.dma_semaphore, #tpu.memory_space<semaphore_mem>>)
    %dma_wait3A_757 = arith.constant 1 : i32
    %dma_wait3A_758 = arith.constant 0 : i32
    %dma_wait3A_759 = arith.constant 0 : i32
    %dma_wait3A_760 = tpu.memref_slice %arg6[%dma_wait3A_757, %dma_wait3A_758, %dma_wait3A_759] : memref<2x128x216xf32, #tpu.memory_space<vmem>> -> memref<1x128x216xf32, #tpu.memory_space<vmem>>
    %dma_wait3A_761 = tpu.memref_squeeze %dma_wait3A_760 : memref<1x128x216xf32, #tpu.memory_space<vmem>> -> memref<128x216xf32, #tpu.memory_space<vmem>>
    %dma_wait3A_762 = arith.constant 0 : i32
    %dma_wait3A_763 = tpu.memref_slice %arg2[%add3A_687, %dma_wait3A_762] : memref<65536x216xf32, #tpu.memory_space<hbm>> -> memref<128x216xf32, #tpu.memory_space<hbm>>
    %dma_wait3A_764 = arith.constant 0 : i32
    %dma_wait3A_765 = arith.constant 0 : i32
    %dma_wait3A_766 = tpu.memref_slice %arg6[%dma_wait3A_757, %dma_wait3A_764, %dma_wait3A_765] : memref<2x128x216xf32, #tpu.memory_space<vmem>> -> memref<1x128x216xf32, #tpu.memory_space<vmem>>
    %dma_wait3A_767 = tpu.memref_squeeze %dma_wait3A_766 : memref<1x128x216xf32, #tpu.memory_space<vmem>> -> memref<128x216xf32, #tpu.memory_space<vmem>>
    %dma_wait3A_768 = arith.constant 0 : i32
    %dma_wait3A_769 = tpu.memref_slice %arg2[%add3A_687, %dma_wait3A_768] : memref<65536x216xf32, #tpu.memory_space<hbm>> -> memref<128x216xf32, #tpu.memory_space<hbm>>
    tpu.wait_dma2 semaphore(%arg13 : memref<!tpu.dma_semaphore, #tpu.memory_space<semaphore_mem>>) src(%dma_wait3A_769 : memref<128x216xf32, #tpu.memory_space<hbm>>) dst(%dma_wait3A_767 : memref<128x216xf32, #tpu.memory_space<vmem>>)
    %add3A_770 = arith.constant 1664 : i32
    %add3A_771 = arith.addi %mul3A_2, %add3A_770 : i32
    %dma_start3A_772 = arith.constant 1 : i32
    %dma_start3A_773 = arith.constant 0 : i32
    %dma_start3A_774 = arith.constant 0 : i32
    %dma_start3A_775 = tpu.memref_slice %arg6[%dma_start3A_772, %dma_start3A_773, %dma_start3A_774] : memref<2x128x216xf32, #tpu.memory_space<vmem>> -> memref<1x128x216xf32, #tpu.memory_space<vmem>>
    %dma_start3A_776 = tpu.memref_squeeze %dma_start3A_775 : memref<1x128x216xf32, #tpu.memory_space<vmem>> -> memref<128x216xf32, #tpu.memory_space<vmem>>
    %dma_start3A_777 = arith.constant 0 : i32
    %dma_start3A_778 = tpu.memref_slice %arg5[%add3A_771, %dma_start3A_777] : memref<65544x216xf32, #tpu.memory_space<hbm>> -> memref<128x216xf32, #tpu.memory_space<hbm>>
    %dma_start3A_779 = arith.constant 0 : i32
    %dma_start3A_780 = tpu.memref_slice %arg5[%add3A_771, %dma_start3A_779] : memref<65544x216xf32, #tpu.memory_space<hbm>> -> memref<128x216xf32, #tpu.memory_space<hbm>>
    %dma_start3A_781 = arith.constant 0 : i32
    %dma_start3A_782 = arith.constant 0 : i32
    %dma_start3A_783 = tpu.memref_slice %arg6[%dma_start3A_772, %dma_start3A_781, %dma_start3A_782] : memref<2x128x216xf32, #tpu.memory_space<vmem>> -> memref<1x128x216xf32, #tpu.memory_space<vmem>>
    %dma_start3A_784 = tpu.memref_squeeze %dma_start3A_783 : memref<1x128x216xf32, #tpu.memory_space<vmem>> -> memref<128x216xf32, #tpu.memory_space<vmem>>
    tpu.enqueue_dma source(%dma_start3A_784 : memref<128x216xf32, #tpu.memory_space<vmem>>) target(%dma_start3A_780 : memref<128x216xf32, #tpu.memory_space<hbm>>) target_semaphore(%arg15 : memref<!tpu.dma_semaphore, #tpu.memory_space<semaphore_mem>>)
    %dma_wait3A_785 = arith.constant 1 : i32
    %dma_wait3A_786 = arith.constant 0 : i32
    %dma_wait3A_787 = arith.constant 0 : i32
    %dma_wait3A_788 = tpu.memref_slice %arg6[%dma_wait3A_785, %dma_wait3A_786, %dma_wait3A_787] : memref<2x128x216xf32, #tpu.memory_space<vmem>> -> memref<1x128x216xf32, #tpu.memory_space<vmem>>
    %dma_wait3A_789 = tpu.memref_squeeze %dma_wait3A_788 : memref<1x128x216xf32, #tpu.memory_space<vmem>> -> memref<128x216xf32, #tpu.memory_space<vmem>>
    %dma_wait3A_790 = arith.constant 0 : i32
    %dma_wait3A_791 = tpu.memref_slice %arg5[%add3A_771, %dma_wait3A_790] : memref<65544x216xf32, #tpu.memory_space<hbm>> -> memref<128x216xf32, #tpu.memory_space<hbm>>
    %dma_wait3A_792 = arith.constant 0 : i32
    %dma_wait3A_793 = tpu.memref_slice %arg5[%add3A_771, %dma_wait3A_792] : memref<65544x216xf32, #tpu.memory_space<hbm>> -> memref<128x216xf32, #tpu.memory_space<hbm>>
    %dma_wait3A_794 = arith.constant 0 : i32
    %dma_wait3A_795 = arith.constant 0 : i32
    %dma_wait3A_796 = tpu.memref_slice %arg6[%dma_wait3A_785, %dma_wait3A_794, %dma_wait3A_795] : memref<2x128x216xf32, #tpu.memory_space<vmem>> -> memref<1x128x216xf32, #tpu.memory_space<vmem>>
    %dma_wait3A_797 = tpu.memref_squeeze %dma_wait3A_796 : memref<1x128x216xf32, #tpu.memory_space<vmem>> -> memref<128x216xf32, #tpu.memory_space<vmem>>
    tpu.wait_dma2 semaphore(%arg15 : memref<!tpu.dma_semaphore, #tpu.memory_space<semaphore_mem>>) src(%dma_wait3A_797 : memref<128x216xf32, #tpu.memory_space<vmem>>) dst(%dma_wait3A_793 : memref<128x216xf32, #tpu.memory_space<hbm>>)
    %add3A_798 = arith.constant 1920 : i32
    %add3A_799 = arith.addi %mul3A_2, %add3A_798 : i32
    %dma_start3A_800 = arith.constant 1 : i32
    %dma_start3A_801 = arith.constant 0 : i32
    %dma_start3A_802 = arith.constant 0 : i32
    %dma_start3A_803 = tpu.memref_slice %arg6[%dma_start3A_800, %dma_start3A_801, %dma_start3A_802] : memref<2x128x216xf32, #tpu.memory_space<vmem>> -> memref<1x128x216xf32, #tpu.memory_space<vmem>>
    %dma_start3A_804 = tpu.memref_squeeze %dma_start3A_803 : memref<1x128x216xf32, #tpu.memory_space<vmem>> -> memref<128x216xf32, #tpu.memory_space<vmem>>
    %dma_start3A_805 = arith.constant 0 : i32
    %dma_start3A_806 = tpu.memref_slice %arg2[%add3A_799, %dma_start3A_805] : memref<65536x216xf32, #tpu.memory_space<hbm>> -> memref<128x216xf32, #tpu.memory_space<hbm>>
    %dma_start3A_807 = arith.constant 0 : i32
    %dma_start3A_808 = arith.constant 0 : i32
    %dma_start3A_809 = tpu.memref_slice %arg6[%dma_start3A_800, %dma_start3A_807, %dma_start3A_808] : memref<2x128x216xf32, #tpu.memory_space<vmem>> -> memref<1x128x216xf32, #tpu.memory_space<vmem>>
    %dma_start3A_810 = tpu.memref_squeeze %dma_start3A_809 : memref<1x128x216xf32, #tpu.memory_space<vmem>> -> memref<128x216xf32, #tpu.memory_space<vmem>>
    %dma_start3A_811 = arith.constant 0 : i32
    %dma_start3A_812 = tpu.memref_slice %arg2[%add3A_799, %dma_start3A_811] : memref<65536x216xf32, #tpu.memory_space<hbm>> -> memref<128x216xf32, #tpu.memory_space<hbm>>
    tpu.enqueue_dma source(%dma_start3A_812 : memref<128x216xf32, #tpu.memory_space<hbm>>) target(%dma_start3A_810 : memref<128x216xf32, #tpu.memory_space<vmem>>) target_semaphore(%arg13 : memref<!tpu.dma_semaphore, #tpu.memory_space<semaphore_mem>>)
    %dma_wait3A_813 = arith.constant 0 : i32
    %dma_wait3A_814 = arith.constant 0 : i32
    %dma_wait3A_815 = arith.constant 0 : i32
    %dma_wait3A_816 = tpu.memref_slice %arg6[%dma_wait3A_813, %dma_wait3A_814, %dma_wait3A_815] : memref<2x128x216xf32, #tpu.memory_space<vmem>> -> memref<1x128x216xf32, #tpu.memory_space<vmem>>
    %dma_wait3A_817 = tpu.memref_squeeze %dma_wait3A_816 : memref<1x128x216xf32, #tpu.memory_space<vmem>> -> memref<128x216xf32, #tpu.memory_space<vmem>>
    %dma_wait3A_818 = arith.constant 0 : i32
    %dma_wait3A_819 = tpu.memref_slice %arg2[%add3A_743, %dma_wait3A_818] : memref<65536x216xf32, #tpu.memory_space<hbm>> -> memref<128x216xf32, #tpu.memory_space<hbm>>
    %dma_wait3A_820 = arith.constant 0 : i32
    %dma_wait3A_821 = arith.constant 0 : i32
    %dma_wait3A_822 = tpu.memref_slice %arg6[%dma_wait3A_813, %dma_wait3A_820, %dma_wait3A_821] : memref<2x128x216xf32, #tpu.memory_space<vmem>> -> memref<1x128x216xf32, #tpu.memory_space<vmem>>
    %dma_wait3A_823 = tpu.memref_squeeze %dma_wait3A_822 : memref<1x128x216xf32, #tpu.memory_space<vmem>> -> memref<128x216xf32, #tpu.memory_space<vmem>>
    %dma_wait3A_824 = arith.constant 0 : i32
    %dma_wait3A_825 = tpu.memref_slice %arg2[%add3A_743, %dma_wait3A_824] : memref<65536x216xf32, #tpu.memory_space<hbm>> -> memref<128x216xf32, #tpu.memory_space<hbm>>
    tpu.wait_dma2 semaphore(%arg12 : memref<!tpu.dma_semaphore, #tpu.memory_space<semaphore_mem>>) src(%dma_wait3A_825 : memref<128x216xf32, #tpu.memory_space<hbm>>) dst(%dma_wait3A_823 : memref<128x216xf32, #tpu.memory_space<vmem>>)
    %add3A_826 = arith.constant 1792 : i32
    %add3A_827 = arith.addi %mul3A_2, %add3A_826 : i32
    %dma_start3A_828 = arith.constant 0 : i32
    %dma_start3A_829 = arith.constant 0 : i32
    %dma_start3A_830 = arith.constant 0 : i32
    %dma_start3A_831 = tpu.memref_slice %arg6[%dma_start3A_828, %dma_start3A_829, %dma_start3A_830] : memref<2x128x216xf32, #tpu.memory_space<vmem>> -> memref<1x128x216xf32, #tpu.memory_space<vmem>>
    %dma_start3A_832 = tpu.memref_squeeze %dma_start3A_831 : memref<1x128x216xf32, #tpu.memory_space<vmem>> -> memref<128x216xf32, #tpu.memory_space<vmem>>
    %dma_start3A_833 = arith.constant 0 : i32
    %dma_start3A_834 = tpu.memref_slice %arg5[%add3A_827, %dma_start3A_833] : memref<65544x216xf32, #tpu.memory_space<hbm>> -> memref<128x216xf32, #tpu.memory_space<hbm>>
    %dma_start3A_835 = arith.constant 0 : i32
    %dma_start3A_836 = tpu.memref_slice %arg5[%add3A_827, %dma_start3A_835] : memref<65544x216xf32, #tpu.memory_space<hbm>> -> memref<128x216xf32, #tpu.memory_space<hbm>>
    %dma_start3A_837 = arith.constant 0 : i32
    %dma_start3A_838 = arith.constant 0 : i32
    %dma_start3A_839 = tpu.memref_slice %arg6[%dma_start3A_828, %dma_start3A_837, %dma_start3A_838] : memref<2x128x216xf32, #tpu.memory_space<vmem>> -> memref<1x128x216xf32, #tpu.memory_space<vmem>>
    %dma_start3A_840 = tpu.memref_squeeze %dma_start3A_839 : memref<1x128x216xf32, #tpu.memory_space<vmem>> -> memref<128x216xf32, #tpu.memory_space<vmem>>
    tpu.enqueue_dma source(%dma_start3A_840 : memref<128x216xf32, #tpu.memory_space<vmem>>) target(%dma_start3A_836 : memref<128x216xf32, #tpu.memory_space<hbm>>) target_semaphore(%arg14 : memref<!tpu.dma_semaphore, #tpu.memory_space<semaphore_mem>>)
    %dma_wait3A_841 = arith.constant 1 : i32
    %dma_wait3A_842 = arith.constant 0 : i32
    %dma_wait3A_843 = arith.constant 0 : i32
    %dma_wait3A_844 = tpu.memref_slice %arg6[%dma_wait3A_841, %dma_wait3A_842, %dma_wait3A_843] : memref<2x128x216xf32, #tpu.memory_space<vmem>> -> memref<1x128x216xf32, #tpu.memory_space<vmem>>
    %dma_wait3A_845 = tpu.memref_squeeze %dma_wait3A_844 : memref<1x128x216xf32, #tpu.memory_space<vmem>> -> memref<128x216xf32, #tpu.memory_space<vmem>>
    %dma_wait3A_846 = arith.constant 0 : i32
    %dma_wait3A_847 = tpu.memref_slice %arg2[%add3A_799, %dma_wait3A_846] : memref<65536x216xf32, #tpu.memory_space<hbm>> -> memref<128x216xf32, #tpu.memory_space<hbm>>
    %dma_wait3A_848 = arith.constant 0 : i32
    %dma_wait3A_849 = arith.constant 0 : i32
    %dma_wait3A_850 = tpu.memref_slice %arg6[%dma_wait3A_841, %dma_wait3A_848, %dma_wait3A_849] : memref<2x128x216xf32, #tpu.memory_space<vmem>> -> memref<1x128x216xf32, #tpu.memory_space<vmem>>
    %dma_wait3A_851 = tpu.memref_squeeze %dma_wait3A_850 : memref<1x128x216xf32, #tpu.memory_space<vmem>> -> memref<128x216xf32, #tpu.memory_space<vmem>>
    %dma_wait3A_852 = arith.constant 0 : i32
    %dma_wait3A_853 = tpu.memref_slice %arg2[%add3A_799, %dma_wait3A_852] : memref<65536x216xf32, #tpu.memory_space<hbm>> -> memref<128x216xf32, #tpu.memory_space<hbm>>
    tpu.wait_dma2 semaphore(%arg13 : memref<!tpu.dma_semaphore, #tpu.memory_space<semaphore_mem>>) src(%dma_wait3A_853 : memref<128x216xf32, #tpu.memory_space<hbm>>) dst(%dma_wait3A_851 : memref<128x216xf32, #tpu.memory_space<vmem>>)
    %add3A_854 = arith.constant 1920 : i32
    %add3A_855 = arith.addi %mul3A_2, %add3A_854 : i32
    %dma_start3A_856 = arith.constant 1 : i32
    %dma_start3A_857 = arith.constant 0 : i32
    %dma_start3A_858 = arith.constant 0 : i32
    %dma_start3A_859 = tpu.memref_slice %arg6[%dma_start3A_856, %dma_start3A_857, %dma_start3A_858] : memref<2x128x216xf32, #tpu.memory_space<vmem>> -> memref<1x128x216xf32, #tpu.memory_space<vmem>>
    %dma_start3A_860 = tpu.memref_squeeze %dma_start3A_859 : memref<1x128x216xf32, #tpu.memory_space<vmem>> -> memref<128x216xf32, #tpu.memory_space<vmem>>
    %dma_start3A_861 = arith.constant 0 : i32
    %dma_start3A_862 = tpu.memref_slice %arg5[%add3A_855, %dma_start3A_861] : memref<65544x216xf32, #tpu.memory_space<hbm>> -> memref<128x216xf32, #tpu.memory_space<hbm>>
    %dma_start3A_863 = arith.constant 0 : i32
    %dma_start3A_864 = tpu.memref_slice %arg5[%add3A_855, %dma_start3A_863] : memref<65544x216xf32, #tpu.memory_space<hbm>> -> memref<128x216xf32, #tpu.memory_space<hbm>>
    %dma_start3A_865 = arith.constant 0 : i32
    %dma_start3A_866 = arith.constant 0 : i32
    %dma_start3A_867 = tpu.memref_slice %arg6[%dma_start3A_856, %dma_start3A_865, %dma_start3A_866] : memref<2x128x216xf32, #tpu.memory_space<vmem>> -> memref<1x128x216xf32, #tpu.memory_space<vmem>>
    %dma_start3A_868 = tpu.memref_squeeze %dma_start3A_867 : memref<1x128x216xf32, #tpu.memory_space<vmem>> -> memref<128x216xf32, #tpu.memory_space<vmem>>
    tpu.enqueue_dma source(%dma_start3A_868 : memref<128x216xf32, #tpu.memory_space<vmem>>) target(%dma_start3A_864 : memref<128x216xf32, #tpu.memory_space<hbm>>) target_semaphore(%arg15 : memref<!tpu.dma_semaphore, #tpu.memory_space<semaphore_mem>>)
    %dma_wait3A_869 = arith.constant 0 : i32
    %dma_wait3A_870 = arith.constant 0 : i32
    %dma_wait3A_871 = arith.constant 0 : i32
    %dma_wait3A_872 = tpu.memref_slice %arg6[%dma_wait3A_869, %dma_wait3A_870, %dma_wait3A_871] : memref<2x128x216xf32, #tpu.memory_space<vmem>> -> memref<1x128x216xf32, #tpu.memory_space<vmem>>
    %dma_wait3A_873 = tpu.memref_squeeze %dma_wait3A_872 : memref<1x128x216xf32, #tpu.memory_space<vmem>> -> memref<128x216xf32, #tpu.memory_space<vmem>>
    %dma_wait3A_874 = arith.constant 0 : i32
    %dma_wait3A_875 = tpu.memref_slice %arg5[%add3A_827, %dma_wait3A_874] : memref<65544x216xf32, #tpu.memory_space<hbm>> -> memref<128x216xf32, #tpu.memory_space<hbm>>
    %dma_wait3A_876 = arith.constant 0 : i32
    %dma_wait3A_877 = tpu.memref_slice %arg5[%add3A_827, %dma_wait3A_876] : memref<65544x216xf32, #tpu.memory_space<hbm>> -> memref<128x216xf32, #tpu.memory_space<hbm>>
    %dma_wait3A_878 = arith.constant 0 : i32
    %dma_wait3A_879 = arith.constant 0 : i32
    %dma_wait3A_880 = tpu.memref_slice %arg6[%dma_wait3A_869, %dma_wait3A_878, %dma_wait3A_879] : memref<2x128x216xf32, #tpu.memory_space<vmem>> -> memref<1x128x216xf32, #tpu.memory_space<vmem>>
    %dma_wait3A_881 = tpu.memref_squeeze %dma_wait3A_880 : memref<1x128x216xf32, #tpu.memory_space<vmem>> -> memref<128x216xf32, #tpu.memory_space<vmem>>
    tpu.wait_dma2 semaphore(%arg14 : memref<!tpu.dma_semaphore, #tpu.memory_space<semaphore_mem>>) src(%dma_wait3A_881 : memref<128x216xf32, #tpu.memory_space<vmem>>) dst(%dma_wait3A_877 : memref<128x216xf32, #tpu.memory_space<hbm>>)
    %dma_wait3A_882 = arith.constant 1 : i32
    %dma_wait3A_883 = arith.constant 0 : i32
    %dma_wait3A_884 = arith.constant 0 : i32
    %dma_wait3A_885 = tpu.memref_slice %arg6[%dma_wait3A_882, %dma_wait3A_883, %dma_wait3A_884] : memref<2x128x216xf32, #tpu.memory_space<vmem>> -> memref<1x128x216xf32, #tpu.memory_space<vmem>>
    %dma_wait3A_886 = tpu.memref_squeeze %dma_wait3A_885 : memref<1x128x216xf32, #tpu.memory_space<vmem>> -> memref<128x216xf32, #tpu.memory_space<vmem>>
    %dma_wait3A_887 = arith.constant 0 : i32
    %dma_wait3A_888 = tpu.memref_slice %arg5[%add3A_855, %dma_wait3A_887] : memref<65544x216xf32, #tpu.memory_space<hbm>> -> memref<128x216xf32, #tpu.memory_space<hbm>>
    %dma_wait3A_889 = arith.constant 0 : i32
    %dma_wait3A_890 = tpu.memref_slice %arg5[%add3A_855, %dma_wait3A_889] : memref<65544x216xf32, #tpu.memory_space<hbm>> -> memref<128x216xf32, #tpu.memory_space<hbm>>
    %dma_wait3A_891 = arith.constant 0 : i32
    %dma_wait3A_892 = arith.constant 0 : i32
    %dma_wait3A_893 = tpu.memref_slice %arg6[%dma_wait3A_882, %dma_wait3A_891, %dma_wait3A_892] : memref<2x128x216xf32, #tpu.memory_space<vmem>> -> memref<1x128x216xf32, #tpu.memory_space<vmem>>
    %dma_wait3A_894 = tpu.memref_squeeze %dma_wait3A_893 : memref<1x128x216xf32, #tpu.memory_space<vmem>> -> memref<128x216xf32, #tpu.memory_space<vmem>>
    tpu.wait_dma2 semaphore(%arg15 : memref<!tpu.dma_semaphore, #tpu.memory_space<semaphore_mem>>) src(%dma_wait3A_894 : memref<128x216xf32, #tpu.memory_space<vmem>>) dst(%dma_wait3A_890 : memref<128x216xf32, #tpu.memory_space<hbm>>)
    "tpu.region"() ({
      %run_scoped3A = tpu.sem_alloc : memref<!tpu.dma_semaphore, #tpu.memory_space<semaphore_mem>>
      tpu.enqueue_dma source(%arg3 : memref<4096xi32, #tpu.memory_space<hbm>>) target(%arg7 : memref<4096xi32, #tpu.memory_space<vmem>>) target_semaphore(%run_scoped3A : memref<!tpu.dma_semaphore, #tpu.memory_space<semaphore_mem>>)
      tpu.wait_dma2 semaphore(%run_scoped3A : memref<!tpu.dma_semaphore, #tpu.memory_space<semaphore_mem>>) src(%arg3 : memref<4096xi32, #tpu.memory_space<hbm>>) dst(%arg7 : memref<4096xi32, #tpu.memory_space<vmem>>)
      tpu.yield
    }) : () -> ()
    %iota3A = tpu.iota {dimensions = array<i32: 0>} : vector<16xi32>
    %broadcast_in_dim3A = arith.constant 65536 : i32
    %broadcast_in_dim3A_895 = vector.broadcast %broadcast_in_dim3A : i32 to vector<16xi32>
    %swap3A = arith.constant 0 : index
    %swap3A_896 = tpu.vector_load %arg8[%swap3A] {strides = array<i32>} : memref<272xi32, #tpu.memory_space<vmem>>, vector<16xi32>,
    tpu.vector_store %arg8[%swap3A], %broadcast_in_dim3A_895 {strides = array<i32>} : memref<272xi32, #tpu.memory_space<vmem>>, vector<16xi32>,
    %broadcast_in_dim3A_897 = arith.constant 0 : i32
    %broadcast_in_dim3A_898 = vector.broadcast %broadcast_in_dim3A_897 : i32 to vector<16xi32>
    %swap3A_899 = arith.constant 0 : index
    %swap3A_900 = tpu.vector_load %arg9[%swap3A_899] {strides = array<i32>} : memref<272xi32, #tpu.memory_space<vmem>>, vector<16xi32>,
    tpu.vector_store %arg9[%swap3A_899], %broadcast_in_dim3A_898 {strides = array<i32>} : memref<272xi32, #tpu.memory_space<vmem>>, vector<16xi32>,
    %broadcast_in_dim3A_901 = arith.constant 65536 : i32
    %broadcast_in_dim3A_902 = vector.broadcast %broadcast_in_dim3A_901 : i32 to vector<16xi32>
    %swap3A_903 = arith.constant 16 : index
    %swap3A_904 = tpu.vector_load %arg8[%swap3A_903] {strides = array<i32>} : memref<272xi32, #tpu.memory_space<vmem>>, vector<16xi32>,
    tpu.vector_store %arg8[%swap3A_903], %broadcast_in_dim3A_902 {strides = array<i32>} : memref<272xi32, #tpu.memory_space<vmem>>, vector<16xi32>,
    %broadcast_in_dim3A_905 = arith.constant 0 : i32
    %broadcast_in_dim3A_906 = vector.broadcast %broadcast_in_dim3A_905 : i32 to vector<16xi32>
    %swap3A_907 = arith.constant 16 : index
    %swap3A_908 = tpu.vector_load %arg9[%swap3A_907] {strides = array<i32>} : memref<272xi32, #tpu.memory_space<vmem>>, vector<16xi32>,
    tpu.vector_store %arg9[%swap3A_907], %broadcast_in_dim3A_906 {strides = array<i32>} : memref<272xi32, #tpu.memory_space<vmem>>, vector<16xi32>,
    %broadcast_in_dim3A_909 = arith.constant 65536 : i32
    %broadcast_in_dim3A_910 = vector.broadcast %broadcast_in_dim3A_909 : i32 to vector<16xi32>
    %swap3A_911 = arith.constant 32 : index
    %swap3A_912 = tpu.vector_load %arg8[%swap3A_911] {strides = array<i32>} : memref<272xi32, #tpu.memory_space<vmem>>, vector<16xi32>,
    tpu.vector_store %arg8[%swap3A_911], %broadcast_in_dim3A_910 {strides = array<i32>} : memref<272xi32, #tpu.memory_space<vmem>>, vector<16xi32>,
    %broadcast_in_dim3A_913 = arith.constant 0 : i32
    %broadcast_in_dim3A_914 = vector.broadcast %broadcast_in_dim3A_913 : i32 to vector<16xi32>
    %swap3A_915 = arith.constant 32 : index
    %swap3A_916 = tpu.vector_load %arg9[%swap3A_915] {strides = array<i32>} : memref<272xi32, #tpu.memory_space<vmem>>, vector<16xi32>,
    tpu.vector_store %arg9[%swap3A_915], %broadcast_in_dim3A_914 {strides = array<i32>} : memref<272xi32, #tpu.memory_space<vmem>>, vector<16xi32>,
    %broadcast_in_dim3A_917 = arith.constant 65536 : i32
    %broadcast_in_dim3A_918 = vector.broadcast %broadcast_in_dim3A_917 : i32 to vector<16xi32>
    %swap3A_919 = arith.constant 48 : index
    %swap3A_920 = tpu.vector_load %arg8[%swap3A_919] {strides = array<i32>} : memref<272xi32, #tpu.memory_space<vmem>>, vector<16xi32>,
    tpu.vector_store %arg8[%swap3A_919], %broadcast_in_dim3A_918 {strides = array<i32>} : memref<272xi32, #tpu.memory_space<vmem>>, vector<16xi32>,
    %broadcast_in_dim3A_921 = arith.constant 0 : i32
    %broadcast_in_dim3A_922 = vector.broadcast %broadcast_in_dim3A_921 : i32 to vector<16xi32>
    %swap3A_923 = arith.constant 48 : index
    %swap3A_924 = tpu.vector_load %arg9[%swap3A_923] {strides = array<i32>} : memref<272xi32, #tpu.memory_space<vmem>>, vector<16xi32>,
    tpu.vector_store %arg9[%swap3A_923], %broadcast_in_dim3A_922 {strides = array<i32>} : memref<272xi32, #tpu.memory_space<vmem>>, vector<16xi32>,
    %broadcast_in_dim3A_925 = arith.constant 65536 : i32
    %broadcast_in_dim3A_926 = vector.broadcast %broadcast_in_dim3A_925 : i32 to vector<16xi32>
    %swap3A_927 = arith.constant 64 : index
    %swap3A_928 = tpu.vector_load %arg8[%swap3A_927] {strides = array<i32>} : memref<272xi32, #tpu.memory_space<vmem>>, vector<16xi32>,
    tpu.vector_store %arg8[%swap3A_927], %broadcast_in_dim3A_926 {strides = array<i32>} : memref<272xi32, #tpu.memory_space<vmem>>, vector<16xi32>,
    %broadcast_in_dim3A_929 = arith.constant 0 : i32
    %broadcast_in_dim3A_930 = vector.broadcast %broadcast_in_dim3A_929 : i32 to vector<16xi32>
    %swap3A_931 = arith.constant 64 : index
    %swap3A_932 = tpu.vector_load %arg9[%swap3A_931] {strides = array<i32>} : memref<272xi32, #tpu.memory_space<vmem>>, vector<16xi32>,
    tpu.vector_store %arg9[%swap3A_931], %broadcast_in_dim3A_930 {strides = array<i32>} : memref<272xi32, #tpu.memory_space<vmem>>, vector<16xi32>,
    %broadcast_in_dim3A_933 = arith.constant 65536 : i32
    %broadcast_in_dim3A_934 = vector.broadcast %broadcast_in_dim3A_933 : i32 to vector<16xi32>
    %swap3A_935 = arith.constant 80 : index
    %swap3A_936 = tpu.vector_load %arg8[%swap3A_935] {strides = array<i32>} : memref<272xi32, #tpu.memory_space<vmem>>, vector<16xi32>,
    tpu.vector_store %arg8[%swap3A_935], %broadcast_in_dim3A_934 {strides = array<i32>} : memref<272xi32, #tpu.memory_space<vmem>>, vector<16xi32>,
    %broadcast_in_dim3A_937 = arith.constant 0 : i32
    %broadcast_in_dim3A_938 = vector.broadcast %broadcast_in_dim3A_937 : i32 to vector<16xi32>
    %swap3A_939 = arith.constant 80 : index
    %swap3A_940 = tpu.vector_load %arg9[%swap3A_939] {strides = array<i32>} : memref<272xi32, #tpu.memory_space<vmem>>, vector<16xi32>,
    tpu.vector_store %arg9[%swap3A_939], %broadcast_in_dim3A_938 {strides = array<i32>} : memref<272xi32, #tpu.memory_space<vmem>>, vector<16xi32>,
    %broadcast_in_dim3A_941 = arith.constant 65536 : i32
    %broadcast_in_dim3A_942 = vector.broadcast %broadcast_in_dim3A_941 : i32 to vector<16xi32>
    %swap3A_943 = arith.constant 96 : index
    %swap3A_944 = tpu.vector_load %arg8[%swap3A_943] {strides = array<i32>} : memref<272xi32, #tpu.memory_space<vmem>>, vector<16xi32>,
    tpu.vector_store %arg8[%swap3A_943], %broadcast_in_dim3A_942 {strides = array<i32>} : memref<272xi32, #tpu.memory_space<vmem>>, vector<16xi32>,
    %broadcast_in_dim3A_945 = arith.constant 0 : i32
    %broadcast_in_dim3A_946 = vector.broadcast %broadcast_in_dim3A_945 : i32 to vector<16xi32>
    %swap3A_947 = arith.constant 96 : index
    %swap3A_948 = tpu.vector_load %arg9[%swap3A_947] {strides = array<i32>} : memref<272xi32, #tpu.memory_space<vmem>>, vector<16xi32>,
    tpu.vector_store %arg9[%swap3A_947], %broadcast_in_dim3A_946 {strides = array<i32>} : memref<272xi32, #tpu.memory_space<vmem>>, vector<16xi32>,
    %broadcast_in_dim3A_949 = arith.constant 65536 : i32
    %broadcast_in_dim3A_950 = vector.broadcast %broadcast_in_dim3A_949 : i32 to vector<16xi32>
    %swap3A_951 = arith.constant 112 : index
    %swap3A_952 = tpu.vector_load %arg8[%swap3A_951] {strides = array<i32>} : memref<272xi32, #tpu.memory_space<vmem>>, vector<16xi32>,
    tpu.vector_store %arg8[%swap3A_951], %broadcast_in_dim3A_950 {strides = array<i32>} : memref<272xi32, #tpu.memory_space<vmem>>, vector<16xi32>,
    %broadcast_in_dim3A_953 = arith.constant 0 : i32
    %broadcast_in_dim3A_954 = vector.broadcast %broadcast_in_dim3A_953 : i32 to vector<16xi32>
    %swap3A_955 = arith.constant 112 : index
    %swap3A_956 = tpu.vector_load %arg9[%swap3A_955] {strides = array<i32>} : memref<272xi32, #tpu.memory_space<vmem>>, vector<16xi32>,
    tpu.vector_store %arg9[%swap3A_955], %broadcast_in_dim3A_954 {strides = array<i32>} : memref<272xi32, #tpu.memory_space<vmem>>, vector<16xi32>,
    %broadcast_in_dim3A_957 = arith.constant 65536 : i32
    %broadcast_in_dim3A_958 = vector.broadcast %broadcast_in_dim3A_957 : i32 to vector<16xi32>
    %swap3A_959 = arith.constant 128 : index
    %swap3A_960 = tpu.vector_load %arg8[%swap3A_959] {strides = array<i32>} : memref<272xi32, #tpu.memory_space<vmem>>, vector<16xi32>,
    tpu.vector_store %arg8[%swap3A_959], %broadcast_in_dim3A_958 {strides = array<i32>} : memref<272xi32, #tpu.memory_space<vmem>>, vector<16xi32>,
    %broadcast_in_dim3A_961 = arith.constant 0 : i32
    %broadcast_in_dim3A_962 = vector.broadcast %broadcast_in_dim3A_961 : i32 to vector<16xi32>
    %swap3A_963 = arith.constant 128 : index
    %swap3A_964 = tpu.vector_load %arg9[%swap3A_963] {strides = array<i32>} : memref<272xi32, #tpu.memory_space<vmem>>, vector<16xi32>,
    tpu.vector_store %arg9[%swap3A_963], %broadcast_in_dim3A_962 {strides = array<i32>} : memref<272xi32, #tpu.memory_space<vmem>>, vector<16xi32>,
    %broadcast_in_dim3A_965 = arith.constant 65536 : i32
    %broadcast_in_dim3A_966 = vector.broadcast %broadcast_in_dim3A_965 : i32 to vector<16xi32>
    %swap3A_967 = arith.constant 144 : index
    %swap3A_968 = tpu.vector_load %arg8[%swap3A_967] {strides = array<i32>} : memref<272xi32, #tpu.memory_space<vmem>>, vector<16xi32>,
    tpu.vector_store %arg8[%swap3A_967], %broadcast_in_dim3A_966 {strides = array<i32>} : memref<272xi32, #tpu.memory_space<vmem>>, vector<16xi32>,
    %broadcast_in_dim3A_969 = arith.constant 0 : i32
    %broadcast_in_dim3A_970 = vector.broadcast %broadcast_in_dim3A_969 : i32 to vector<16xi32>
    %swap3A_971 = arith.constant 144 : index
    %swap3A_972 = tpu.vector_load %arg9[%swap3A_971] {strides = array<i32>} : memref<272xi32, #tpu.memory_space<vmem>>, vector<16xi32>,
    tpu.vector_store %arg9[%swap3A_971], %broadcast_in_dim3A_970 {strides = array<i32>} : memref<272xi32, #tpu.memory_space<vmem>>, vector<16xi32>,
    %broadcast_in_dim3A_973 = arith.constant 65536 : i32
    %broadcast_in_dim3A_974 = vector.broadcast %broadcast_in_dim3A_973 : i32 to vector<16xi32>
    %swap3A_975 = arith.constant 160 : index
    %swap3A_976 = tpu.vector_load %arg8[%swap3A_975] {strides = array<i32>} : memref<272xi32, #tpu.memory_space<vmem>>, vector<16xi32>,
    tpu.vector_store %arg8[%swap3A_975], %broadcast_in_dim3A_974 {strides = array<i32>} : memref<272xi32, #tpu.memory_space<vmem>>, vector<16xi32>,
    %broadcast_in_dim3A_977 = arith.constant 0 : i32
    %broadcast_in_dim3A_978 = vector.broadcast %broadcast_in_dim3A_977 : i32 to vector<16xi32>
    %swap3A_979 = arith.constant 160 : index
    %swap3A_980 = tpu.vector_load %arg9[%swap3A_979] {strides = array<i32>} : memref<272xi32, #tpu.memory_space<vmem>>, vector<16xi32>,
    tpu.vector_store %arg9[%swap3A_979], %broadcast_in_dim3A_978 {strides = array<i32>} : memref<272xi32, #tpu.memory_space<vmem>>, vector<16xi32>,
    %broadcast_in_dim3A_981 = arith.constant 65536 : i32
    %broadcast_in_dim3A_982 = vector.broadcast %broadcast_in_dim3A_981 : i32 to vector<16xi32>
    %swap3A_983 = arith.constant 176 : index
    %swap3A_984 = tpu.vector_load %arg8[%swap3A_983] {strides = array<i32>} : memref<272xi32, #tpu.memory_space<vmem>>, vector<16xi32>,
    tpu.vector_store %arg8[%swap3A_983], %broadcast_in_dim3A_982 {strides = array<i32>} : memref<272xi32, #tpu.memory_space<vmem>>, vector<16xi32>,
    %broadcast_in_dim3A_985 = arith.constant 0 : i32
    %broadcast_in_dim3A_986 = vector.broadcast %broadcast_in_dim3A_985 : i32 to vector<16xi32>
    %swap3A_987 = arith.constant 176 : index
    %swap3A_988 = tpu.vector_load %arg9[%swap3A_987] {strides = array<i32>} : memref<272xi32, #tpu.memory_space<vmem>>, vector<16xi32>,
    tpu.vector_store %arg9[%swap3A_987], %broadcast_in_dim3A_986 {strides = array<i32>} : memref<272xi32, #tpu.memory_space<vmem>>, vector<16xi32>,
    %broadcast_in_dim3A_989 = arith.constant 65536 : i32
    %broadcast_in_dim3A_990 = vector.broadcast %broadcast_in_dim3A_989 : i32 to vector<16xi32>
    %swap3A_991 = arith.constant 192 : index
    %swap3A_992 = tpu.vector_load %arg8[%swap3A_991] {strides = array<i32>} : memref<272xi32, #tpu.memory_space<vmem>>, vector<16xi32>,
    tpu.vector_store %arg8[%swap3A_991], %broadcast_in_dim3A_990 {strides = array<i32>} : memref<272xi32, #tpu.memory_space<vmem>>, vector<16xi32>,
    %broadcast_in_dim3A_993 = arith.constant 0 : i32
    %broadcast_in_dim3A_994 = vector.broadcast %broadcast_in_dim3A_993 : i32 to vector<16xi32>
    %swap3A_995 = arith.constant 192 : index
    %swap3A_996 = tpu.vector_load %arg9[%swap3A_995] {strides = array<i32>} : memref<272xi32, #tpu.memory_space<vmem>>, vector<16xi32>,
    tpu.vector_store %arg9[%swap3A_995], %broadcast_in_dim3A_994 {strides = array<i32>} : memref<272xi32, #tpu.memory_space<vmem>>, vector<16xi32>,
    %broadcast_in_dim3A_997 = arith.constant 65536 : i32
    %broadcast_in_dim3A_998 = vector.broadcast %broadcast_in_dim3A_997 : i32 to vector<16xi32>
    %swap3A_999 = arith.constant 208 : index
    %swap3A_1000 = tpu.vector_load %arg8[%swap3A_999] {strides = array<i32>} : memref<272xi32, #tpu.memory_space<vmem>>, vector<16xi32>,
    tpu.vector_store %arg8[%swap3A_999], %broadcast_in_dim3A_998 {strides = array<i32>} : memref<272xi32, #tpu.memory_space<vmem>>, vector<16xi32>,
    %broadcast_in_dim3A_1001 = arith.constant 0 : i32
    %broadcast_in_dim3A_1002 = vector.broadcast %broadcast_in_dim3A_1001 : i32 to vector<16xi32>
    %swap3A_1003 = arith.constant 208 : index
    %swap3A_1004 = tpu.vector_load %arg9[%swap3A_1003] {strides = array<i32>} : memref<272xi32, #tpu.memory_space<vmem>>, vector<16xi32>,
    tpu.vector_store %arg9[%swap3A_1003], %broadcast_in_dim3A_1002 {strides = array<i32>} : memref<272xi32, #tpu.memory_space<vmem>>, vector<16xi32>,
    %broadcast_in_dim3A_1005 = arith.constant 65536 : i32
    %broadcast_in_dim3A_1006 = vector.broadcast %broadcast_in_dim3A_1005 : i32 to vector<16xi32>
    %swap3A_1007 = arith.constant 224 : index
    %swap3A_1008 = tpu.vector_load %arg8[%swap3A_1007] {strides = array<i32>} : memref<272xi32, #tpu.memory_space<vmem>>, vector<16xi32>,
    tpu.vector_store %arg8[%swap3A_1007], %broadcast_in_dim3A_1006 {strides = array<i32>} : memref<272xi32, #tpu.memory_space<vmem>>, vector<16xi32>,
    %broadcast_in_dim3A_1009 = arith.constant 0 : i32
    %broadcast_in_dim3A_1010 = vector.broadcast %broadcast_in_dim3A_1009 : i32 to vector<16xi32>
    %swap3A_1011 = arith.constant 224 : index
    %swap3A_1012 = tpu.vector_load %arg9[%swap3A_1011] {strides = array<i32>} : memref<272xi32, #tpu.memory_space<vmem>>, vector<16xi32>,
    tpu.vector_store %arg9[%swap3A_1011], %broadcast_in_dim3A_1010 {strides = array<i32>} : memref<272xi32, #tpu.memory_space<vmem>>, vector<16xi32>,
    %broadcast_in_dim3A_1013 = arith.constant 65536 : i32
    %broadcast_in_dim3A_1014 = vector.broadcast %broadcast_in_dim3A_1013 : i32 to vector<16xi32>
    %swap3A_1015 = arith.constant 240 : index
    %swap3A_1016 = tpu.vector_load %arg8[%swap3A_1015] {strides = array<i32>} : memref<272xi32, #tpu.memory_space<vmem>>, vector<16xi32>,
    tpu.vector_store %arg8[%swap3A_1015], %broadcast_in_dim3A_1014 {strides = array<i32>} : memref<272xi32, #tpu.memory_space<vmem>>, vector<16xi32>,
    %broadcast_in_dim3A_1017 = arith.constant 0 : i32
    %broadcast_in_dim3A_1018 = vector.broadcast %broadcast_in_dim3A_1017 : i32 to vector<16xi32>
    %swap3A_1019 = arith.constant 240 : index
    %swap3A_1020 = tpu.vector_load %arg9[%swap3A_1019] {strides = array<i32>} : memref<272xi32, #tpu.memory_space<vmem>>, vector<16xi32>,
    tpu.vector_store %arg9[%swap3A_1019], %broadcast_in_dim3A_1018 {strides = array<i32>} : memref<272xi32, #tpu.memory_space<vmem>>, vector<16xi32>,
    %broadcast_in_dim3A_1021 = arith.constant 65536 : i32
    %broadcast_in_dim3A_1022 = vector.broadcast %broadcast_in_dim3A_1021 : i32 to vector<16xi32>
    %swap3A_1023 = arith.constant 256 : index
    %swap3A_1024 = tpu.vector_load %arg8[%swap3A_1023] {strides = array<i32>} : memref<272xi32, #tpu.memory_space<vmem>>, vector<16xi32>,
    tpu.vector_store %arg8[%swap3A_1023], %broadcast_in_dim3A_1022 {strides = array<i32>} : memref<272xi32, #tpu.memory_space<vmem>>, vector<16xi32>,
    %broadcast_in_dim3A_1025 = arith.constant 0 : i32
    %broadcast_in_dim3A_1026 = vector.broadcast %broadcast_in_dim3A_1025 : i32 to vector<16xi32>
    %swap3A_1027 = arith.constant 256 : index
    %swap3A_1028 = tpu.vector_load %arg9[%swap3A_1027] {strides = array<i32>} : memref<272xi32, #tpu.memory_space<vmem>>, vector<16xi32>,
    tpu.vector_store %arg9[%swap3A_1027], %broadcast_in_dim3A_1026 {strides = array<i32>} : memref<272xi32, #tpu.memory_space<vmem>>, vector<16xi32>,
    %scan3A = arith.constant 0 : i32
    %scan3A_1029 = arith.constant 0 : i32
    %scan3A_1030 = arith.constant 256 : i32
    %scan3A_1031 = arith.addi %scan3A_1029, %scan3A_1030 : i32
    %scan3A_1032 = arith.constant 1 : i32
    %scan3A_1033 = scf.for %scan3A_1047 = %scan3A_1029 to %scan3A_1031 step %scan3A_1032 iter_args(%scan3A_1048 = %scan3A) -> (i32)  : i32 {
      %mul3A_1049 = arith.constant 16 : i32
      %mul3A_1050 = arith.muli %scan3A_1047, %mul3A_1049 : i32
      %get3A = arith.index_cast %mul3A_1050 : i32 to index
      %get3A_1051 = tpu.vector_load %arg7[%get3A] {strides = array<i32>} : memref<4096xi32, #tpu.memory_space<vmem>>, vector<16xi32>,
      %ge3A = vector.broadcast %mul3A_2 : i32 to vector<16xi32>
      %ge3A_1052 = arith.cmpi sge, %get3A_1051, %ge3A : vector<16xi32>
      %add3A_1053 = arith.constant 2048 : i32
      %add3A_1054 = arith.addi %mul3A_2, %add3A_1053 : i32
      %lt3A = vector.broadcast %add3A_1054 : i32 to vector<16xi32>
      %lt3A_1055 = arith.cmpi slt, %get3A_1051, %lt3A : vector<16xi32>
      %and3A = arith.andi %ge3A_1052, %lt3A_1055 : vector<16xi1>
      %jit3A = arith.constant 1 : i32
      %jit3A_1056 = arith.constant 0 : i32
      %broadcast_in_dim3A_1057 = vector.broadcast %jit3A : i32 to vector<16xi32>
      %broadcast_in_dim3A_1058 = vector.broadcast %jit3A_1056 : i32 to vector<16xi32>
      %select_n3A = arith.select %and3A, %broadcast_in_dim3A_1057, %broadcast_in_dim3A_1058 : vector<16xi1>, vector<16xi32>
      %broadcast_in_dim3A_1059 = arith.constant true
      %broadcast_in_dim3A_1060 = vector.broadcast %broadcast_in_dim3A_1059 : i1 to vector<16xi1>
      %masked_cumsum3A = tpu.scan <sum>, %select_n3A masked %broadcast_in_dim3A_1060 : vector<16xi32>, vector<16xi1> -> vector<16xi32>
      %add3A_1061 = vector.broadcast %scan3A_1048 : i32 to vector<16xi32>
      %add3A_1062 = arith.addi %add3A_1061, %masked_cumsum3A : vector<16xi32>
      %sub3A = arith.constant 1 : i32
      %sub3A_1063 = vector.broadcast %sub3A : i32 to vector<16xi32>
      %sub3A_1064 = arith.subi %add3A_1062, %sub3A_1063 : vector<16xi32>
      %lt3A_1065 = arith.constant 256 : i32
      %lt3A_1066 = vector.broadcast %lt3A_1065 : i32 to vector<16xi32>
      %lt3A_1067 = arith.cmpi slt, %sub3A_1064, %lt3A_1066 : vector<16xi32>
      %and3A_1068 = arith.andi %and3A, %lt3A_1067 : vector<16xi1>
      %add3A_1069 = arith.constant 256 : i32
      %add3A_1070 = vector.broadcast %add3A_1069 : i32 to vector<16xi32>
      %add3A_1071 = arith.addi %add3A_1070, %iota3A : vector<16xi32>
      %select_n3A_1072 = arith.select %and3A_1068, %sub3A_1064, %add3A_1071 : vector<16xi1>, vector<16xi32>
      %jit3A_1073 = arith.constant 65536 : i32
      %broadcast_in_dim3A_1074 = vector.broadcast %jit3A_1073 : i32 to vector<16xi32>
      %select_n3A_1075 = arith.select %and3A_1068, %get3A_1051, %broadcast_in_dim3A_1074 : vector<16xi1>, vector<16xi32>
      tpu.vector_store_idx %arg8[%select_n3A_1072], %select_n3A_1075 : memref<272xi32, #tpu.memory_space<vmem>>[vector<16xi32>], vector<16xi32>,
      %mul3A_1076 = arith.constant 16 : i32
      %mul3A_1077 = arith.muli %scan3A_1047, %mul3A_1076 : i32
      %add3A_1078 = vector.broadcast %mul3A_1077 : i32 to vector<16xi32>
      %add3A_1079 = arith.addi %add3A_1078, %iota3A : vector<16xi32>
      %jit3A_1080 = arith.constant 0 : i32
      %broadcast_in_dim3A_1081 = vector.broadcast %jit3A_1080 : i32 to vector<16xi32>
      %select_n3A_1082 = arith.select %and3A_1068, %add3A_1079, %broadcast_in_dim3A_1081 : vector<16xi1>, vector<16xi32>
      tpu.vector_store_idx %arg9[%select_n3A_1072], %select_n3A_1082 : memref<272xi32, #tpu.memory_space<vmem>>[vector<16xi32>], vector<16xi32>,
      %reduce_max3A = arith.constant true
      %reduce_max3A_1083 = vector.broadcast %reduce_max3A : i1 to vector<16xi1>
      %reduce_max3A_1084 = arith.constant -2147483648 : i32
      %reduce_max3A_1085 = vector.broadcast %reduce_max3A_1084 : i32 to vector<16xi32>
      %reduce_max3A_1086 = arith.xori %masked_cumsum3A, %reduce_max3A_1085 : vector<16xi32>
      %reduce_max3A_1087 = tpu.scan <max>, %reduce_max3A_1086 masked %reduce_max3A_1083 : vector<16xi32>, vector<16xi1> -> vector<16xi32>
      %reduce_max3A_1088 = arith.xori %reduce_max3A_1087, %reduce_max3A_1085 : vector<16xi32>
      %reduce_max3A_1089 = vector.extract %reduce_max3A_1088[15] : i32 from vector<16xi32>
      %add3A_1090 = arith.addi %scan3A_1048, %reduce_max3A_1089 : i32
      scf.yield %add3A_1090 : i32
    }
    %scan3A_1034 = arith.constant 256 : i32
    %dma_start3A_1035 = arith.constant 0 : i32
    %dma_start3A_1036 = arith.constant 0 : i32
    %dma_start3A_1037 = tpu.memref_slice %arg4[%dma_start3A_1035, %dma_start3A_1036] : memref<4096x216xf32, #tpu.memory_space<hbm>> -> memref<4096x216xf32, #tpu.memory_space<hbm>>
    tpu.enqueue_indirect_dma source(%dma_start3A_1037 : memref<4096x216xf32, #tpu.memory_space<hbm>>) target(%arg10 : memref<272x216xf32, #tpu.memory_space<vmem>>) offsets(%arg9 : memref<272xi32, #tpu.memory_space<vmem>>) semaphore(%arg11 : memref<!tpu.dma_semaphore, #tpu.memory_space<semaphore_mem>>)
    %dma_wait3A_1038 = arith.constant 0 : i32
    %dma_wait3A_1039 = arith.constant 0 : i32
    %dma_wait3A_1040 = tpu.memref_slice %arg4[%dma_wait3A_1038, %dma_wait3A_1039] : memref<4096x216xf32, #tpu.memory_space<hbm>> -> memref<4096x216xf32, #tpu.memory_space<hbm>>
    tpu.wait_indirect_dma semaphore(%arg11 : memref<!tpu.dma_semaphore, #tpu.memory_space<semaphore_mem>>) src(%dma_wait3A_1040 : memref<4096x216xf32, #tpu.memory_space<hbm>>) dst(%arg10 : memref<272x216xf32, #tpu.memory_space<vmem>>)
    %dma_start3A_1041 = arith.constant 0 : i32
    %dma_start3A_1042 = arith.constant 0 : i32
    %dma_start3A_1043 = tpu.memref_slice %arg5[%dma_start3A_1041, %dma_start3A_1042] : memref<65544x216xf32, #tpu.memory_space<hbm>> -> memref<65544x216xf32, #tpu.memory_space<hbm>>
    tpu.enqueue_indirect_dma source(%arg10 : memref<272x216xf32, #tpu.memory_space<vmem>>) target(%dma_start3A_1043 : memref<65544x216xf32, #tpu.memory_space<hbm>>) offsets(%arg8 : memref<272xi32, #tpu.memory_space<vmem>>) semaphore(%arg11 : memref<!tpu.dma_semaphore, #tpu.memory_space<semaphore_mem>>)
    %dma_wait3A_1044 = arith.constant 0 : i32
    %dma_wait3A_1045 = arith.constant 0 : i32
    %dma_wait3A_1046 = tpu.memref_slice %arg5[%dma_wait3A_1044, %dma_wait3A_1045] : memref<65544x216xf32, #tpu.memory_space<hbm>> -> memref<65544x216xf32, #tpu.memory_space<hbm>>
    tpu.wait_indirect_dma semaphore(%arg11 : memref<!tpu.dma_semaphore, #tpu.memory_space<semaphore_mem>>) src(%arg10 : memref<272x216xf32, #tpu.memory_space<vmem>>) dst(%dma_wait3A_1046 : memref<65544x216xf32, #tpu.memory_space<hbm>>)
    return
  }
}

module attributes {stable_mosaic.version = 14 : i64} {
  func.func @_winner_body(%arg0: memref<32x128xi32, #tpu.memory_space<vmem>>, %arg1: memref<32x128xi32, #tpu.memory_space<vmem>>) attributes {dimension_semantics = [], scalar_prefetch = 0 : i64, scratch_operands = 0 : i64, tpu.core_type = #tpu.core_type<tc>} {
    %get3A = arith.constant 0 : index
    %get3A_0 = arith.constant 0 : index
    %get3A_1 = vector.load %arg0[%get3A, %get3A_0] : memref<32x128xi32, #tpu.memory_space<vmem>>, vector<32x128xi32>
    %broadcast_in_dim3A = arith.constant -1 : i32
    %broadcast_in_dim3A_2 = vector.broadcast %broadcast_in_dim3A : i32 to vector<32x128xi32>
    %scan3A = arith.constant 0 : i32
    %scan3A_3 = arith.constant 32 : i32
    %scan3A_4 = arith.addi %scan3A, %scan3A_3 : i32
    %scan3A_5 = arith.constant 1 : i32
    %scan3A_6 = scf.for %scan3A_14 = %scan3A to %scan3A_4 step %scan3A_5 iter_args(%scan3A_15 = %broadcast_in_dim3A_2) -> (vector<32x128xi32>)  : i32 {
      %get3A_16 = arith.index_cast %scan3A_14 : i32 to index
      %get3A_17 = arith.constant 0 : index
      %get3A_18 = vector.load %arg0[%get3A_16, %get3A_17] : memref<32x128xi32, #tpu.memory_space<vmem>>, vector<1x128xi32>
      %broadcast_in_dim3A_19 = vector.shape_cast %get3A_1 : vector<32x128xi32> to vector<32x128x1xi32>
      %reshape3A = vector.shape_cast %get3A_18 : vector<1x128xi32> to vector<1x1x128xi32>
      %eq3A_20 = vector.broadcast %broadcast_in_dim3A_19 : vector<32x128x1xi32> to vector<32x128x128xi32>
      %eq3A_21 = vector.broadcast %reshape3A : vector<1x1x128xi32> to vector<32x128x128xi32>
      %eq3A_22 = arith.cmpi eq, %eq3A_20, %eq3A_21 : vector<32x128x128xi32>
      %mul3A_23 = arith.constant 128 : i32
      %mul3A_24 = arith.muli %scan3A_14, %mul3A_23 : i32
      %iota3A_25 = tpu.iota {dimensions = array<i32: 2>} : vector<32x128x128xi32>
      %add3A_26 = vector.broadcast %mul3A_24 : i32 to vector<32x128x128xi32>
      %add3A_27 = arith.addi %add3A_26, %iota3A_25 : vector<32x128x128xi32>
      %jit3A_28 = arith.constant -1 : i32
      %broadcast_in_dim3A_29 = vector.broadcast %jit3A_28 : i32 to vector<32x128x128xi32>
      %select_n3A_30 = arith.select %eq3A_22, %add3A_27, %broadcast_in_dim3A_29 : vector<32x128x128xi1>, vector<32x128x128xi32>
      %reduce_max3A = arith.constant dense<-2147483648> : vector<32x128xi32>
      %reduce_max3A_31 = vector.multi_reduction <maxsi>, %select_n3A_30, %reduce_max3A [2] : vector<32x128x128xi32> to vector<32x128xi32>
      %max3A = arith.maxsi %scan3A_15, %reduce_max3A_31 : vector<32x128xi32>
      scf.yield %max3A : vector<32x128xi32>
    }
    %scan3A_7 = arith.constant 32 : i32
    %iota3A = tpu.iota {dimensions = array<i32: 0>} : vector<32x128xi32>
    %mul3A = arith.constant 128 : i32
    %mul3A_8 = vector.broadcast %mul3A : i32 to vector<32x128xi32>
    %mul3A_9 = arith.muli %iota3A, %mul3A_8 : vector<32x128xi32>
    %iota3A_10 = tpu.iota {dimensions = array<i32: 1>} : vector<32x128xi32>
    %add3A = arith.addi %mul3A_9, %iota3A_10 : vector<32x128xi32>
    %eq3A = arith.cmpi eq, %scan3A_6, %add3A : vector<32x128xi32>
    %jit3A = arith.constant 65536 : i32
    %broadcast_in_dim3A_11 = vector.broadcast %jit3A : i32 to vector<32x128xi32>
    %select_n3A = arith.select %eq3A, %get3A_1, %broadcast_in_dim3A_11 : vector<32x128xi1>, vector<32x128xi32>
    %swap3A = arith.constant 0 : index
    %swap3A_12 = arith.constant 0 : index
    %swap3A_13 = vector.load %arg1[%swap3A, %swap3A_12] : memref<32x128xi32, #tpu.memory_space<vmem>>, vector<32x128xi32>
    tpu.vector_store %arg1[%swap3A, %swap3A_12], %select_n3A {strides = array<i32>} : memref<32x128xi32, #tpu.memory_space<vmem>>, vector<32x128xi32>,
    return
  }
}

module attributes {stable_mosaic.version = 14 : i64} {
  func.func @_mm_body(%arg0: i32, %arg1: memref<4096x216xf32, #tpu.memory_space<vmem>>, %arg2: memref<512x216xf32, #tpu.memory_space<vmem>>, %arg3: memref<4096x128xf32, #tpu.memory_space<vmem>>) attributes {dimension_semantics = [#tpu.dimension_semantics<arbitrary>], iteration_bounds = array<i64: 128>, scalar_prefetch = 0 : i64, scratch_operands = 0 : i64, tpu.core_type = #tpu.core_type<tc>, window_params = [{pipeline_mode = #tpu.pipeline_mode<synchronous>, transform_indices = @transform_0, window_bounds = array<i64: 4096, 216>}, {transform_indices = @transform_1, window_bounds = array<i64: 512, 216>}, {transform_indices = @transform_2, window_bounds = array<i64: 4096, 128>}]} {
    %get3A = arith.constant 0 : index
    %get3A_0 = arith.constant 0 : index
    %get3A_1 = vector.load %arg1[%get3A, %get3A_0] : memref<4096x216xf32, #tpu.memory_space<vmem>>, vector<4096x216xf32>
    %get3A_2 = arith.constant 0 : index
    %get3A_3 = arith.constant 0 : index
    %get3A_4 = vector.load %arg2[%get3A_2, %get3A_3] : memref<512x216xf32, #tpu.memory_space<vmem>>, vector<512x216xf32>
    %dot_general3A = arith.constant dense<0.000000e+00> : vector<4096x512xf32>
    %dot_general3A_5 = tpu.matmul %get3A_1, %get3A_4, %dot_general3A {dimension_numbers = #tpu.dot_dimension_numbers<[1], [1], [0], [0], [0, 0, 1, 0], [], []>, transpose_lhs_hint = false} : vector<4096x216xf32>, vector<512x216xf32>, vector<4096x512xf32> -> vector<4096x512xf32>
    %slice3A = vector.extract_strided_slice %dot_general3A_5 {offsets = [0, 0], sizes = [4096, 128], strides = [1, 1]} : vector<4096x512xf32> to vector<4096x128xf32>
    %slice3A_6 = vector.extract_strided_slice %dot_general3A_5 {offsets = [0, 128], sizes = [4096, 128], strides = [1, 1]} : vector<4096x512xf32> to vector<4096x128xf32>
    %max3A = arith.maximumf %slice3A, %slice3A_6 : vector<4096x128xf32>
    %slice3A_7 = vector.extract_strided_slice %dot_general3A_5 {offsets = [0, 256], sizes = [4096, 128], strides = [1, 1]} : vector<4096x512xf32> to vector<4096x128xf32>
    %slice3A_8 = vector.extract_strided_slice %dot_general3A_5 {offsets = [0, 384], sizes = [4096, 128], strides = [1, 1]} : vector<4096x512xf32> to vector<4096x128xf32>
    %max3A_9 = arith.maximumf %slice3A_7, %slice3A_8 : vector<4096x128xf32>
    %max3A_10 = arith.maximumf %max3A, %max3A_9 : vector<4096x128xf32>
    %swap3A = arith.constant 0 : index
    %swap3A_11 = arith.constant 0 : index
    %swap3A_12 = vector.load %arg3[%swap3A, %swap3A_11] : memref<4096x128xf32, #tpu.memory_space<vmem>>, vector<4096x128xf32>
    tpu.vector_store %arg3[%swap3A, %swap3A_11], %max3A_10 {strides = array<i32>} : memref<4096x128xf32, #tpu.memory_space<vmem>>, vector<4096x128xf32>,
    return
  }
  func.func @transform_0(%arg0: i32) -> (i32, i32) {
    %c0_i32 = arith.constant 0 : i32
    %c0_i32_0 = arith.constant 0 : i32
    %c0_i32_1 = arith.constant 0 : i32
    return %c0_i32, %c0_i32_0 : i32, i32
  }
  func.func @transform_1(%arg0: i32) -> (i32, i32) {
    %c0_i32 = arith.constant 0 : i32
    %c0_i32_0 = arith.constant 0 : i32
    return %arg0, %c0_i32 : i32, i32
  }
  func.func @transform_2(%arg0: i32) -> (i32, i32) {
    %c0_i32 = arith.constant 0 : i32
    %c0_i32_0 = arith.constant 0 : i32
    return %c0_i32, %arg0 : i32, i32
  }
}

module attributes {stable_mosaic.version = 14 : i64} {
  func.func @_sel_body(%arg0: i32, %arg1: memref<128x16384xf32, #tpu.memory_space<vmem>>, %arg2: memref<128x16xi32, #tpu.memory_space<vmem>>) attributes {dimension_semantics = [#tpu.dimension_semantics<arbitrary>], iteration_bounds = array<i64: 32>, scalar_prefetch = 0 : i64, scratch_operands = 0 : i64, tpu.core_type = #tpu.core_type<tc>, window_params = [{transform_indices = @transform_0, window_bounds = array<i64: 128, 16384>}, {transform_indices = @transform_1, window_bounds = array<i64: 128, 16>}]} {
    %get3A = arith.constant 0 : index
    %get3A_0 = arith.constant 0 : index
    %get3A_1 = vector.load %arg1[%get3A, %get3A_0] : memref<128x16384xf32, #tpu.memory_space<vmem>>, vector<128x16384xf32>
    %iota3A = tpu.iota {dimensions = array<i32: 1>} : vector<128x16384xi32>
    %reduce_max3A = arith.constant dense<0xFF800000> : vector<128xf32>
    %reduce_max3A_2 = vector.multi_reduction <maximumf>, %get3A_1, %reduce_max3A [1] : vector<128x16384xf32> to vector<128xf32>
    %broadcast_in_dim3A = vector.shape_cast %reduce_max3A_2 : vector<128xf32> to vector<128x1xf32>
    %eq3A = vector.broadcast %broadcast_in_dim3A : vector<128x1xf32> to vector<128x16384xf32>
    %eq3A_3 = arith.cmpf oeq, %get3A_1, %eq3A : vector<128x16384xf32>
    %jit3A = arith.constant 16384 : i32
    %broadcast_in_dim3A_4 = vector.broadcast %jit3A : i32 to vector<128x16384xi32>
    %select_n3A = arith.select %eq3A_3, %iota3A, %broadcast_in_dim3A_4 : vector<128x16384xi1>, vector<128x16384xi32>
    %reduce_min3A = arith.constant dense<2147483647> : vector<128xi32>
    %reduce_min3A_5 = vector.multi_reduction <minsi>, %select_n3A, %reduce_min3A [1] : vector<128x16384xi32> to vector<128xi32>
    %broadcast_in_dim3A_6 = vector.shape_cast %reduce_min3A_5 : vector<128xi32> to vector<128x1xi32>
    %eq3A_7 = vector.broadcast %broadcast_in_dim3A_6 : vector<128x1xi32> to vector<128x16384xi32>
    %eq3A_8 = arith.cmpi eq, %iota3A, %eq3A_7 : vector<128x16384xi32>
    %jit3A_9 = arith.constant 0xFF800000 : f32
    %broadcast_in_dim3A_10 = vector.broadcast %jit3A_9 : f32 to vector<128x16384xf32>
    %select_n3A_11 = arith.select %eq3A_8, %broadcast_in_dim3A_10, %get3A_1 : vector<128x16384xi1>, vector<128x16384xf32>
    %jit3A_12 = arith.constant 128 : i32
    %div3A = vector.broadcast %jit3A_12 : i32 to vector<128x1xi32>
    %div3A_13 = arith.divsi %broadcast_in_dim3A_6, %div3A : vector<128x1xi32>
    %sign3A = arith.constant 0 : i32
    %sign3A_14 = vector.broadcast %sign3A : i32 to vector<128x1xi32>
    %sign3A_15 = arith.cmpi sgt, %broadcast_in_dim3A_6, %sign3A_14 : vector<128x1xi32>
    %sign3A_16 = arith.extui %sign3A_15 : vector<128x1xi1> to vector<128x1xi32>
    %sign3A_17 = arith.constant 0 : i32
    %sign3A_18 = vector.broadcast %sign3A_17 : i32 to vector<128x1xi32>
    %sign3A_19 = arith.cmpi slt, %broadcast_in_dim3A_6, %sign3A_18 : vector<128x1xi32>
    %sign3A_20 = arith.extui %sign3A_19 : vector<128x1xi1> to vector<128x1xi32>
    %sign3A_21 = arith.subi %sign3A_16, %sign3A_20 : vector<128x1xi32>
    %sign3A_22 = arith.constant 0 : i32
    %sign3A_23 = arith.cmpi sgt, %jit3A_12, %sign3A_22 : i32
    %sign3A_24 = arith.extui %sign3A_23 : i1 to i32
    %sign3A_25 = arith.constant 0 : i32
    %sign3A_26 = arith.cmpi slt, %jit3A_12, %sign3A_25 : i32
    %sign3A_27 = arith.extui %sign3A_26 : i1 to i32
    %sign3A_28 = arith.subi %sign3A_24, %sign3A_27 : i32
    %ne3A = vector.broadcast %sign3A_28 : i32 to vector<128x1xi32>
    %ne3A_29 = arith.cmpi ne, %sign3A_21, %ne3A : vector<128x1xi32>
    %rem3A = vector.broadcast %jit3A_12 : i32 to vector<128x1xi32>
    %rem3A_30 = arith.remsi %broadcast_in_dim3A_6, %rem3A : vector<128x1xi32>
    %ne3A_31 = arith.constant 0 : i32
    %ne3A_32 = vector.broadcast %ne3A_31 : i32 to vector<128x1xi32>
    %ne3A_33 = arith.cmpi ne, %rem3A_30, %ne3A_32 : vector<128x1xi32>
    %and3A = arith.andi %ne3A_29, %ne3A_33 : vector<128x1xi1>
    %sub3A = arith.constant 1 : i32
    %sub3A_34 = vector.broadcast %sub3A : i32 to vector<128x1xi32>
    %sub3A_35 = arith.subi %div3A_13, %sub3A_34 : vector<128x1xi32>
    %select_n3A_36 = arith.select %and3A, %sub3A_35, %div3A_13 : vector<128x1xi1>, vector<128x1xi32>
    %mul3A = arith.constant 512 : i32
    %mul3A_37 = vector.broadcast %mul3A : i32 to vector<128x1xi32>
    %mul3A_38 = arith.muli %select_n3A_36, %mul3A_37 : vector<128x1xi32>
    %jit3A_39 = arith.constant 128 : i32
    %eq3A_40 = arith.constant 0 : i32
    %eq3A_41 = arith.cmpi eq, %jit3A_39, %eq3A_40 : i32
    %jit3A_42 = arith.constant 1 : i32
    %select_n3A_43 = arith.select %eq3A_41, %jit3A_42, %jit3A_39 : i32
    %rem3A_44 = vector.broadcast %select_n3A_43 : i32 to vector<128x1xi32>
    %rem3A_45 = arith.remsi %broadcast_in_dim3A_6, %rem3A_44 : vector<128x1xi32>
    %ne3A_46 = arith.constant 0 : i32
    %ne3A_47 = vector.broadcast %ne3A_46 : i32 to vector<128x1xi32>
    %ne3A_48 = arith.cmpi ne, %rem3A_45, %ne3A_47 : vector<128x1xi32>
    %lt3A = arith.constant 0 : i32
    %lt3A_49 = vector.broadcast %lt3A : i32 to vector<128x1xi32>
    %lt3A_50 = arith.cmpi slt, %rem3A_45, %lt3A_49 : vector<128x1xi32>
    %lt3A_51 = arith.constant 0 : i32
    %lt3A_52 = arith.cmpi slt, %select_n3A_43, %lt3A_51 : i32
    %ne3A_53 = vector.broadcast %lt3A_52 : i1 to vector<128x1xi1>
    %ne3A_54 = vector.broadcast %ne3A_53 : vector<128x1xi1> to vector<128x1xi1>
    %ne3A_55 = arith.xori %lt3A_50, %ne3A_54 : vector<128x1xi1>
    %and3A_56 = arith.andi %ne3A_55, %ne3A_48 : vector<128x1xi1>
    %add3A = vector.broadcast %select_n3A_43 : i32 to vector<128x1xi32>
    %add3A_57 = arith.addi %rem3A_45, %add3A : vector<128x1xi32>
    %select_n3A_58 = arith.select %and3A_56, %add3A_57, %rem3A_45 : vector<128x1xi1>, vector<128x1xi32>
    %add3A_59 = arith.addi %mul3A_38, %select_n3A_58 : vector<128x1xi32>
    %reduce_max3A_60 = arith.constant dense<0xFF800000> : vector<128xf32>
    %reduce_max3A_61 = vector.multi_reduction <maximumf>, %select_n3A_11, %reduce_max3A_60 [1] : vector<128x16384xf32> to vector<128xf32>
    %broadcast_in_dim3A_62 = vector.shape_cast %reduce_max3A_61 : vector<128xf32> to vector<128x1xf32>
    %eq3A_63 = vector.broadcast %broadcast_in_dim3A_62 : vector<128x1xf32> to vector<128x16384xf32>
    %eq3A_64 = arith.cmpf oeq, %select_n3A_11, %eq3A_63 : vector<128x16384xf32>
    %jit3A_65 = arith.constant 16384 : i32
    %broadcast_in_dim3A_66 = vector.broadcast %jit3A_65 : i32 to vector<128x16384xi32>
    %select_n3A_67 = arith.select %eq3A_64, %iota3A, %broadcast_in_dim3A_66 : vector<128x16384xi1>, vector<128x16384xi32>
    %reduce_min3A_68 = arith.constant dense<2147483647> : vector<128xi32>
    %reduce_min3A_69 = vector.multi_reduction <minsi>, %select_n3A_67, %reduce_min3A_68 [1] : vector<128x16384xi32> to vector<128xi32>
    %broadcast_in_dim3A_70 = vector.shape_cast %reduce_min3A_69 : vector<128xi32> to vector<128x1xi32>
    %eq3A_71 = vector.broadcast %broadcast_in_dim3A_70 : vector<128x1xi32> to vector<128x16384xi32>
    %eq3A_72 = arith.cmpi eq, %iota3A, %eq3A_71 : vector<128x16384xi32>
    %jit3A_73 = arith.constant 0xFF800000 : f32
    %broadcast_in_dim3A_74 = vector.broadcast %jit3A_73 : f32 to vector<128x16384xf32>
    %select_n3A_75 = arith.select %eq3A_72, %broadcast_in_dim3A_74, %select_n3A_11 : vector<128x16384xi1>, vector<128x16384xf32>
    %jit3A_76 = arith.constant 128 : i32
    %div3A_77 = vector.broadcast %jit3A_76 : i32 to vector<128x1xi32>
    %div3A_78 = arith.divsi %broadcast_in_dim3A_70, %div3A_77 : vector<128x1xi32>
    %sign3A_79 = arith.constant 0 : i32
    %sign3A_80 = vector.broadcast %sign3A_79 : i32 to vector<128x1xi32>
    %sign3A_81 = arith.cmpi sgt, %broadcast_in_dim3A_70, %sign3A_80 : vector<128x1xi32>
    %sign3A_82 = arith.extui %sign3A_81 : vector<128x1xi1> to vector<128x1xi32>
    %sign3A_83 = arith.constant 0 : i32
    %sign3A_84 = vector.broadcast %sign3A_83 : i32 to vector<128x1xi32>
    %sign3A_85 = arith.cmpi slt, %broadcast_in_dim3A_70, %sign3A_84 : vector<128x1xi32>
    %sign3A_86 = arith.extui %sign3A_85 : vector<128x1xi1> to vector<128x1xi32>
    %sign3A_87 = arith.subi %sign3A_82, %sign3A_86 : vector<128x1xi32>
    %sign3A_88 = arith.constant 0 : i32
    %sign3A_89 = arith.cmpi sgt, %jit3A_76, %sign3A_88 : i32
    %sign3A_90 = arith.extui %sign3A_89 : i1 to i32
    %sign3A_91 = arith.constant 0 : i32
    %sign3A_92 = arith.cmpi slt, %jit3A_76, %sign3A_91 : i32
    %sign3A_93 = arith.extui %sign3A_92 : i1 to i32
    %sign3A_94 = arith.subi %sign3A_90, %sign3A_93 : i32
    %ne3A_95 = vector.broadcast %sign3A_94 : i32 to vector<128x1xi32>
    %ne3A_96 = arith.cmpi ne, %sign3A_87, %ne3A_95 : vector<128x1xi32>
    %rem3A_97 = vector.broadcast %jit3A_76 : i32 to vector<128x1xi32>
    %rem3A_98 = arith.remsi %broadcast_in_dim3A_70, %rem3A_97 : vector<128x1xi32>
    %ne3A_99 = arith.constant 0 : i32
    %ne3A_100 = vector.broadcast %ne3A_99 : i32 to vector<128x1xi32>
    %ne3A_101 = arith.cmpi ne, %rem3A_98, %ne3A_100 : vector<128x1xi32>
    %and3A_102 = arith.andi %ne3A_96, %ne3A_101 : vector<128x1xi1>
    %sub3A_103 = arith.constant 1 : i32
    %sub3A_104 = vector.broadcast %sub3A_103 : i32 to vector<128x1xi32>
    %sub3A_105 = arith.subi %div3A_78, %sub3A_104 : vector<128x1xi32>
    %select_n3A_106 = arith.select %and3A_102, %sub3A_105, %div3A_78 : vector<128x1xi1>, vector<128x1xi32>
    %mul3A_107 = arith.constant 512 : i32
    %mul3A_108 = vector.broadcast %mul3A_107 : i32 to vector<128x1xi32>
    %mul3A_109 = arith.muli %select_n3A_106, %mul3A_108 : vector<128x1xi32>
    %jit3A_110 = arith.constant 128 : i32
    %eq3A_111 = arith.constant 0 : i32
    %eq3A_112 = arith.cmpi eq, %jit3A_110, %eq3A_111 : i32
    %jit3A_113 = arith.constant 1 : i32
    %select_n3A_114 = arith.select %eq3A_112, %jit3A_113, %jit3A_110 : i32
    %rem3A_115 = vector.broadcast %select_n3A_114 : i32 to vector<128x1xi32>
    %rem3A_116 = arith.remsi %broadcast_in_dim3A_70, %rem3A_115 : vector<128x1xi32>
    %ne3A_117 = arith.constant 0 : i32
    %ne3A_118 = vector.broadcast %ne3A_117 : i32 to vector<128x1xi32>
    %ne3A_119 = arith.cmpi ne, %rem3A_116, %ne3A_118 : vector<128x1xi32>
    %lt3A_120 = arith.constant 0 : i32
    %lt3A_121 = vector.broadcast %lt3A_120 : i32 to vector<128x1xi32>
    %lt3A_122 = arith.cmpi slt, %rem3A_116, %lt3A_121 : vector<128x1xi32>
    %lt3A_123 = arith.constant 0 : i32
    %lt3A_124 = arith.cmpi slt, %select_n3A_114, %lt3A_123 : i32
    %ne3A_125 = vector.broadcast %lt3A_124 : i1 to vector<128x1xi1>
    %ne3A_126 = vector.broadcast %ne3A_125 : vector<128x1xi1> to vector<128x1xi1>
    %ne3A_127 = arith.xori %lt3A_122, %ne3A_126 : vector<128x1xi1>
    %and3A_128 = arith.andi %ne3A_127, %ne3A_119 : vector<128x1xi1>
    %add3A_129 = vector.broadcast %select_n3A_114 : i32 to vector<128x1xi32>
    %add3A_130 = arith.addi %rem3A_116, %add3A_129 : vector<128x1xi32>
    %select_n3A_131 = arith.select %and3A_128, %add3A_130, %rem3A_116 : vector<128x1xi1>, vector<128x1xi32>
    %add3A_132 = arith.addi %mul3A_109, %select_n3A_131 : vector<128x1xi32>
    %reduce_max3A_133 = arith.constant dense<0xFF800000> : vector<128xf32>
    %reduce_max3A_134 = vector.multi_reduction <maximumf>, %select_n3A_75, %reduce_max3A_133 [1] : vector<128x16384xf32> to vector<128xf32>
    %broadcast_in_dim3A_135 = vector.shape_cast %reduce_max3A_134 : vector<128xf32> to vector<128x1xf32>
    %eq3A_136 = vector.broadcast %broadcast_in_dim3A_135 : vector<128x1xf32> to vector<128x16384xf32>
    %eq3A_137 = arith.cmpf oeq, %select_n3A_75, %eq3A_136 : vector<128x16384xf32>
    %jit3A_138 = arith.constant 16384 : i32
    %broadcast_in_dim3A_139 = vector.broadcast %jit3A_138 : i32 to vector<128x16384xi32>
    %select_n3A_140 = arith.select %eq3A_137, %iota3A, %broadcast_in_dim3A_139 : vector<128x16384xi1>, vector<128x16384xi32>
    %reduce_min3A_141 = arith.constant dense<2147483647> : vector<128xi32>
    %reduce_min3A_142 = vector.multi_reduction <minsi>, %select_n3A_140, %reduce_min3A_141 [1] : vector<128x16384xi32> to vector<128xi32>
    %broadcast_in_dim3A_143 = vector.shape_cast %reduce_min3A_142 : vector<128xi32> to vector<128x1xi32>
    %eq3A_144 = vector.broadcast %broadcast_in_dim3A_143 : vector<128x1xi32> to vector<128x16384xi32>
    %eq3A_145 = arith.cmpi eq, %iota3A, %eq3A_144 : vector<128x16384xi32>
    %jit3A_146 = arith.constant 0xFF800000 : f32
    %broadcast_in_dim3A_147 = vector.broadcast %jit3A_146 : f32 to vector<128x16384xf32>
    %select_n3A_148 = arith.select %eq3A_145, %broadcast_in_dim3A_147, %select_n3A_75 : vector<128x16384xi1>, vector<128x16384xf32>
    %jit3A_149 = arith.constant 128 : i32
    %div3A_150 = vector.broadcast %jit3A_149 : i32 to vector<128x1xi32>
    %div3A_151 = arith.divsi %broadcast_in_dim3A_143, %div3A_150 : vector<128x1xi32>
    %sign3A_152 = arith.constant 0 : i32
    %sign3A_153 = vector.broadcast %sign3A_152 : i32 to vector<128x1xi32>
    %sign3A_154 = arith.cmpi sgt, %broadcast_in_dim3A_143, %sign3A_153 : vector<128x1xi32>
    %sign3A_155 = arith.extui %sign3A_154 : vector<128x1xi1> to vector<128x1xi32>
    %sign3A_156 = arith.constant 0 : i32
    %sign3A_157 = vector.broadcast %sign3A_156 : i32 to vector<128x1xi32>
    %sign3A_158 = arith.cmpi slt, %broadcast_in_dim3A_143, %sign3A_157 : vector<128x1xi32>
    %sign3A_159 = arith.extui %sign3A_158 : vector<128x1xi1> to vector<128x1xi32>
    %sign3A_160 = arith.subi %sign3A_155, %sign3A_159 : vector<128x1xi32>
    %sign3A_161 = arith.constant 0 : i32
    %sign3A_162 = arith.cmpi sgt, %jit3A_149, %sign3A_161 : i32
    %sign3A_163 = arith.extui %sign3A_162 : i1 to i32
    %sign3A_164 = arith.constant 0 : i32
    %sign3A_165 = arith.cmpi slt, %jit3A_149, %sign3A_164 : i32
    %sign3A_166 = arith.extui %sign3A_165 : i1 to i32
    %sign3A_167 = arith.subi %sign3A_163, %sign3A_166 : i32
    %ne3A_168 = vector.broadcast %sign3A_167 : i32 to vector<128x1xi32>
    %ne3A_169 = arith.cmpi ne, %sign3A_160, %ne3A_168 : vector<128x1xi32>
    %rem3A_170 = vector.broadcast %jit3A_149 : i32 to vector<128x1xi32>
    %rem3A_171 = arith.remsi %broadcast_in_dim3A_143, %rem3A_170 : vector<128x1xi32>
    %ne3A_172 = arith.constant 0 : i32
    %ne3A_173 = vector.broadcast %ne3A_172 : i32 to vector<128x1xi32>
    %ne3A_174 = arith.cmpi ne, %rem3A_171, %ne3A_173 : vector<128x1xi32>
    %and3A_175 = arith.andi %ne3A_169, %ne3A_174 : vector<128x1xi1>
    %sub3A_176 = arith.constant 1 : i32
    %sub3A_177 = vector.broadcast %sub3A_176 : i32 to vector<128x1xi32>
    %sub3A_178 = arith.subi %div3A_151, %sub3A_177 : vector<128x1xi32>
    %select_n3A_179 = arith.select %and3A_175, %sub3A_178, %div3A_151 : vector<128x1xi1>, vector<128x1xi32>
    %mul3A_180 = arith.constant 512 : i32
    %mul3A_181 = vector.broadcast %mul3A_180 : i32 to vector<128x1xi32>
    %mul3A_182 = arith.muli %select_n3A_179, %mul3A_181 : vector<128x1xi32>
    %jit3A_183 = arith.constant 128 : i32
    %eq3A_184 = arith.constant 0 : i32
    %eq3A_185 = arith.cmpi eq, %jit3A_183, %eq3A_184 : i32
    %jit3A_186 = arith.constant 1 : i32
    %select_n3A_187 = arith.select %eq3A_185, %jit3A_186, %jit3A_183 : i32
    %rem3A_188 = vector.broadcast %select_n3A_187 : i32 to vector<128x1xi32>
    %rem3A_189 = arith.remsi %broadcast_in_dim3A_143, %rem3A_188 : vector<128x1xi32>
    %ne3A_190 = arith.constant 0 : i32
    %ne3A_191 = vector.broadcast %ne3A_190 : i32 to vector<128x1xi32>
    %ne3A_192 = arith.cmpi ne, %rem3A_189, %ne3A_191 : vector<128x1xi32>
    %lt3A_193 = arith.constant 0 : i32
    %lt3A_194 = vector.broadcast %lt3A_193 : i32 to vector<128x1xi32>
    %lt3A_195 = arith.cmpi slt, %rem3A_189, %lt3A_194 : vector<128x1xi32>
    %lt3A_196 = arith.constant 0 : i32
    %lt3A_197 = arith.cmpi slt, %select_n3A_187, %lt3A_196 : i32
    %ne3A_198 = vector.broadcast %lt3A_197 : i1 to vector<128x1xi1>
    %ne3A_199 = vector.broadcast %ne3A_198 : vector<128x1xi1> to vector<128x1xi1>
    %ne3A_200 = arith.xori %lt3A_195, %ne3A_199 : vector<128x1xi1>
    %and3A_201 = arith.andi %ne3A_200, %ne3A_192 : vector<128x1xi1>
    %add3A_202 = vector.broadcast %select_n3A_187 : i32 to vector<128x1xi32>
    %add3A_203 = arith.addi %rem3A_189, %add3A_202 : vector<128x1xi32>
    %select_n3A_204 = arith.select %and3A_201, %add3A_203, %rem3A_189 : vector<128x1xi1>, vector<128x1xi32>
    %add3A_205 = arith.addi %mul3A_182, %select_n3A_204 : vector<128x1xi32>
    %reduce_max3A_206 = arith.constant dense<0xFF800000> : vector<128xf32>
    %reduce_max3A_207 = vector.multi_reduction <maximumf>, %select_n3A_148, %reduce_max3A_206 [1] : vector<128x16384xf32> to vector<128xf32>
    %broadcast_in_dim3A_208 = vector.shape_cast %reduce_max3A_207 : vector<128xf32> to vector<128x1xf32>
    %eq3A_209 = vector.broadcast %broadcast_in_dim3A_208 : vector<128x1xf32> to vector<128x16384xf32>
    %eq3A_210 = arith.cmpf oeq, %select_n3A_148, %eq3A_209 : vector<128x16384xf32>
    %jit3A_211 = arith.constant 16384 : i32
    %broadcast_in_dim3A_212 = vector.broadcast %jit3A_211 : i32 to vector<128x16384xi32>
    %select_n3A_213 = arith.select %eq3A_210, %iota3A, %broadcast_in_dim3A_212 : vector<128x16384xi1>, vector<128x16384xi32>
    %reduce_min3A_214 = arith.constant dense<2147483647> : vector<128xi32>
    %reduce_min3A_215 = vector.multi_reduction <minsi>, %select_n3A_213, %reduce_min3A_214 [1] : vector<128x16384xi32> to vector<128xi32>
    %broadcast_in_dim3A_216 = vector.shape_cast %reduce_min3A_215 : vector<128xi32> to vector<128x1xi32>
    %jit3A_217 = arith.constant 128 : i32
    %div3A_218 = vector.broadcast %jit3A_217 : i32 to vector<128x1xi32>
    %div3A_219 = arith.divsi %broadcast_in_dim3A_216, %div3A_218 : vector<128x1xi32>
    %sign3A_220 = arith.constant 0 : i32
    %sign3A_221 = vector.broadcast %sign3A_220 : i32 to vector<128x1xi32>
    %sign3A_222 = arith.cmpi sgt, %broadcast_in_dim3A_216, %sign3A_221 : vector<128x1xi32>
    %sign3A_223 = arith.extui %sign3A_222 : vector<128x1xi1> to vector<128x1xi32>
    %sign3A_224 = arith.constant 0 : i32
    %sign3A_225 = vector.broadcast %sign3A_224 : i32 to vector<128x1xi32>
    %sign3A_226 = arith.cmpi slt, %broadcast_in_dim3A_216, %sign3A_225 : vector<128x1xi32>
    %sign3A_227 = arith.extui %sign3A_226 : vector<128x1xi1> to vector<128x1xi32>
    %sign3A_228 = arith.subi %sign3A_223, %sign3A_227 : vector<128x1xi32>
    %sign3A_229 = arith.constant 0 : i32
    %sign3A_230 = arith.cmpi sgt, %jit3A_217, %sign3A_229 : i32
    %sign3A_231 = arith.extui %sign3A_230 : i1 to i32
    %sign3A_232 = arith.constant 0 : i32
    %sign3A_233 = arith.cmpi slt, %jit3A_217, %sign3A_232 : i32
    %sign3A_234 = arith.extui %sign3A_233 : i1 to i32
    %sign3A_235 = arith.subi %sign3A_231, %sign3A_234 : i32
    %ne3A_236 = vector.broadcast %sign3A_235 : i32 to vector<128x1xi32>
    %ne3A_237 = arith.cmpi ne, %sign3A_228, %ne3A_236 : vector<128x1xi32>
    %rem3A_238 = vector.broadcast %jit3A_217 : i32 to vector<128x1xi32>
    %rem3A_239 = arith.remsi %broadcast_in_dim3A_216, %rem3A_238 : vector<128x1xi32>
    %ne3A_240 = arith.constant 0 : i32
    %ne3A_241 = vector.broadcast %ne3A_240 : i32 to vector<128x1xi32>
    %ne3A_242 = arith.cmpi ne, %rem3A_239, %ne3A_241 : vector<128x1xi32>
    %and3A_243 = arith.andi %ne3A_237, %ne3A_242 : vector<128x1xi1>
    %sub3A_244 = arith.constant 1 : i32
    %sub3A_245 = vector.broadcast %sub3A_244 : i32 to vector<128x1xi32>
    %sub3A_246 = arith.subi %div3A_219, %sub3A_245 : vector<128x1xi32>
    %select_n3A_247 = arith.select %and3A_243, %sub3A_246, %div3A_219 : vector<128x1xi1>, vector<128x1xi32>
    %mul3A_248 = arith.constant 512 : i32
    %mul3A_249 = vector.broadcast %mul3A_248 : i32 to vector<128x1xi32>
    %mul3A_250 = arith.muli %select_n3A_247, %mul3A_249 : vector<128x1xi32>
    %jit3A_251 = arith.constant 128 : i32
    %eq3A_252 = arith.constant 0 : i32
    %eq3A_253 = arith.cmpi eq, %jit3A_251, %eq3A_252 : i32
    %jit3A_254 = arith.constant 1 : i32
    %select_n3A_255 = arith.select %eq3A_253, %jit3A_254, %jit3A_251 : i32
    %rem3A_256 = vector.broadcast %select_n3A_255 : i32 to vector<128x1xi32>
    %rem3A_257 = arith.remsi %broadcast_in_dim3A_216, %rem3A_256 : vector<128x1xi32>
    %ne3A_258 = arith.constant 0 : i32
    %ne3A_259 = vector.broadcast %ne3A_258 : i32 to vector<128x1xi32>
    %ne3A_260 = arith.cmpi ne, %rem3A_257, %ne3A_259 : vector<128x1xi32>
    %lt3A_261 = arith.constant 0 : i32
    %lt3A_262 = vector.broadcast %lt3A_261 : i32 to vector<128x1xi32>
    %lt3A_263 = arith.cmpi slt, %rem3A_257, %lt3A_262 : vector<128x1xi32>
    %lt3A_264 = arith.constant 0 : i32
    %lt3A_265 = arith.cmpi slt, %select_n3A_255, %lt3A_264 : i32
    %ne3A_266 = vector.broadcast %lt3A_265 : i1 to vector<128x1xi1>
    %ne3A_267 = vector.broadcast %ne3A_266 : vector<128x1xi1> to vector<128x1xi1>
    %ne3A_268 = arith.xori %lt3A_263, %ne3A_267 : vector<128x1xi1>
    %and3A_269 = arith.andi %ne3A_268, %ne3A_260 : vector<128x1xi1>
    %add3A_270 = vector.broadcast %select_n3A_255 : i32 to vector<128x1xi32>
    %add3A_271 = arith.addi %rem3A_257, %add3A_270 : vector<128x1xi32>
    %select_n3A_272 = arith.select %and3A_269, %add3A_271, %rem3A_257 : vector<128x1xi1>, vector<128x1xi32>
    %add3A_273 = arith.addi %mul3A_250, %select_n3A_272 : vector<128x1xi32>
    %concatenate3A = tpu.concatenate %add3A_59, %add3A_132, %add3A_205, %add3A_273 in 1 : vector<128x1xi32>, vector<128x1xi32>, vector<128x1xi32>, vector<128x1xi32> -> vector<128x4xi32>
    %broadcast_in_dim3A_274 = vector.shape_cast %concatenate3A : vector<128x4xi32> to vector<128x4x1xi32>
    %iota3A_275 = tpu.iota {dimensions = array<i32: 2>} : vector<128x4x4xi32>
    %mul3A_276 = arith.constant 128 : i32
    %mul3A_277 = vector.broadcast %mul3A_276 : i32 to vector<128x4x4xi32>
    %mul3A_278 = arith.muli %mul3A_277, %iota3A_275 : vector<128x4x4xi32>
    %add3A_279 = vector.broadcast %broadcast_in_dim3A_274 : vector<128x4x1xi32> to vector<128x4x4xi32>
    %add3A_280 = arith.addi %add3A_279, %mul3A_278 : vector<128x4x4xi32>
    %reshape3A = vector.shape_cast %add3A_280 : vector<128x4x4xi32> to vector<128x16xi32>
    %swap3A = arith.constant 0 : index
    %swap3A_281 = arith.constant 0 : index
    %swap3A_282 = vector.load %arg2[%swap3A, %swap3A_281] : memref<128x16xi32, #tpu.memory_space<vmem>>, vector<128x16xi32>
    tpu.vector_store %arg2[%swap3A, %swap3A_281], %reshape3A {strides = array<i32>} : memref<128x16xi32, #tpu.memory_space<vmem>>, vector<128x16xi32>,
    return
  }
  func.func @transform_0(%arg0: i32) -> (i32, i32) {
    %c0_i32 = arith.constant 0 : i32
    %c0_i32_0 = arith.constant 0 : i32
    return %arg0, %c0_i32 : i32, i32
  }
  func.func @transform_1(%arg0: i32) -> (i32, i32) {
    %c0_i32 = arith.constant 0 : i32
    %c0_i32_0 = arith.constant 0 : i32
    return %arg0, %c0_i32 : i32, i32
  }
}

module attributes {stable_mosaic.version = 14 : i64} {
  func.func @_combine_body(%arg0: i32, %arg1: memref<256x216xf32, #tpu.memory_space<vmem>>, %arg2: memref<4096x216xf32, #tpu.memory_space<vmem>>, %arg3: memref<256x216xf32, #tpu.memory_space<vmem>>) attributes {dimension_semantics = [#tpu.dimension_semantics<arbitrary>], iteration_bounds = array<i64: 16>, scalar_prefetch = 0 : i64, scratch_operands = 0 : i64, tpu.core_type = #tpu.core_type<tc>, window_params = [{transform_indices = @transform_0, window_bounds = array<i64: 256, 216>}, {transform_indices = @transform_1, window_bounds = array<i64: 4096, 216>}, {transform_indices = @transform_2, window_bounds = array<i64: 256, 216>}]} {
    %get3A = arith.constant 0 : index
    %get3A_0 = arith.constant 0 : index
    %get3A_1 = vector.load %arg1[%get3A, %get3A_0] : memref<256x216xf32, #tpu.memory_space<vmem>>, vector<256x216xf32>
    %get3A_2 = arith.constant 0 : index
    %get3A_3 = arith.constant 0 : index
    %get3A_4 = vector.load %arg2[%get3A_2, %get3A_3] : memref<4096x216xf32, #tpu.memory_space<vmem>>, vector<4096x216xf32>
    %reshape3A = vector.shape_cast %get3A_4 : vector<4096x216xf32> to vector<256x16x216xf32>
    %slice3A = vector.extract_strided_slice %reshape3A {offsets = [0, 0, 0], sizes = [256, 1, 216], strides = [1, 1, 1]} : vector<256x16x216xf32> to vector<256x1x216xf32>
    %squeeze3A = vector.shape_cast %slice3A : vector<256x1x216xf32> to vector<256x216xf32>
    %mul3A = arith.mulf %squeeze3A, %get3A_1 : vector<256x216xf32>
    %reduce_sum3A = arith.constant dense<0.000000e+00> : vector<256xf32>
    %reduce_sum3A_5 = vector.multi_reduction <add>, %mul3A, %reduce_sum3A [1] : vector<256x216xf32> to vector<256xf32>
    %broadcast_in_dim3A = vector.shape_cast %reduce_sum3A_5 : vector<256xf32> to vector<256x1xf32>
    %slice3A_6 = vector.extract_strided_slice %reshape3A {offsets = [0, 1, 0], sizes = [256, 1, 216], strides = [1, 1, 1]} : vector<256x16x216xf32> to vector<256x1x216xf32>
    %squeeze3A_7 = vector.shape_cast %slice3A_6 : vector<256x1x216xf32> to vector<256x216xf32>
    %mul3A_8 = arith.mulf %squeeze3A_7, %get3A_1 : vector<256x216xf32>
    %reduce_sum3A_9 = arith.constant dense<0.000000e+00> : vector<256xf32>
    %reduce_sum3A_10 = vector.multi_reduction <add>, %mul3A_8, %reduce_sum3A_9 [1] : vector<256x216xf32> to vector<256xf32>
    %broadcast_in_dim3A_11 = vector.shape_cast %reduce_sum3A_10 : vector<256xf32> to vector<256x1xf32>
    %slice3A_12 = vector.extract_strided_slice %reshape3A {offsets = [0, 2, 0], sizes = [256, 1, 216], strides = [1, 1, 1]} : vector<256x16x216xf32> to vector<256x1x216xf32>
    %squeeze3A_13 = vector.shape_cast %slice3A_12 : vector<256x1x216xf32> to vector<256x216xf32>
    %mul3A_14 = arith.mulf %squeeze3A_13, %get3A_1 : vector<256x216xf32>
    %reduce_sum3A_15 = arith.constant dense<0.000000e+00> : vector<256xf32>
    %reduce_sum3A_16 = vector.multi_reduction <add>, %mul3A_14, %reduce_sum3A_15 [1] : vector<256x216xf32> to vector<256xf32>
    %broadcast_in_dim3A_17 = vector.shape_cast %reduce_sum3A_16 : vector<256xf32> to vector<256x1xf32>
    %slice3A_18 = vector.extract_strided_slice %reshape3A {offsets = [0, 3, 0], sizes = [256, 1, 216], strides = [1, 1, 1]} : vector<256x16x216xf32> to vector<256x1x216xf32>
    %squeeze3A_19 = vector.shape_cast %slice3A_18 : vector<256x1x216xf32> to vector<256x216xf32>
    %mul3A_20 = arith.mulf %squeeze3A_19, %get3A_1 : vector<256x216xf32>
    %reduce_sum3A_21 = arith.constant dense<0.000000e+00> : vector<256xf32>
    %reduce_sum3A_22 = vector.multi_reduction <add>, %mul3A_20, %reduce_sum3A_21 [1] : vector<256x216xf32> to vector<256xf32>
    %broadcast_in_dim3A_23 = vector.shape_cast %reduce_sum3A_22 : vector<256xf32> to vector<256x1xf32>
    %slice3A_24 = vector.extract_strided_slice %reshape3A {offsets = [0, 4, 0], sizes = [256, 1, 216], strides = [1, 1, 1]} : vector<256x16x216xf32> to vector<256x1x216xf32>
    %squeeze3A_25 = vector.shape_cast %slice3A_24 : vector<256x1x216xf32> to vector<256x216xf32>
    %mul3A_26 = arith.mulf %squeeze3A_25, %get3A_1 : vector<256x216xf32>
    %reduce_sum3A_27 = arith.constant dense<0.000000e+00> : vector<256xf32>
    %reduce_sum3A_28 = vector.multi_reduction <add>, %mul3A_26, %reduce_sum3A_27 [1] : vector<256x216xf32> to vector<256xf32>
    %broadcast_in_dim3A_29 = vector.shape_cast %reduce_sum3A_28 : vector<256xf32> to vector<256x1xf32>
    %slice3A_30 = vector.extract_strided_slice %reshape3A {offsets = [0, 5, 0], sizes = [256, 1, 216], strides = [1, 1, 1]} : vector<256x16x216xf32> to vector<256x1x216xf32>
    %squeeze3A_31 = vector.shape_cast %slice3A_30 : vector<256x1x216xf32> to vector<256x216xf32>
    %mul3A_32 = arith.mulf %squeeze3A_31, %get3A_1 : vector<256x216xf32>
    %reduce_sum3A_33 = arith.constant dense<0.000000e+00> : vector<256xf32>
    %reduce_sum3A_34 = vector.multi_reduction <add>, %mul3A_32, %reduce_sum3A_33 [1] : vector<256x216xf32> to vector<256xf32>
    %broadcast_in_dim3A_35 = vector.shape_cast %reduce_sum3A_34 : vector<256xf32> to vector<256x1xf32>
    %slice3A_36 = vector.extract_strided_slice %reshape3A {offsets = [0, 6, 0], sizes = [256, 1, 216], strides = [1, 1, 1]} : vector<256x16x216xf32> to vector<256x1x216xf32>
    %squeeze3A_37 = vector.shape_cast %slice3A_36 : vector<256x1x216xf32> to vector<256x216xf32>
    %mul3A_38 = arith.mulf %squeeze3A_37, %get3A_1 : vector<256x216xf32>
    %reduce_sum3A_39 = arith.constant dense<0.000000e+00> : vector<256xf32>
    %reduce_sum3A_40 = vector.multi_reduction <add>, %mul3A_38, %reduce_sum3A_39 [1] : vector<256x216xf32> to vector<256xf32>
    %broadcast_in_dim3A_41 = vector.shape_cast %reduce_sum3A_40 : vector<256xf32> to vector<256x1xf32>
    %slice3A_42 = vector.extract_strided_slice %reshape3A {offsets = [0, 7, 0], sizes = [256, 1, 216], strides = [1, 1, 1]} : vector<256x16x216xf32> to vector<256x1x216xf32>
    %squeeze3A_43 = vector.shape_cast %slice3A_42 : vector<256x1x216xf32> to vector<256x216xf32>
    %mul3A_44 = arith.mulf %squeeze3A_43, %get3A_1 : vector<256x216xf32>
    %reduce_sum3A_45 = arith.constant dense<0.000000e+00> : vector<256xf32>
    %reduce_sum3A_46 = vector.multi_reduction <add>, %mul3A_44, %reduce_sum3A_45 [1] : vector<256x216xf32> to vector<256xf32>
    %broadcast_in_dim3A_47 = vector.shape_cast %reduce_sum3A_46 : vector<256xf32> to vector<256x1xf32>
    %slice3A_48 = vector.extract_strided_slice %reshape3A {offsets = [0, 8, 0], sizes = [256, 1, 216], strides = [1, 1, 1]} : vector<256x16x216xf32> to vector<256x1x216xf32>
    %squeeze3A_49 = vector.shape_cast %slice3A_48 : vector<256x1x216xf32> to vector<256x216xf32>
    %mul3A_50 = arith.mulf %squeeze3A_49, %get3A_1 : vector<256x216xf32>
    %reduce_sum3A_51 = arith.constant dense<0.000000e+00> : vector<256xf32>
    %reduce_sum3A_52 = vector.multi_reduction <add>, %mul3A_50, %reduce_sum3A_51 [1] : vector<256x216xf32> to vector<256xf32>
    %broadcast_in_dim3A_53 = vector.shape_cast %reduce_sum3A_52 : vector<256xf32> to vector<256x1xf32>
    %slice3A_54 = vector.extract_strided_slice %reshape3A {offsets = [0, 9, 0], sizes = [256, 1, 216], strides = [1, 1, 1]} : vector<256x16x216xf32> to vector<256x1x216xf32>
    %squeeze3A_55 = vector.shape_cast %slice3A_54 : vector<256x1x216xf32> to vector<256x216xf32>
    %mul3A_56 = arith.mulf %squeeze3A_55, %get3A_1 : vector<256x216xf32>
    %reduce_sum3A_57 = arith.constant dense<0.000000e+00> : vector<256xf32>
    %reduce_sum3A_58 = vector.multi_reduction <add>, %mul3A_56, %reduce_sum3A_57 [1] : vector<256x216xf32> to vector<256xf32>
    %broadcast_in_dim3A_59 = vector.shape_cast %reduce_sum3A_58 : vector<256xf32> to vector<256x1xf32>
    %slice3A_60 = vector.extract_strided_slice %reshape3A {offsets = [0, 10, 0], sizes = [256, 1, 216], strides = [1, 1, 1]} : vector<256x16x216xf32> to vector<256x1x216xf32>
    %squeeze3A_61 = vector.shape_cast %slice3A_60 : vector<256x1x216xf32> to vector<256x216xf32>
    %mul3A_62 = arith.mulf %squeeze3A_61, %get3A_1 : vector<256x216xf32>
    %reduce_sum3A_63 = arith.constant dense<0.000000e+00> : vector<256xf32>
    %reduce_sum3A_64 = vector.multi_reduction <add>, %mul3A_62, %reduce_sum3A_63 [1] : vector<256x216xf32> to vector<256xf32>
    %broadcast_in_dim3A_65 = vector.shape_cast %reduce_sum3A_64 : vector<256xf32> to vector<256x1xf32>
    %slice3A_66 = vector.extract_strided_slice %reshape3A {offsets = [0, 11, 0], sizes = [256, 1, 216], strides = [1, 1, 1]} : vector<256x16x216xf32> to vector<256x1x216xf32>
    %squeeze3A_67 = vector.shape_cast %slice3A_66 : vector<256x1x216xf32> to vector<256x216xf32>
    %mul3A_68 = arith.mulf %squeeze3A_67, %get3A_1 : vector<256x216xf32>
    %reduce_sum3A_69 = arith.constant dense<0.000000e+00> : vector<256xf32>
    %reduce_sum3A_70 = vector.multi_reduction <add>, %mul3A_68, %reduce_sum3A_69 [1] : vector<256x216xf32> to vector<256xf32>
    %broadcast_in_dim3A_71 = vector.shape_cast %reduce_sum3A_70 : vector<256xf32> to vector<256x1xf32>
    %slice3A_72 = vector.extract_strided_slice %reshape3A {offsets = [0, 12, 0], sizes = [256, 1, 216], strides = [1, 1, 1]} : vector<256x16x216xf32> to vector<256x1x216xf32>
    %squeeze3A_73 = vector.shape_cast %slice3A_72 : vector<256x1x216xf32> to vector<256x216xf32>
    %mul3A_74 = arith.mulf %squeeze3A_73, %get3A_1 : vector<256x216xf32>
    %reduce_sum3A_75 = arith.constant dense<0.000000e+00> : vector<256xf32>
    %reduce_sum3A_76 = vector.multi_reduction <add>, %mul3A_74, %reduce_sum3A_75 [1] : vector<256x216xf32> to vector<256xf32>
    %broadcast_in_dim3A_77 = vector.shape_cast %reduce_sum3A_76 : vector<256xf32> to vector<256x1xf32>
    %slice3A_78 = vector.extract_strided_slice %reshape3A {offsets = [0, 13, 0], sizes = [256, 1, 216], strides = [1, 1, 1]} : vector<256x16x216xf32> to vector<256x1x216xf32>
    %squeeze3A_79 = vector.shape_cast %slice3A_78 : vector<256x1x216xf32> to vector<256x216xf32>
    %mul3A_80 = arith.mulf %squeeze3A_79, %get3A_1 : vector<256x216xf32>
    %reduce_sum3A_81 = arith.constant dense<0.000000e+00> : vector<256xf32>
    %reduce_sum3A_82 = vector.multi_reduction <add>, %mul3A_80, %reduce_sum3A_81 [1] : vector<256x216xf32> to vector<256xf32>
    %broadcast_in_dim3A_83 = vector.shape_cast %reduce_sum3A_82 : vector<256xf32> to vector<256x1xf32>
    %slice3A_84 = vector.extract_strided_slice %reshape3A {offsets = [0, 14, 0], sizes = [256, 1, 216], strides = [1, 1, 1]} : vector<256x16x216xf32> to vector<256x1x216xf32>
    %squeeze3A_85 = vector.shape_cast %slice3A_84 : vector<256x1x216xf32> to vector<256x216xf32>
    %mul3A_86 = arith.mulf %squeeze3A_85, %get3A_1 : vector<256x216xf32>
    %reduce_sum3A_87 = arith.constant dense<0.000000e+00> : vector<256xf32>
    %reduce_sum3A_88 = vector.multi_reduction <add>, %mul3A_86, %reduce_sum3A_87 [1] : vector<256x216xf32> to vector<256xf32>
    %broadcast_in_dim3A_89 = vector.shape_cast %reduce_sum3A_88 : vector<256xf32> to vector<256x1xf32>
    %slice3A_90 = vector.extract_strided_slice %reshape3A {offsets = [0, 15, 0], sizes = [256, 1, 216], strides = [1, 1, 1]} : vector<256x16x216xf32> to vector<256x1x216xf32>
    %squeeze3A_91 = vector.shape_cast %slice3A_90 : vector<256x1x216xf32> to vector<256x216xf32>
    %mul3A_92 = arith.mulf %squeeze3A_91, %get3A_1 : vector<256x216xf32>
    %reduce_sum3A_93 = arith.constant dense<0.000000e+00> : vector<256xf32>
    %reduce_sum3A_94 = vector.multi_reduction <add>, %mul3A_92, %reduce_sum3A_93 [1] : vector<256x216xf32> to vector<256xf32>
    %broadcast_in_dim3A_95 = vector.shape_cast %reduce_sum3A_94 : vector<256xf32> to vector<256x1xf32>
    %concatenate3A = tpu.concatenate %broadcast_in_dim3A, %broadcast_in_dim3A_11, %broadcast_in_dim3A_17, %broadcast_in_dim3A_23, %broadcast_in_dim3A_29, %broadcast_in_dim3A_35, %broadcast_in_dim3A_41, %broadcast_in_dim3A_47, %broadcast_in_dim3A_53, %broadcast_in_dim3A_59, %broadcast_in_dim3A_65, %broadcast_in_dim3A_71, %broadcast_in_dim3A_77, %broadcast_in_dim3A_83, %broadcast_in_dim3A_89, %broadcast_in_dim3A_95 in 1 : vector<256x1xf32>, vector<256x1xf32>, vector<256x1xf32>, vector<256x1xf32>, vector<256x1xf32>, vector<256x1xf32>, vector<256x1xf32>, vector<256x1xf32>, vector<256x1xf32>, vector<256x1xf32>, vector<256x1xf32>, vector<256x1xf32>, vector<256x1xf32>, vector<256x1xf32>, vector<256x1xf32>, vector<256x1xf32> -> vector<256x16xf32>
    %mul3A_96 = arith.constant 0.0680413842 : f32
    %mul3A_97 = vector.broadcast %mul3A_96 : f32 to vector<256x16xf32>
    %mul3A_98 = arith.mulf %concatenate3A, %mul3A_97 : vector<256x16xf32>
    %iota3A = tpu.iota {dimensions = array<i32: 1>} : vector<256x16xi32>
    %reduce_max3A = arith.constant dense<0xFF800000> : vector<256xf32>
    %reduce_max3A_99 = vector.multi_reduction <maximumf>, %mul3A_98, %reduce_max3A [1] : vector<256x16xf32> to vector<256xf32>
    %broadcast_in_dim3A_100 = vector.shape_cast %reduce_max3A_99 : vector<256xf32> to vector<256x1xf32>
    %eq3A = vector.broadcast %broadcast_in_dim3A_100 : vector<256x1xf32> to vector<256x16xf32>
    %eq3A_101 = arith.cmpf oeq, %mul3A_98, %eq3A : vector<256x16xf32>
    %jit3A = arith.constant 16 : i32
    %broadcast_in_dim3A_102 = vector.broadcast %jit3A : i32 to vector<256x16xi32>
    %select_n3A = arith.select %eq3A_101, %iota3A, %broadcast_in_dim3A_102 : vector<256x16xi1>, vector<256x16xi32>
    %reduce_min3A = arith.constant dense<2147483647> : vector<256xi32>
    %reduce_min3A_103 = vector.multi_reduction <minsi>, %select_n3A, %reduce_min3A [1] : vector<256x16xi32> to vector<256xi32>
    %broadcast_in_dim3A_104 = vector.shape_cast %reduce_min3A_103 : vector<256xi32> to vector<256x1xi32>
    %eq3A_105 = vector.broadcast %broadcast_in_dim3A_104 : vector<256x1xi32> to vector<256x16xi32>
    %eq3A_106 = arith.cmpi eq, %iota3A, %eq3A_105 : vector<256x16xi32>
    %jit3A_107 = arith.constant 0xFF800000 : f32
    %broadcast_in_dim3A_108 = vector.broadcast %jit3A_107 : f32 to vector<256x16xf32>
    %select_n3A_109 = arith.select %eq3A_106, %broadcast_in_dim3A_108, %mul3A_98 : vector<256x16xi1>, vector<256x16xf32>
    %reduce_max3A_110 = arith.constant dense<0xFF800000> : vector<256xf32>
    %reduce_max3A_111 = vector.multi_reduction <maximumf>, %select_n3A_109, %reduce_max3A_110 [1] : vector<256x16xf32> to vector<256xf32>
    %broadcast_in_dim3A_112 = vector.shape_cast %reduce_max3A_111 : vector<256xf32> to vector<256x1xf32>
    %eq3A_113 = vector.broadcast %broadcast_in_dim3A_112 : vector<256x1xf32> to vector<256x16xf32>
    %eq3A_114 = arith.cmpf oeq, %select_n3A_109, %eq3A_113 : vector<256x16xf32>
    %jit3A_115 = arith.constant 16 : i32
    %broadcast_in_dim3A_116 = vector.broadcast %jit3A_115 : i32 to vector<256x16xi32>
    %select_n3A_117 = arith.select %eq3A_114, %iota3A, %broadcast_in_dim3A_116 : vector<256x16xi1>, vector<256x16xi32>
    %reduce_min3A_118 = arith.constant dense<2147483647> : vector<256xi32>
    %reduce_min3A_119 = vector.multi_reduction <minsi>, %select_n3A_117, %reduce_min3A_118 [1] : vector<256x16xi32> to vector<256xi32>
    %broadcast_in_dim3A_120 = vector.shape_cast %reduce_min3A_119 : vector<256xi32> to vector<256x1xi32>
    %eq3A_121 = vector.broadcast %broadcast_in_dim3A_120 : vector<256x1xi32> to vector<256x16xi32>
    %eq3A_122 = arith.cmpi eq, %iota3A, %eq3A_121 : vector<256x16xi32>
    %jit3A_123 = arith.constant 0xFF800000 : f32
    %broadcast_in_dim3A_124 = vector.broadcast %jit3A_123 : f32 to vector<256x16xf32>
    %select_n3A_125 = arith.select %eq3A_122, %broadcast_in_dim3A_124, %select_n3A_109 : vector<256x16xi1>, vector<256x16xf32>
    %reduce_max3A_126 = arith.constant dense<0xFF800000> : vector<256xf32>
    %reduce_max3A_127 = vector.multi_reduction <maximumf>, %select_n3A_125, %reduce_max3A_126 [1] : vector<256x16xf32> to vector<256xf32>
    %broadcast_in_dim3A_128 = vector.shape_cast %reduce_max3A_127 : vector<256xf32> to vector<256x1xf32>
    %eq3A_129 = vector.broadcast %broadcast_in_dim3A_128 : vector<256x1xf32> to vector<256x16xf32>
    %eq3A_130 = arith.cmpf oeq, %select_n3A_125, %eq3A_129 : vector<256x16xf32>
    %jit3A_131 = arith.constant 16 : i32
    %broadcast_in_dim3A_132 = vector.broadcast %jit3A_131 : i32 to vector<256x16xi32>
    %select_n3A_133 = arith.select %eq3A_130, %iota3A, %broadcast_in_dim3A_132 : vector<256x16xi1>, vector<256x16xi32>
    %reduce_min3A_134 = arith.constant dense<2147483647> : vector<256xi32>
    %reduce_min3A_135 = vector.multi_reduction <minsi>, %select_n3A_133, %reduce_min3A_134 [1] : vector<256x16xi32> to vector<256xi32>
    %broadcast_in_dim3A_136 = vector.shape_cast %reduce_min3A_135 : vector<256xi32> to vector<256x1xi32>
    %eq3A_137 = vector.broadcast %broadcast_in_dim3A_136 : vector<256x1xi32> to vector<256x16xi32>
    %eq3A_138 = arith.cmpi eq, %iota3A, %eq3A_137 : vector<256x16xi32>
    %jit3A_139 = arith.constant 0xFF800000 : f32
    %broadcast_in_dim3A_140 = vector.broadcast %jit3A_139 : f32 to vector<256x16xf32>
    %select_n3A_141 = arith.select %eq3A_138, %broadcast_in_dim3A_140, %select_n3A_125 : vector<256x16xi1>, vector<256x16xf32>
    %reduce_max3A_142 = arith.constant dense<0xFF800000> : vector<256xf32>
    %reduce_max3A_143 = vector.multi_reduction <maximumf>, %select_n3A_141, %reduce_max3A_142 [1] : vector<256x16xf32> to vector<256xf32>
    %broadcast_in_dim3A_144 = vector.shape_cast %reduce_max3A_143 : vector<256xf32> to vector<256x1xf32>
    %eq3A_145 = vector.broadcast %broadcast_in_dim3A_144 : vector<256x1xf32> to vector<256x16xf32>
    %eq3A_146 = arith.cmpf oeq, %select_n3A_141, %eq3A_145 : vector<256x16xf32>
    %jit3A_147 = arith.constant 16 : i32
    %broadcast_in_dim3A_148 = vector.broadcast %jit3A_147 : i32 to vector<256x16xi32>
    %select_n3A_149 = arith.select %eq3A_146, %iota3A, %broadcast_in_dim3A_148 : vector<256x16xi1>, vector<256x16xi32>
    %reduce_min3A_150 = arith.constant dense<2147483647> : vector<256xi32>
    %reduce_min3A_151 = vector.multi_reduction <minsi>, %select_n3A_149, %reduce_min3A_150 [1] : vector<256x16xi32> to vector<256xi32>
    %broadcast_in_dim3A_152 = vector.shape_cast %reduce_min3A_151 : vector<256xi32> to vector<256x1xi32>
    %sub3A = arith.subf %broadcast_in_dim3A_100, %broadcast_in_dim3A_100 : vector<256x1xf32>
    %exp3A = math.exp %sub3A : vector<256x1xf32>
    %sub3A_153 = arith.subf %broadcast_in_dim3A_112, %broadcast_in_dim3A_100 : vector<256x1xf32>
    %exp3A_154 = math.exp %sub3A_153 : vector<256x1xf32>
    %sub3A_155 = arith.subf %broadcast_in_dim3A_128, %broadcast_in_dim3A_100 : vector<256x1xf32>
    %exp3A_156 = math.exp %sub3A_155 : vector<256x1xf32>
    %sub3A_157 = arith.subf %broadcast_in_dim3A_144, %broadcast_in_dim3A_100 : vector<256x1xf32>
    %exp3A_158 = math.exp %sub3A_157 : vector<256x1xf32>
    %add3A = arith.addf %exp3A, %exp3A_154 : vector<256x1xf32>
    %add3A_159 = arith.addf %exp3A_156, %exp3A_158 : vector<256x1xf32>
    %add3A_160 = arith.addf %add3A, %add3A_159 : vector<256x1xf32>
    %broadcast_in_dim3A_161 = arith.constant 0.000000e+00 : f32
    %broadcast_in_dim3A_162 = vector.broadcast %broadcast_in_dim3A_161 : f32 to vector<256x16xf32>
    %eq3A_163 = vector.broadcast %broadcast_in_dim3A_104 : vector<256x1xi32> to vector<256x16xi32>
    %eq3A_164 = arith.cmpi eq, %iota3A, %eq3A_163 : vector<256x16xi32>
    %div3A = arith.divf %exp3A, %add3A_160 : vector<256x1xf32>
    %broadcast_in_dim3A_165 = vector.shape_cast %div3A : vector<256x1xf32> to vector<256x1xf32>
    %broadcast_in_dim3A_166 = vector.broadcast %broadcast_in_dim3A_165 : vector<256x1xf32> to vector<256x16xf32>
    %select_n3A_167 = arith.select %eq3A_164, %broadcast_in_dim3A_166, %broadcast_in_dim3A_162 : vector<256x16xi1>, vector<256x16xf32>
    %eq3A_168 = vector.broadcast %broadcast_in_dim3A_120 : vector<256x1xi32> to vector<256x16xi32>
    %eq3A_169 = arith.cmpi eq, %iota3A, %eq3A_168 : vector<256x16xi32>
    %div3A_170 = arith.divf %exp3A_154, %add3A_160 : vector<256x1xf32>
    %broadcast_in_dim3A_171 = vector.shape_cast %div3A_170 : vector<256x1xf32> to vector<256x1xf32>
    %broadcast_in_dim3A_172 = vector.broadcast %broadcast_in_dim3A_171 : vector<256x1xf32> to vector<256x16xf32>
    %select_n3A_173 = arith.select %eq3A_169, %broadcast_in_dim3A_172, %select_n3A_167 : vector<256x16xi1>, vector<256x16xf32>
    %eq3A_174 = vector.broadcast %broadcast_in_dim3A_136 : vector<256x1xi32> to vector<256x16xi32>
    %eq3A_175 = arith.cmpi eq, %iota3A, %eq3A_174 : vector<256x16xi32>
    %div3A_176 = arith.divf %exp3A_156, %add3A_160 : vector<256x1xf32>
    %broadcast_in_dim3A_177 = vector.shape_cast %div3A_176 : vector<256x1xf32> to vector<256x1xf32>
    %broadcast_in_dim3A_178 = vector.broadcast %broadcast_in_dim3A_177 : vector<256x1xf32> to vector<256x16xf32>
    %select_n3A_179 = arith.select %eq3A_175, %broadcast_in_dim3A_178, %select_n3A_173 : vector<256x16xi1>, vector<256x16xf32>
    %eq3A_180 = vector.broadcast %broadcast_in_dim3A_152 : vector<256x1xi32> to vector<256x16xi32>
    %eq3A_181 = arith.cmpi eq, %iota3A, %eq3A_180 : vector<256x16xi32>
    %div3A_182 = arith.divf %exp3A_158, %add3A_160 : vector<256x1xf32>
    %broadcast_in_dim3A_183 = vector.shape_cast %div3A_182 : vector<256x1xf32> to vector<256x1xf32>
    %broadcast_in_dim3A_184 = vector.broadcast %broadcast_in_dim3A_183 : vector<256x1xf32> to vector<256x16xf32>
    %select_n3A_185 = arith.select %eq3A_181, %broadcast_in_dim3A_184, %select_n3A_179 : vector<256x16xi1>, vector<256x16xf32>
    %broadcast_in_dim3A_186 = arith.constant 0.000000e+00 : f32
    %broadcast_in_dim3A_187 = vector.broadcast %broadcast_in_dim3A_186 : f32 to vector<256x216xf32>
    %slice3A_188 = vector.extract_strided_slice %select_n3A_185 {offsets = [0, 0], sizes = [256, 1], strides = [1, 1]} : vector<256x16xf32> to vector<256x1xf32>
    %slice3A_189 = vector.extract_strided_slice %reshape3A {offsets = [0, 0, 0], sizes = [256, 1, 216], strides = [1, 1, 1]} : vector<256x16x216xf32> to vector<256x1x216xf32>
    %squeeze3A_190 = vector.shape_cast %slice3A_189 : vector<256x1x216xf32> to vector<256x216xf32>
    %mul3A_191 = vector.broadcast %slice3A_188 : vector<256x1xf32> to vector<256x216xf32>
    %mul3A_192 = arith.mulf %mul3A_191, %squeeze3A_190 : vector<256x216xf32>
    %add3A_193 = arith.addf %broadcast_in_dim3A_187, %mul3A_192 : vector<256x216xf32>
    %slice3A_194 = vector.extract_strided_slice %select_n3A_185 {offsets = [0, 1], sizes = [256, 1], strides = [1, 1]} : vector<256x16xf32> to vector<256x1xf32>
    %slice3A_195 = vector.extract_strided_slice %reshape3A {offsets = [0, 1, 0], sizes = [256, 1, 216], strides = [1, 1, 1]} : vector<256x16x216xf32> to vector<256x1x216xf32>
    %squeeze3A_196 = vector.shape_cast %slice3A_195 : vector<256x1x216xf32> to vector<256x216xf32>
    %mul3A_197 = vector.broadcast %slice3A_194 : vector<256x1xf32> to vector<256x216xf32>
    %mul3A_198 = arith.mulf %mul3A_197, %squeeze3A_196 : vector<256x216xf32>
    %add3A_199 = arith.addf %add3A_193, %mul3A_198 : vector<256x216xf32>
    %slice3A_200 = vector.extract_strided_slice %select_n3A_185 {offsets = [0, 2], sizes = [256, 1], strides = [1, 1]} : vector<256x16xf32> to vector<256x1xf32>
    %slice3A_201 = vector.extract_strided_slice %reshape3A {offsets = [0, 2, 0], sizes = [256, 1, 216], strides = [1, 1, 1]} : vector<256x16x216xf32> to vector<256x1x216xf32>
    %squeeze3A_202 = vector.shape_cast %slice3A_201 : vector<256x1x216xf32> to vector<256x216xf32>
    %mul3A_203 = vector.broadcast %slice3A_200 : vector<256x1xf32> to vector<256x216xf32>
    %mul3A_204 = arith.mulf %mul3A_203, %squeeze3A_202 : vector<256x216xf32>
    %add3A_205 = arith.addf %add3A_199, %mul3A_204 : vector<256x216xf32>
    %slice3A_206 = vector.extract_strided_slice %select_n3A_185 {offsets = [0, 3], sizes = [256, 1], strides = [1, 1]} : vector<256x16xf32> to vector<256x1xf32>
    %slice3A_207 = vector.extract_strided_slice %reshape3A {offsets = [0, 3, 0], sizes = [256, 1, 216], strides = [1, 1, 1]} : vector<256x16x216xf32> to vector<256x1x216xf32>
    %squeeze3A_208 = vector.shape_cast %slice3A_207 : vector<256x1x216xf32> to vector<256x216xf32>
    %mul3A_209 = vector.broadcast %slice3A_206 : vector<256x1xf32> to vector<256x216xf32>
    %mul3A_210 = arith.mulf %mul3A_209, %squeeze3A_208 : vector<256x216xf32>
    %add3A_211 = arith.addf %add3A_205, %mul3A_210 : vector<256x216xf32>
    %slice3A_212 = vector.extract_strided_slice %select_n3A_185 {offsets = [0, 4], sizes = [256, 1], strides = [1, 1]} : vector<256x16xf32> to vector<256x1xf32>
    %slice3A_213 = vector.extract_strided_slice %reshape3A {offsets = [0, 4, 0], sizes = [256, 1, 216], strides = [1, 1, 1]} : vector<256x16x216xf32> to vector<256x1x216xf32>
    %squeeze3A_214 = vector.shape_cast %slice3A_213 : vector<256x1x216xf32> to vector<256x216xf32>
    %mul3A_215 = vector.broadcast %slice3A_212 : vector<256x1xf32> to vector<256x216xf32>
    %mul3A_216 = arith.mulf %mul3A_215, %squeeze3A_214 : vector<256x216xf32>
    %add3A_217 = arith.addf %add3A_211, %mul3A_216 : vector<256x216xf32>
    %slice3A_218 = vector.extract_strided_slice %select_n3A_185 {offsets = [0, 5], sizes = [256, 1], strides = [1, 1]} : vector<256x16xf32> to vector<256x1xf32>
    %slice3A_219 = vector.extract_strided_slice %reshape3A {offsets = [0, 5, 0], sizes = [256, 1, 216], strides = [1, 1, 1]} : vector<256x16x216xf32> to vector<256x1x216xf32>
    %squeeze3A_220 = vector.shape_cast %slice3A_219 : vector<256x1x216xf32> to vector<256x216xf32>
    %mul3A_221 = vector.broadcast %slice3A_218 : vector<256x1xf32> to vector<256x216xf32>
    %mul3A_222 = arith.mulf %mul3A_221, %squeeze3A_220 : vector<256x216xf32>
    %add3A_223 = arith.addf %add3A_217, %mul3A_222 : vector<256x216xf32>
    %slice3A_224 = vector.extract_strided_slice %select_n3A_185 {offsets = [0, 6], sizes = [256, 1], strides = [1, 1]} : vector<256x16xf32> to vector<256x1xf32>
    %slice3A_225 = vector.extract_strided_slice %reshape3A {offsets = [0, 6, 0], sizes = [256, 1, 216], strides = [1, 1, 1]} : vector<256x16x216xf32> to vector<256x1x216xf32>
    %squeeze3A_226 = vector.shape_cast %slice3A_225 : vector<256x1x216xf32> to vector<256x216xf32>
    %mul3A_227 = vector.broadcast %slice3A_224 : vector<256x1xf32> to vector<256x216xf32>
    %mul3A_228 = arith.mulf %mul3A_227, %squeeze3A_226 : vector<256x216xf32>
    %add3A_229 = arith.addf %add3A_223, %mul3A_228 : vector<256x216xf32>
    %slice3A_230 = vector.extract_strided_slice %select_n3A_185 {offsets = [0, 7], sizes = [256, 1], strides = [1, 1]} : vector<256x16xf32> to vector<256x1xf32>
    %slice3A_231 = vector.extract_strided_slice %reshape3A {offsets = [0, 7, 0], sizes = [256, 1, 216], strides = [1, 1, 1]} : vector<256x16x216xf32> to vector<256x1x216xf32>
    %squeeze3A_232 = vector.shape_cast %slice3A_231 : vector<256x1x216xf32> to vector<256x216xf32>
    %mul3A_233 = vector.broadcast %slice3A_230 : vector<256x1xf32> to vector<256x216xf32>
    %mul3A_234 = arith.mulf %mul3A_233, %squeeze3A_232 : vector<256x216xf32>
    %add3A_235 = arith.addf %add3A_229, %mul3A_234 : vector<256x216xf32>
    %slice3A_236 = vector.extract_strided_slice %select_n3A_185 {offsets = [0, 8], sizes = [256, 1], strides = [1, 1]} : vector<256x16xf32> to vector<256x1xf32>
    %slice3A_237 = vector.extract_strided_slice %reshape3A {offsets = [0, 8, 0], sizes = [256, 1, 216], strides = [1, 1, 1]} : vector<256x16x216xf32> to vector<256x1x216xf32>
    %squeeze3A_238 = vector.shape_cast %slice3A_237 : vector<256x1x216xf32> to vector<256x216xf32>
    %mul3A_239 = vector.broadcast %slice3A_236 : vector<256x1xf32> to vector<256x216xf32>
    %mul3A_240 = arith.mulf %mul3A_239, %squeeze3A_238 : vector<256x216xf32>
    %add3A_241 = arith.addf %add3A_235, %mul3A_240 : vector<256x216xf32>
    %slice3A_242 = vector.extract_strided_slice %select_n3A_185 {offsets = [0, 9], sizes = [256, 1], strides = [1, 1]} : vector<256x16xf32> to vector<256x1xf32>
    %slice3A_243 = vector.extract_strided_slice %reshape3A {offsets = [0, 9, 0], sizes = [256, 1, 216], strides = [1, 1, 1]} : vector<256x16x216xf32> to vector<256x1x216xf32>
    %squeeze3A_244 = vector.shape_cast %slice3A_243 : vector<256x1x216xf32> to vector<256x216xf32>
    %mul3A_245 = vector.broadcast %slice3A_242 : vector<256x1xf32> to vector<256x216xf32>
    %mul3A_246 = arith.mulf %mul3A_245, %squeeze3A_244 : vector<256x216xf32>
    %add3A_247 = arith.addf %add3A_241, %mul3A_246 : vector<256x216xf32>
    %slice3A_248 = vector.extract_strided_slice %select_n3A_185 {offsets = [0, 10], sizes = [256, 1], strides = [1, 1]} : vector<256x16xf32> to vector<256x1xf32>
    %slice3A_249 = vector.extract_strided_slice %reshape3A {offsets = [0, 10, 0], sizes = [256, 1, 216], strides = [1, 1, 1]} : vector<256x16x216xf32> to vector<256x1x216xf32>
    %squeeze3A_250 = vector.shape_cast %slice3A_249 : vector<256x1x216xf32> to vector<256x216xf32>
    %mul3A_251 = vector.broadcast %slice3A_248 : vector<256x1xf32> to vector<256x216xf32>
    %mul3A_252 = arith.mulf %mul3A_251, %squeeze3A_250 : vector<256x216xf32>
    %add3A_253 = arith.addf %add3A_247, %mul3A_252 : vector<256x216xf32>
    %slice3A_254 = vector.extract_strided_slice %select_n3A_185 {offsets = [0, 11], sizes = [256, 1], strides = [1, 1]} : vector<256x16xf32> to vector<256x1xf32>
    %slice3A_255 = vector.extract_strided_slice %reshape3A {offsets = [0, 11, 0], sizes = [256, 1, 216], strides = [1, 1, 1]} : vector<256x16x216xf32> to vector<256x1x216xf32>
    %squeeze3A_256 = vector.shape_cast %slice3A_255 : vector<256x1x216xf32> to vector<256x216xf32>
    %mul3A_257 = vector.broadcast %slice3A_254 : vector<256x1xf32> to vector<256x216xf32>
    %mul3A_258 = arith.mulf %mul3A_257, %squeeze3A_256 : vector<256x216xf32>
    %add3A_259 = arith.addf %add3A_253, %mul3A_258 : vector<256x216xf32>
    %slice3A_260 = vector.extract_strided_slice %select_n3A_185 {offsets = [0, 12], sizes = [256, 1], strides = [1, 1]} : vector<256x16xf32> to vector<256x1xf32>
    %slice3A_261 = vector.extract_strided_slice %reshape3A {offsets = [0, 12, 0], sizes = [256, 1, 216], strides = [1, 1, 1]} : vector<256x16x216xf32> to vector<256x1x216xf32>
    %squeeze3A_262 = vector.shape_cast %slice3A_261 : vector<256x1x216xf32> to vector<256x216xf32>
    %mul3A_263 = vector.broadcast %slice3A_260 : vector<256x1xf32> to vector<256x216xf32>
    %mul3A_264 = arith.mulf %mul3A_263, %squeeze3A_262 : vector<256x216xf32>
    %add3A_265 = arith.addf %add3A_259, %mul3A_264 : vector<256x216xf32>
    %slice3A_266 = vector.extract_strided_slice %select_n3A_185 {offsets = [0, 13], sizes = [256, 1], strides = [1, 1]} : vector<256x16xf32> to vector<256x1xf32>
    %slice3A_267 = vector.extract_strided_slice %reshape3A {offsets = [0, 13, 0], sizes = [256, 1, 216], strides = [1, 1, 1]} : vector<256x16x216xf32> to vector<256x1x216xf32>
    %squeeze3A_268 = vector.shape_cast %slice3A_267 : vector<256x1x216xf32> to vector<256x216xf32>
    %mul3A_269 = vector.broadcast %slice3A_266 : vector<256x1xf32> to vector<256x216xf32>
    %mul3A_270 = arith.mulf %mul3A_269, %squeeze3A_268 : vector<256x216xf32>
    %add3A_271 = arith.addf %add3A_265, %mul3A_270 : vector<256x216xf32>
    %slice3A_272 = vector.extract_strided_slice %select_n3A_185 {offsets = [0, 14], sizes = [256, 1], strides = [1, 1]} : vector<256x16xf32> to vector<256x1xf32>
    %slice3A_273 = vector.extract_strided_slice %reshape3A {offsets = [0, 14, 0], sizes = [256, 1, 216], strides = [1, 1, 1]} : vector<256x16x216xf32> to vector<256x1x216xf32>
    %squeeze3A_274 = vector.shape_cast %slice3A_273 : vector<256x1x216xf32> to vector<256x216xf32>
    %mul3A_275 = vector.broadcast %slice3A_272 : vector<256x1xf32> to vector<256x216xf32>
    %mul3A_276 = arith.mulf %mul3A_275, %squeeze3A_274 : vector<256x216xf32>
    %add3A_277 = arith.addf %add3A_271, %mul3A_276 : vector<256x216xf32>
    %slice3A_278 = vector.extract_strided_slice %select_n3A_185 {offsets = [0, 15], sizes = [256, 1], strides = [1, 1]} : vector<256x16xf32> to vector<256x1xf32>
    %slice3A_279 = vector.extract_strided_slice %reshape3A {offsets = [0, 15, 0], sizes = [256, 1, 216], strides = [1, 1, 1]} : vector<256x16x216xf32> to vector<256x1x216xf32>
    %squeeze3A_280 = vector.shape_cast %slice3A_279 : vector<256x1x216xf32> to vector<256x216xf32>
    %mul3A_281 = vector.broadcast %slice3A_278 : vector<256x1xf32> to vector<256x216xf32>
    %mul3A_282 = arith.mulf %mul3A_281, %squeeze3A_280 : vector<256x216xf32>
    %add3A_283 = arith.addf %add3A_277, %mul3A_282 : vector<256x216xf32>
    %swap3A = arith.constant 0 : index
    %swap3A_284 = arith.constant 0 : index
    %swap3A_285 = vector.load %arg3[%swap3A, %swap3A_284] : memref<256x216xf32, #tpu.memory_space<vmem>>, vector<256x216xf32>
    tpu.vector_store %arg3[%swap3A, %swap3A_284], %add3A_283 {strides = array<i32>} : memref<256x216xf32, #tpu.memory_space<vmem>>, vector<256x216xf32>,
    return
  }
  func.func @transform_0(%arg0: i32) -> (i32, i32) {
    %c0_i32 = arith.constant 0 : i32
    %c0_i32_0 = arith.constant 0 : i32
    return %arg0, %c0_i32 : i32, i32
  }
  func.func @transform_1(%arg0: i32) -> (i32, i32) {
    %c0_i32 = arith.constant 0 : i32
    %c0_i32_0 = arith.constant 0 : i32
    return %arg0, %c0_i32 : i32, i32
  }
  func.func @transform_2(%arg0: i32) -> (i32, i32) {
    %c0_i32 = arith.constant 0 : i32
    %c0_i32_0 = arith.constant 0 : i32
    return %arg0, %c0_i32 : i32, i32
  }
}

</mosaic_0001>

<sc_bundles>
// kernel: kernel.11.cloned.1.call-start
scs
__scs_entry_jumppad:
0x0: {  	(pc) =	sbr.rel $0x88, $3  }
0x1: {  	(tag) =	ssettag $0x0;
	lr =	simm.s32 $0x1  }
0x2: {  	[smem:$0x3F9D] =	sst lr;
	_ =	strace $0xD0000000  }
0x3: {  	_ = 	snop  }
0x4: {  	_ = 	snop  }
0x5: {  	_ = 	snop  }
0x6: {  	_ = 	snop  }
0x7: {  	_ = 	snop  }
__scs_overlays_trampoline_lowered:
0x8: {  	[smem:$0x3FAC] =	sst s0  }
0x9: {  	[smem:$0x3FAD] =	sst s1  }
0xa: {  	[smem:$0x3FAE] =	sst s2  }
0xb: {  	[smem:$0x3FAF] =	sst s3  }
0xc: {  	[smem:$0x3FB0] =	sst s4  }
0xd: {  	[smem:$0x3FB1] =	sst s5  }
0xe: {  	[smem:$0x3FB2] =	sst s6  }
0xf: {  	[smem:$0x3FB3] =	sst s7  }
0x10: {  	[smem:$0x3FB4] =	sst s8  }
0x11: {  	[smem:$0x3FB5] =	sst s9;
	s0 =	simm.s32 @!p0 $0x0  }
0x12: {  	s1 =	sld [smem:$0x3F9B];
	s0 =	simm.s32 @p0 $0x1  }
0x13: {  	[smem:$0x3FB6] =	sst s0;
	s0 =	simm.s32 @!p1 $0x0  }
0x14: {  	s2 =	sld [smem:$0x3F9A];
	s0 =	simm.s32 @p1 $0x1  }
0x15: {  	[smem:$0x3FB7] =	sst s0;
	s0 =	simm.s32 @!p2 $0x0  }
0x16: {  	s3 =	sld [smem:$0x3FDB];
	s0 =	simm.s32 @p2 $0x1  }
0x17: {  	s4 =	simm.s32 $0x1BF5;
	[smem:$0x3FB9] =	sst s0  }
0x18: {  	s0 =	sld [smem:$0x3F9C];
	_ =	swait.ge [sflag:s4], $0x0  }
0x19: {  	s7 =	sld [smem:$0x3F9D]  }
0x1a: {  	s8 =	sadd.s32 $0xFFFFE003, lr  }
0x1b: {  	s9 =	sadd.s32 $0xFFFFFEF7, lr;
	s5 =	simm.s32 $0xFFFFFFFF;
	p2 =	slt.u32 s8, $0xFFFFF086  }
0x1c: {  	p1 =	slt.u32 s9, $0xF7A;
	s5 =	simm.s32 @!p2 $0x0  }
0x1d: {  	s5 =	simm.s32 @p1 $0x1;
	p0 =	seq.s32 s7, s2  }
0x1e: {  	s7 =	smul.u32 @!p0 $0xF7A, s2;
	p2 =	seq.s32 @!p0 s5, $0x0  }
0x1f: {  	s9 =	smul.u32 $0xF7A, s1;
	s8 =	simm.s32 @!p0 $0x1BF5;
	p2 =	por !p2, p0  }
0x20: {  	[sflag:s8] =	ssyncset.s32 @!p0 $0xFFFFF086;
	s6 =	sadd.s32 @!p0 s3, s7;
	s7 =	simm.s32 @!p0 $0x108  }
0x21: {  	s3 =	sadd.s32 s3, s9;
	s6 =	sadd.s32 @!p0 $0x88, s6;
	s7 =	simm.s32 @p2 $0x1082  }
0x22: {  	[simem:s7], [sflag:s8] =	dma.local @!p0 [hbm:s6], $0xF7A  }
0x23: {  	s9 =	sor.u32 $0xD0000000, s2;
	s6 =	simm.s32 $0x108;
	_ =	swait.ge @!p0 [sflag:s8], $0x0  }
0x24: {  	s3 =	sadd.s32 $0x88, s3;
	s6 =	simm.s32 @!p1 $0x1082;
	[sflag:s4] =	ssyncset.s32 $0xFFFFF086  }
0x25: {  	[simem:s6], [sflag:s4] =	dma.local [hbm:s3], $0xF7A  }
0x26: {  	[smem:$0x3F9D] =	sst s1;
	(tag) =	ssettag s2;
	_ =	strace s9  }
0x27: {  	s1 =	sld [smem:$0x3FAD]  }
0x28: {  	s2 =	sld [smem:$0x3FAE]  }
0x29: {  	s4 =	sld [smem:$0x3FB0]  }
0x2a: {  	p0 =	seq.s32 s5, $0x0;
	s5 =	sld [smem:$0x3FB1]  }
0x2b: {  	s6 =	sld [smem:$0x3FB2]  }
0x2c: {  	s7 =	sld [smem:$0x3FB3]  }
0x2d: {  	s3 =	simm.s32 $0x108;
	s8 =	sld [smem:$0x3FB4]  }
0x2e: {  	s3 =	simm.s32 @!p0 $0x1082;
	s9 =	sld [smem:$0x3FB5]  }
0x2f: {  	lr =	sadd.s32 s0, s3;
	s0 =	sld [smem:$0x3FAC]  }
0x30: {  	s3 =	sld [smem:$0x3FAF]  }
0x31: {  	[smem:$0x3FB8] =	sst s10  }
0x32: {  	s10 =	sld [smem:$0x3FB6];
	_ =	sdelay $0x3  }
0x33: {  	p0 =	seq.s32 s10, $0x1;
	s10 =	sld [smem:$0x3FB8];
	_ =	sdelay $0x3  }
0x34: {  	[smem:$0x3FB8] =	sst s10  }
0x35: {  	s10 =	sld [smem:$0x3FB7];
	_ =	sdelay $0x3  }
0x36: {  	p1 =	seq.s32 s10, $0x1;
	s10 =	sld [smem:$0x3FB8];
	_ =	sdelay $0x3  }
0x37: {  	[smem:$0x3FB8] =	sst s10  }
0x38: {  	s10 =	sld [smem:$0x3FB9]  }
0x39: {  	_ = 	snop;
	(pc) =	sbr.ind lr, $3  }
0x3a: {  	_ = 	snop  }
0x3b: {  	_ = 	snop  }
0x3c: {  	p2 =	seq.s32 s10, $0x1;
	s10 =	sld [smem:$0x3FB8]  }
0x3d: {  	_ =	shalt  }
0x3e: {  	_ =	shalt  }
0x3f: {  	_ =	shalt  }
0x40: {  	_ =	shalt  }
0x41: {  	_ =	shalt  }
0x42: {  	_ =	shalt  }
0x43: {  	_ =	shalt  }
0x44: {  	_ =	shalt  }
0x45: {  	_ =	shalt  }
0x46: {  	_ =	shalt  }
0x47: {  	_ =	shalt  }
0x48: {  	_ =	shalt  }
0x49: {  	_ =	shalt  }
0x4a: {  	_ =	shalt  }
0x4b: {  	_ =	shalt  }
0x4c: {  	_ =	shalt  }
0x4d: {  	_ =	shalt  }
0x4e: {  	_ =	shalt  }
0x4f: {  	_ =	shalt  }
0x50: {  	_ =	shalt  }
0x51: {  	_ =	shalt  }
0x52: {  	_ =	shalt  }
0x53: {  	_ =	shalt  }
0x54: {  	_ =	shalt  }
0x55: {  	_ =	shalt  }
0x56: {  	_ =	shalt  }
0x57: {  	_ =	shalt  }
0x58: {  	_ =	shalt  }
0x59: {  	_ =	shalt  }
0x5a: {  	_ =	shalt  }
0x5b: {  	_ =	shalt  }
0x5c: {  	_ =	shalt  }
0x5d: {  	_ =	shalt  }
0x5e: {  	_ =	shalt  }
0x5f: {  	_ =	shalt  }
0x60: {  	_ =	shalt  }
0x61: {  	_ =	shalt  }
0x62: {  	_ =	shalt  }
0x63: {  	_ =	shalt  }
0x64: {  	_ =	shalt  }
0x65: {  	_ =	shalt  }
0x66: {  	_ =	shalt  }
0x67: {  	_ =	shalt  }
0x68: {  	_ =	shalt  }
0x69: {  	_ =	shalt  }
0x6a: {  	_ =	shalt  }
0x6b: {  	_ =	shalt  }
0x6c: {  	_ =	shalt  }
0x6d: {  	_ =	shalt  }
0x6e: {  	_ =	shalt  }
0x6f: {  	_ =	shalt  }
0x70: {  	_ =	shalt  }
0x71: {  	_ =	shalt  }
0x72: {  	_ =	shalt  }
0x73: {  	_ =	shalt  }
0x74: {  	_ =	shalt  }
0x75: {  	_ =	shalt  }
0x76: {  	_ =	shalt  }
0x77: {  	_ =	shalt  }
0x78: {  	_ =	shalt  }
0x79: {  	_ =	shalt  }
0x7a: {  	_ =	shalt  }
0x7b: {  	_ =	shalt  }
0x7c: {  	_ =	shalt  }
0x7d: {  	_ =	shalt  }
0x7e: {  	_ =	shalt  }
0x7f: {  	_ =	shalt  }
0x80: {  	_ =	shalt  }
0x81: {  	_ =	shalt  }
0x82: {  	_ =	shalt  }
0x83: {  	_ =	shalt  }
0x84: {  	_ =	shalt  }
0x85: {  	_ =	shalt  }
0x86: {  	_ =	shalt  }
0x87: {  	_ =	shalt  }
.Lfunc_end0:
.L_simem_size_0:
called_computation.1_lowered:
.L_overlay_start_0:
0x88: {  	s2 =	sld [smem:$0x3FD9]  }
0x89: {  	s3 =	sld [smem:$0x3FFE];
	_ =	sdelay $0x1  }
0x8a: {  	s1 =	srdreg.scid  }
0x8b: {  	s0 =	sand.u32 $0x1, s1  }
0x8c: {  	s17 =	sshll.u32 s0, $0xA;
	s2 =	sadd.s32 s3, s2  }
0x8d: {  	s2 =	sadd.s32 s2, s17  }
0x8e: {  	[smem:$0x3FC4] =	sst s2  }
0x8f: {  	_ = 	snop  }
0x90: {  	s2 =	sld [smem:$0x3FD0];
	(tm) =	ssettm $0x1  }
0x91: {  	s18 =	sld [smem:$0x3FFB];
	_ =	sdelay $0x3  }
0x92: {  	_ =	strace s18  }
0x93: {  	s3 =	sld [smem:$0x3FFC];
	_ =	sdelay $0x3  }
0x94: {  	_ =	strace s3  }
0x95: {  	s3 =	sld [smem:$0x3FFD];
	_ =	sdelay $0x3  }
0x96: {  	_ =	strace s3  }
0x97: {  	_ =	strace $0x8FFFFFFF  }
0x98: {  	s19 =	sld [smem:$0x3FDB];
	_ =	sdelay $0x1  }
0x99: {  	s4 =	simm.s32 $_scs_section_size  }
0x9a: {  	s5 =	simm.s32 $_size__tile_overlayer_lowered;
	s6 =	simm.s32 $_tile_overlayer_lowered  }
0x9b: {  	s22 =	simm.s32 $0x1BFF;
	s21 =	sshll.u32 s6, $0x1;
	s3 =	sadd.s32 s4, s19  }
0x9c: {  	s7 =	simm.s32 $0x0;
	s20 =	sshll.u32 s5, $0x1;
	s5 =	sadd.s32 s21, s3  }
0x9d: {  	[timem:s7], [sflag:s22] =	dma.local [hbm:s5], s20  }
0x9e: {  	_ =	swait.ge [sflag:s22], s20  }
0x9f: {  	s4 =	ssub.s32 $0x0, s20;
	[sflag:s22] =	ssyncset.done $0x0  }
0xa0: {  	[sflag:s22] =	ssyncadd.s32 s4;
	_ =	sdelay $0x1  }
0xa1: {  	s23 =	simm.s32 $0x1B8B  }
0xa2: {  	_ =	swait.ge [sflag:s23], $0x1  }
0xa3: {  	[sflag:s23] =	ssyncset.done $0x0  }
0xa4: {  	s25 =	simm.s32 $0x1B8E;
	s24 =	sld [smem:$0x3FFE];
	[sflag:s23] =	ssyncadd.s32 $0xFFFFFFFF  }
0xa5: {  	s26 =	simm.s32 $execute0_lowered;
	[smem:$0x3FD2] =	sst s25  }
0xa6: {  	s5 =	sshll.u32 s26, $0x1;
	_ =	strace $0x80000049;
	[dreg:$0x1] =	wrdreg $0xFFFFFFFF  }
0xa7: {  	s28 =	simm.s32 $_size_execute0_lowered;
	s3 =	sadd.s32 s3, s5;
	[dreg:$0x0] =	wrdreg $0x0  }
0xa8: {  	s5 =	sshll.u32 s28, $0x1;
	[dreg:$0x2] =	wrdreg s3  }
0xa9: {  	[dreg:$0x3] =	wrdreg s5  }
0xaa: {  	[dreg:$0x4] =	wrdreg $0xC0  }
0xab: {  	_ =	task [dreg:s7], $0x5FFFF  }
0xac: {  	[dreg:$0x1] =	wrdreg $0xFFFFFFFF  }
0xad: {  	[dreg:$0x0] =	wrdreg $0x60  }
0xae: {  	[dreg:$0x2] =	wrdreg s24  }
0xaf: {  	[dreg:$0x3] =	wrdreg s2  }
0xb0: {  	[dreg:$0x4] =	wrdreg $0x9  }
0xb1: {  	_ =	task.clear_ibuf [dreg:s7], $0x5FFFF;
	_ =	strace $0x90000049  }
0xb2: {  	s29 =	simm.s32 $0x9;
	_ =	strace $0x8000004B  }
0xb3: {  	_ =	swait.ge [sflag:s29], $0x1  }
0xb4: {  	[sflag:s29] =	ssyncadd.s32 $0xFFFFFFFF  }
0xb5: {  	_ =	strace $0x9000004B  }
0xb6: {  	_ =	sfence  }
0xb7: {  	s30 =	sld [smem:$0x0];
	_ =	sdelay $0x2  }
0xb8: {  	s31 =	sshll.u32 s1, $0xD;
	s1 =	sshrl.u32 s1, $0x2  }
0xb9: {  	s3 =	sand.u32 $0x4000, s31;
	s1 =	sadd.s32 s1, s30  }
0xba: {  	s0 =	sor.u32 s3, s0;
	s1 =	sshll.u32 s1, $0x11  }
0xbb: {  	s0 =	sor.u32 s1, s0  }
0xbc: {  	s0 =	sadd.s32 $0x8F2B, s0  }
0xbd: {  	[sflag:s0] =	ssyncadd.remote.s32 $0x1  }
0xbe: {  	_ =	sfence.sel $0xFFFF  }
0xbf: {  	[dreg:$0x0] =	wrdreg $0xFFFFFFFF;
	(pc) =	sbr.abs _section_cstart, $3  }
0xc0: {  	[dreg:$0x1] =	wrdreg $0xFFFFFFFF  }
0xc1: {  	_ =	task.clear_ibuf [dreg:s7], $0x2FFFF;
	_ =	strace $0x9FFFFFFF  }
0xc2: {  	(tm) =	ssettm $0x7FFFFFFF  }
0xc3: {  	_ =	shalt  }
tec
execute0_lowered:
.L_overlay_start_1:
0x0: {  	(tag) =	ssettag $0x1  }
0x1: {  	s1 =	srdreg.scid  }
0x2: {  	s8 =	rddreg [dreg:$0x0];
	s0 =	stileid.u32;
	s22 =	sand.u32 $0x1, s1  }
0x3: {  	s21 =	rddreg [dreg:$0x1];
	s3 =	sshll.u32 s0, $0xC;
	s4 =	sshll.u32 s22, $0xB  }
0x4: {  	s2 =	simm.s32 $0x0;
	s1 =	rddreg [dreg:$0x2];
	s24 =	sor.u32 s4, s3  }
0x5: {  	[smem:$0x7FF] =	sst s2;
	s3 =	sshrl.u32 s24, $0x3  }
0x6: {  	_ =	strace $0x8000004A;
	s4 =	sadd.s32 s21, s3;
	s3 =	simm.s32 $0x2  }
0x7: {  	[tilespmem:s2], [sflag:$0x2] =	stream.linear.gather [hbm4b:s4+s2], $0x100, $0x38;
	[tilespmem:$0xD900] =	vst v63  }
0x8: {  	_ =	swait.ge [sflag:s3], $0x100  }
0x9: {  	s6 =	simm.s32 $0x100;
	[sflag:s3] =	ssyncset.done $0x0  }
0xa: {  	s7 =	simm.s32 $0x1;
	s5 =	sadd.s32 $0x1400, s8;
	[sflag:s3] =	ssyncadd.s32 $0xFFFFFF00  }
0xb: {  	[tilespmem:s6], [sflag:$0x1] =	stream.indirect.gather [hbm4b:s5+s6], $0xD8, s2, s6, $0xb8;
	[tilespmem:$0xD900] =	vst v63  }
0xc: {  	s9 =	smul.u32 $0x1B, s24;
	_ =	swait.ge [sflag:s7], $0xD800  }
0xd: {  	s23 =	sadd.s32 $0x1D1600, s8;
	[sflag:s7] =	ssyncset.done $0x0  }
0xe: {  	s8 =	sadd.s32 s23, s9;
	[sflag:s7] =	ssyncadd.s32 $0xFFFF2800  }
0xf: {  	[hbm4b:s8+s2] =	stream.linear.scatter [tilespmem:s6], [sflag:$0x2], $0xD800, $0x38;
	[tilespmem:$0xD900] =	vst v63  }
0x10: {  	s10 =	sor.u32 $0x100, s24;
	_ =	swait.ge [sflag:s3], $0xD800  }
0x11: {  	s29 =	sshrl.u32 s10, $0x3;
	[sflag:s3] =	ssyncset.done $0x0  }
0x12: {  	s9 =	sadd.s32 s21, s29;
	[sflag:s3] =	ssyncadd.s32 $0xFFFF2800  }
0x13: {  	[tilespmem:s2], [sflag:$0x2] =	stream.linear.gather [hbm4b:s9+s2], $0x100, $0x38;
	[tilespmem:$0xD900] =	vst v63  }
0x14: {  	_ =	swait.ge [sflag:s3], $0x100  }
0x15: {  	[sflag:s3] =	ssyncset.done $0x0  }
0x16: {  	[sflag:s3] =	ssyncadd.s32 $0xFFFFFF00  }
0x17: {  	[tilespmem:s6], [sflag:$0x1] =	stream.indirect.gather [hbm4b:s5+s6], $0xD8, s2, s6, $0xb8;
	[tilespmem:$0xD900] =	vst v63  }
0x18: {  	s10 =	smul.u32 $0x1B, s10;
	_ =	swait.ge [sflag:s7], $0xD800  }
0x19: {  	[sflag:s7] =	ssyncset.done $0x0  }
0x1a: {  	s10 =	sadd.s32 s23, s10;
	[sflag:s7] =	ssyncadd.s32 $0xFFFF2800  }
0x1b: {  	[hbm4b:s10+s2] =	stream.linear.scatter [tilespmem:s6], [sflag:$0x2], $0xD800, $0x38;
	[tilespmem:$0xD900] =	vst v63  }
0x1c: {  	s12 =	sor.u32 $0x200, s24;
	_ =	swait.ge [sflag:s3], $0xD800  }
0x1d: {  	s11 =	sshrl.u32 s12, $0x3;
	[sflag:s3] =	ssyncset.done $0x0  }
0x1e: {  	s11 =	sadd.s32 s21, s11;
	[sflag:s3] =	ssyncadd.s32 $0xFFFF2800  }
0x1f: {  	[tilespmem:s2], [sflag:$0x2] =	stream.linear.gather [hbm4b:s11+s2], $0x100, $0x38;
	[tilespmem:$0xD900] =	vst v63  }
0x20: {  	_ =	swait.ge [sflag:s3], $0x100  }
0x21: {  	[sflag:s3] =	ssyncset.done $0x0  }
0x22: {  	[sflag:s3] =	ssyncadd.s32 $0xFFFFFF00  }
0x23: {  	[tilespmem:s6], [sflag:$0x1] =	stream.indirect.gather [hbm4b:s5+s6], $0xD8, s2, s6, $0xb8;
	[tilespmem:$0xD900] =	vst v63  }
0x24: {  	s12 =	smul.u32 $0x1B, s12;
	_ =	swait.ge [sflag:s7], $0xD800  }
0x25: {  	[sflag:s7] =	ssyncset.done $0x0  }
0x26: {  	s12 =	sadd.s32 s23, s12;
	[sflag:s7] =	ssyncadd.s32 $0xFFFF2800  }
0x27: {  	[hbm4b:s12+s2] =	stream.linear.scatter [tilespmem:s6], [sflag:$0x2], $0xD800, $0x38;
	[tilespmem:$0xD900] =	vst v63  }
0x28: {  	s14 =	sor.u32 $0x300, s24;
	_ =	swait.ge [sflag:s3], $0xD800  }
0x29: {  	s13 =	sshrl.u32 s14, $0x3;
	[sflag:s3] =	ssyncset.done $0x0  }
0x2a: {  	s13 =	sadd.s32 s21, s13;
	[sflag:s3] =	ssyncadd.s32 $0xFFFF2800  }
0x2b: {  	[tilespmem:s2], [sflag:$0x2] =	stream.linear.gather [hbm4b:s13+s2], $0x100, $0x38;
	[tilespmem:$0xD900] =	vst v63  }
0x2c: {  	_ =	swait.ge [sflag:s3], $0x100  }
0x2d: {  	[sflag:s3] =	ssyncset.done $0x0  }
0x2e: {  	[sflag:s3] =	ssyncadd.s32 $0xFFFFFF00  }
0x2f: {  	[tilespmem:s6], [sflag:$0x1] =	stream.indirect.gather [hbm4b:s5+s6], $0xD8, s2, s6, $0xb8;
	[tilespmem:$0xD900] =	vst v63  }
0x30: {  	s14 =	smul.u32 $0x1B, s14;
	_ =	swait.ge [sflag:s7], $0xD800  }
0x31: {  	[sflag:s7] =	ssyncset.done $0x0  }
0x32: {  	s14 =	sadd.s32 s23, s14;
	[sflag:s7] =	ssyncadd.s32 $0xFFFF2800  }
0x33: {  	[hbm4b:s14+s2] =	stream.linear.scatter [tilespmem:s6], [sflag:$0x2], $0xD800, $0x38;
	[tilespmem:$0xD900] =	vst v63  }
0x34: {  	s16 =	sor.u32 $0x400, s24;
	_ =	swait.ge [sflag:s3], $0xD800  }
0x35: {  	s15 =	sshrl.u32 s16, $0x3;
	[sflag:s3] =	ssyncset.done $0x0  }
0x36: {  	s15 =	sadd.s32 s21, s15;
	[sflag:s3] =	ssyncadd.s32 $0xFFFF2800  }
0x37: {  	[tilespmem:s2], [sflag:$0x2] =	stream.linear.gather [hbm4b:s15+s2], $0x100, $0x38;
	[tilespmem:$0xD900] =	vst v63  }
0x38: {  	_ =	swait.ge [sflag:s3], $0x100  }
0x39: {  	[sflag:s3] =	ssyncset.done $0x0  }
0x3a: {  	[sflag:s3] =	ssyncadd.s32 $0xFFFFFF00  }
0x3b: {  	[tilespmem:s6], [sflag:$0x1] =	stream.indirect.gather [hbm4b:s5+s6], $0xD8, s2, s6, $0xb8;
	[tilespmem:$0xD900] =	vst v63  }
0x3c: {  	s16 =	smul.u32 $0x1B, s16;
	_ =	swait.ge [sflag:s7], $0xD800  }
0x3d: {  	[sflag:s7] =	ssyncset.done $0x0  }
0x3e: {  	s16 =	sadd.s32 s23, s16;
	[sflag:s7] =	ssyncadd.s32 $0xFFFF2800  }
0x3f: {  	[hbm4b:s16+s2] =	stream.linear.scatter [tilespmem:s6], [sflag:$0x2], $0xD800, $0x38;
	[tilespmem:$0xD900] =	vst v63  }
0x40: {  	s18 =	sor.u32 $0x500, s24;
	_ =	swait.ge [sflag:s3], $0xD800  }
0x41: {  	s17 =	sshrl.u32 s18, $0x3;
	[sflag:s3] =	ssyncset.done $0x0  }
0x42: {  	s17 =	sadd.s32 s21, s17;
	[sflag:s3] =	ssyncadd.s32 $0xFFFF2800  }
0x43: {  	[tilespmem:s2], [sflag:$0x2] =	stream.linear.gather [hbm4b:s17+s2], $0x100, $0x38;
	[tilespmem:$0xD900] =	vst v63  }
0x44: {  	_ =	swait.ge [sflag:s3], $0x100  }
0x45: {  	[sflag:s3] =	ssyncset.done $0x0  }
0x46: {  	[sflag:s3] =	ssyncadd.s32 $0xFFFFFF00  }
0x47: {  	[tilespmem:s6], [sflag:$0x1] =	stream.indirect.gather [hbm4b:s5+s6], $0xD8, s2, s6, $0xb8;
	[tilespmem:$0xD900] =	vst v63  }
0x48: {  	s18 =	smul.u32 $0x1B, s18;
	_ =	swait.ge [sflag:s7], $0xD800  }
0x49: {  	[sflag:s7] =	ssyncset.done $0x0  }
0x4a: {  	s18 =	sadd.s32 s23, s18;
	[sflag:s7] =	ssyncadd.s32 $0xFFFF2800  }
0x4b: {  	[hbm4b:s18+s2] =	stream.linear.scatter [tilespmem:s6], [sflag:$0x2], $0xD800, $0x38;
	[tilespmem:$0xD900] =	vst v63  }
0x4c: {  	s20 =	sor.u32 $0x600, s24;
	_ =	swait.ge [sflag:s3], $0xD800  }
0x4d: {  	s19 =	sshrl.u32 s20, $0x3;
	[sflag:s3] =	ssyncset.done $0x0  }
0x4e: {  	s19 =	sadd.s32 s21, s19;
	[sflag:s3] =	ssyncadd.s32 $0xFFFF2800  }
0x4f: {  	[tilespmem:s2], [sflag:$0x2] =	stream.linear.gather [hbm4b:s19+s2], $0x100, $0x38;
	[tilespmem:$0xD900] =	vst v63  }
0x50: {  	_ =	swait.ge [sflag:s3], $0x100  }
0x51: {  	[sflag:s3] =	ssyncset.done $0x0  }
0x52: {  	[sflag:s3] =	ssyncadd.s32 $0xFFFFFF00  }
0x53: {  	[tilespmem:s6], [sflag:$0x1] =	stream.indirect.gather [hbm4b:s5+s6], $0xD8, s2, s6, $0xb8;
	[tilespmem:$0xD900] =	vst v63  }
0x54: {  	s20 =	smul.u32 $0x1B, s20;
	_ =	swait.ge [sflag:s7], $0xD800  }
0x55: {  	[sflag:s7] =	ssyncset.done $0x0  }
0x56: {  	s20 =	sadd.s32 s23, s20;
	[sflag:s7] =	ssyncadd.s32 $0xFFFF2800  }
0x57: {  	[hbm4b:s20+s2] =	stream.linear.scatter [tilespmem:s6], [sflag:$0x2], $0xD800, $0x38;
	[tilespmem:$0xD900] =	vst v63  }
0x58: {  	s24 =	sor.u32 $0x700, s24;
	_ =	swait.ge [sflag:s3], $0xD800  }
0x59: {  	s25 =	sshrl.u32 s24, $0x3;
	[sflag:s3] =	ssyncset.done $0x0  }
0x5a: {  	s22 =	ssub.s32 $0x2, s22;
	s21 =	sadd.s32 s21, s25;
	[sflag:s3] =	ssyncadd.s32 $0xFFFF2800  }
0x5b: {  	[tilespmem:s2], [sflag:$0x2] =	stream.linear.gather [hbm4b:s21+s2], $0x100, $0x38;
	[tilespmem:$0xD900] =	vst v63  }
0x5c: {  	s30 =	sshrl.u32 s22, $0x1;
	_ =	swait.ge [sflag:s3], $0x100  }
0x5d: {  	s25 =	ssub.s32 s22, s30;
	[sflag:s3] =	ssyncset.done $0x0  }
0x5e: {  	s31 =	smax.u32 s25, $0x1;
	[sflag:s3] =	ssyncadd.s32 $0xFFFFFF00  }
0x5f: {  	[tilespmem:s6], [sflag:$0x1] =	stream.indirect.gather [hbm4b:s5+s6], $0xD8, s2, s6, $0xb8;
	[tilespmem:$0xD900] =	vst v63  }
0x60: {  	s24 =	smul.u32 $0x1B, s24;
	p0 =	sne.s32 s31, $0x1;
	_ =	swait.ge [sflag:s7], $0xD800  }
.Ltmp0:
0x61: {  	[sflag:s7] =	ssyncset.done $0x0;
	(pc) =	sbr.rel @!p0 .LBB2_2-.Ltmp0, $4  }
0x62: {  	s22 =	sadd.s32 s23, s24;
	[sflag:s7] =	ssyncadd.s32 $0xFFFF2800  }
0x63: {  	[hbm4b:s22+s2] =	stream.linear.scatter [tilespmem:s6], [sflag:$0x2], $0xD800, $0x38;
	[tilespmem:$0xD900] =	vst v63  }
0x64: {  	_ =	swait.ge [sflag:s3], $0xD800  }
0x65: {  	s23 =	sadd.s32 $0xFFFFFFFF, s31;
	[sflag:s3] =	ssyncset.done $0x0  }
.LBB2_1:
0x66: {  	p0 =	sne.s32 s23, $0x1;
	s23 =	sadd.s32 $0xFFFFFFFF, s23;
	[sflag:s3] =	ssyncadd.s32 $0xFFFF2800  }
0x67: {  	[tilespmem:s2], [sflag:$0x2] =	stream.linear.gather [hbm4b:s4+s2], $0x100, $0x38;
	[tilespmem:$0xD900] =	vst v63  }
0x68: {  	_ =	swait.ge [sflag:s3], $0x100  }
0x69: {  	[sflag:s3] =	ssyncset.done $0x0  }
0x6a: {  	[sflag:s3] =	ssyncadd.s32 $0xFFFFFF00  }
0x6b: {  	[tilespmem:s6], [sflag:$0x1] =	stream.indirect.gather [hbm4b:s5+s6], $0xD8, s2, s6, $0xb8;
	[tilespmem:$0xD900] =	vst v63  }
0x6c: {  	_ =	swait.ge [sflag:s7], $0xD800  }
0x6d: {  	[sflag:s7] =	ssyncset.done $0x0  }
0x6e: {  	[sflag:s7] =	ssyncadd.s32 $0xFFFF2800  }
0x6f: {  	[hbm4b:s8+s2] =	stream.linear.scatter [tilespmem:s6], [sflag:$0x2], $0xD800, $0x38;
	[tilespmem:$0xD900] =	vst v63  }
0x70: {  	_ =	swait.ge [sflag:s3], $0xD800  }
0x71: {  	[sflag:s3] =	ssyncset.done $0x0  }
0x72: {  	[sflag:s3] =	ssyncadd.s32 $0xFFFF2800  }
0x73: {  	[tilespmem:s2], [sflag:$0x2] =	stream.linear.gather [hbm4b:s9+s2], $0x100, $0x38;
	[tilespmem:$0xD900] =	vst v63  }
0x74: {  	_ =	swait.ge [sflag:s3], $0x100  }
0x75: {  	[sflag:s3] =	ssyncset.done $0x0  }
0x76: {  	[sflag:s3] =	ssyncadd.s32 $0xFFFFFF00  }
0x77: {  	[tilespmem:s6], [sflag:$0x1] =	stream.indirect.gather [hbm4b:s5+s6], $0xD8, s2, s6, $0xb8;
	[tilespmem:$0xD900] =	vst v63  }
0x78: {  	_ =	swait.ge [sflag:s7], $0xD800  }
0x79: {  	[sflag:s7] =	ssyncset.done $0x0  }
0x7a: {  	[sflag:s7] =	ssyncadd.s32 $0xFFFF2800  }
0x7b: {  	[hbm4b:s10+s2] =	stream.linear.scatter [tilespmem:s6], [sflag:$0x2], $0xD800, $0x38;
	[tilespmem:$0xD900] =	vst v63  }
0x7c: {  	_ =	swait.ge [sflag:s3], $0xD800  }
0x7d: {  	[sflag:s3] =	ssyncset.done $0x0  }
0x7e: {  	[sflag:s3] =	ssyncadd.s32 $0xFFFF2800  }
0x7f: {  	[tilespmem:s2], [sflag:$0x2] =	stream.linear.gather [hbm4b:s11+s2], $0x100, $0x38;
	[tilespmem:$0xD900] =	vst v63  }
0x80: {  	_ =	swait.ge [sflag:s3], $0x100  }
0x81: {  	[sflag:s3] =	ssyncset.done $0x0  }
0x82: {  	[sflag:s3] =	ssyncadd.s32 $0xFFFFFF00  }
0x83: {  	[tilespmem:s6], [sflag:$0x1] =	stream.indirect.gather [hbm4b:s5+s6], $0xD8, s2, s6, $0xb8;
	[tilespmem:$0xD900] =	vst v63  }
0x84: {  	_ =	swait.ge [sflag:s7], $0xD800  }
0x85: {  	[sflag:s7] =	ssyncset.done $0x0  }
0x86: {  	[sflag:s7] =	ssyncadd.s32 $0xFFFF2800  }
0x87: {  	[hbm4b:s12+s2] =	stream.linear.scatter [tilespmem:s6], [sflag:$0x2], $0xD800, $0x38;
	[tilespmem:$0xD900] =	vst v63  }
0x88: {  	_ =	swait.ge [sflag:s3], $0xD800  }
0x89: {  	[sflag:s3] =	ssyncset.done $0x0  }
0x8a: {  	[sflag:s3] =	ssyncadd.s32 $0xFFFF2800  }
0x8b: {  	[tilespmem:s2], [sflag:$0x2] =	stream.linear.gather [hbm4b:s13+s2], $0x100, $0x38;
	[tilespmem:$0xD900] =	vst v63  }
0x8c: {  	_ =	swait.ge [sflag:s3], $0x100  }
0x8d: {  	[sflag:s3] =	ssyncset.done $0x0  }
0x8e: {  	[sflag:s3] =	ssyncadd.s32 $0xFFFFFF00  }
0x8f: {  	[tilespmem:s6], [sflag:$0x1] =	stream.indirect.gather [hbm4b:s5+s6], $0xD8, s2, s6, $0xb8;
	[tilespmem:$0xD900] =	vst v63  }
0x90: {  	_ =	swait.ge [sflag:s7], $0xD800  }
0x91: {  	[sflag:s7] =	ssyncset.done $0x0  }
0x92: {  	[sflag:s7] =	ssyncadd.s32 $0xFFFF2800  }
0x93: {  	[hbm4b:s14+s2] =	stream.linear.scatter [tilespmem:s6], [sflag:$0x2], $0xD800, $0x38;
	[tilespmem:$0xD900] =	vst v63  }
0x94: {  	_ =	swait.ge [sflag:s3], $0xD800  }
0x95: {  	[sflag:s3] =	ssyncset.done $0x0  }
0x96: {  	[sflag:s3] =	ssyncadd.s32 $0xFFFF2800  }
0x97: {  	[tilespmem:s2], [sflag:$0x2] =	stream.linear.gather [hbm4b:s15+s2], $0x100, $0x38;
	[tilespmem:$0xD900] =	vst v63  }
0x98: {  	_ =	swait.ge [sflag:s3], $0x100  }
0x99: {  	[sflag:s3] =	ssyncset.done $0x0  }
0x9a: {  	[sflag:s3] =	ssyncadd.s32 $0xFFFFFF00  }
0x9b: {  	[tilespmem:s6], [sflag:$0x1] =	stream.indirect.gather [hbm4b:s5+s6], $0xD8, s2, s6, $0xb8;
	[tilespmem:$0xD900] =	vst v63  }
0x9c: {  	_ =	swait.ge [sflag:s7], $0xD800  }
0x9d: {  	[sflag:s7] =	ssyncset.done $0x0  }
0x9e: {  	[sflag:s7] =	ssyncadd.s32 $0xFFFF2800  }
0x9f: {  	[hbm4b:s16+s2] =	stream.linear.scatter [tilespmem:s6], [sflag:$0x2], $0xD800, $0x38;
	[tilespmem:$0xD900] =	vst v63  }
0xa0: {  	_ =	swait.ge [sflag:s3], $0xD800  }
0xa1: {  	[sflag:s3] =	ssyncset.done $0x0  }
0xa2: {  	[sflag:s3] =	ssyncadd.s32 $0xFFFF2800  }
0xa3: {  	[tilespmem:s2], [sflag:$0x2] =	stream.linear.gather [hbm4b:s17+s2], $0x100, $0x38;
	[tilespmem:$0xD900] =	vst v63  }
0xa4: {  	_ =	swait.ge [sflag:s3], $0x100  }
0xa5: {  	[sflag:s3] =	ssyncset.done $0x0  }
0xa6: {  	[sflag:s3] =	ssyncadd.s32 $0xFFFFFF00  }
0xa7: {  	[tilespmem:s6], [sflag:$0x1] =	stream.indirect.gather [hbm4b:s5+s6], $0xD8, s2, s6, $0xb8;
	[tilespmem:$0xD900] =	vst v63  }
0xa8: {  	_ =	swait.ge [sflag:s7], $0xD800  }
0xa9: {  	[sflag:s7] =	ssyncset.done $0x0  }
0xaa: {  	[sflag:s7] =	ssyncadd.s32 $0xFFFF2800  }
0xab: {  	[hbm4b:s18+s2] =	stream.linear.scatter [tilespmem:s6], [sflag:$0x2], $0xD800, $0x38;
	[tilespmem:$0xD900] =	vst v63  }
0xac: {  	_ =	swait.ge [sflag:s3], $0xD800  }
0xad: {  	[sflag:s3] =	ssyncset.done $0x0  }
0xae: {  	[sflag:s3] =	ssyncadd.s32 $0xFFFF2800  }
0xaf: {  	[tilespmem:s2], [sflag:$0x2] =	stream.linear.gather [hbm4b:s19+s2], $0x100, $0x38;
	[tilespmem:$0xD900] =	vst v63  }
0xb0: {  	_ =	swait.ge [sflag:s3], $0x100  }
0xb1: {  	[sflag:s3] =	ssyncset.done $0x0  }
0xb2: {  	[sflag:s3] =	ssyncadd.s32 $0xFFFFFF00  }
0xb3: {  	[tilespmem:s6], [sflag:$0x1] =	stream.indirect.gather [hbm4b:s5+s6], $0xD8, s2, s6, $0xb8;
	[tilespmem:$0xD900] =	vst v63  }
0xb4: {  	_ =	swait.ge [sflag:s7], $0xD800  }
0xb5: {  	[sflag:s7] =	ssyncset.done $0x0  }
0xb6: {  	[sflag:s7] =	ssyncadd.s32 $0xFFFF2800  }
0xb7: {  	[hbm4b:s20+s2] =	stream.linear.scatter [tilespmem:s6], [sflag:$0x2], $0xD800, $0x38;
	[tilespmem:$0xD900] =	vst v63  }
0xb8: {  	_ =	swait.ge [sflag:s3], $0xD800  }
0xb9: {  	[sflag:s3] =	ssyncset.done $0x0  }
0xba: {  	[sflag:s3] =	ssyncadd.s32 $0xFFFF2800  }
0xbb: {  	[tilespmem:s2], [sflag:$0x2] =	stream.linear.gather [hbm4b:s21+s2], $0x100, $0x38;
	[tilespmem:$0xD900] =	vst v63  }
0xbc: {  	_ =	swait.ge [sflag:s3], $0x100  }
0xbd: {  	[sflag:s3] =	ssyncset.done $0x0  }
0xbe: {  	[sflag:s3] =	ssyncadd.s32 $0xFFFFFF00  }
0xbf: {  	[tilespmem:s6], [sflag:$0x1] =	stream.indirect.gather [hbm4b:s5+s6], $0xD8, s2, s6, $0xb8;
	[tilespmem:$0xD900] =	vst v63  }
0xc0: {  	_ =	swait.ge [sflag:s7], $0xD800  }
.Ltmp1:
0xc1: {  	[sflag:s7] =	ssyncset.done $0x0;
	(pc) =	sbr.rel @p0 .LBB2_1-.Ltmp1, $4  }
0xc2: {  	[sflag:s7] =	ssyncadd.s32 $0xFFFF2800  }
0xc3: {  	[hbm4b:s22+s2] =	stream.linear.scatter [tilespmem:s6], [sflag:$0x2], $0xD800, $0x38;
	[tilespmem:$0xD900] =	vst v63  }
0xc4: {  	_ =	swait.ge [sflag:s3], $0xD800  }
0xc5: {  	[sflag:s3] =	ssyncset.done $0x0  }
.LBB2_2:
0xc6: {  	[sflag:s3] =	ssyncadd.s32 $0xFFFF2800  }
0xc7: {  	_ =	sfence.sel $0x180000  }
0xc8: {  	[bflag:$0x0] =	sbarrier.arrive $0xFFFF  }
0xc9: {  	p0 =	sne.s32 s0, $0x0;
	_ =	strace $0x9000004A  }
0xca: {  	s0 =	sadd.s32 @!p0 $0x100000, s1;
	[bflag:$0x2] =	sbarrier.arrive $0xFFFF  }
0xcb: {  	[sflag:s0] =	ssyncadd.tile.s32 @!p0 $0x1;
	_ =	shalt  }
.Lfunc_end2:
_tile_overlayer_lowered:
.L_overlay_start_2:
0xcc: {  	(tag) =	ssettag $0x2  }
0xcd: {  	s0 =	rddreg [dreg:$0x0];
	s2 =	stileid.u32  }
0xce: {  	s1 =	rddreg [dreg:$0x1];
	p0 =	sne.s32 s2, $0x0  }
0xcf: {  	s3 =	rddreg [dreg:$0x2];
	[bflag:$0x3] =	sbarrier.arrive $0xFFFF;
	s2 =	simm.s32 @!p0 $0x1C02  }
0xd0: {  	[timem:s3], [sflag:s2] =	dma.local @!p0 [hbm:s0], s1  }
0xd1: {  	s0 =	simm.s32 @!p0 $0x2  }
0xd2: {  	_ =	swait.ge @!p0 [sflag:s0], s1  }
0xd3: {  	s1 =	ssub.s32 @!p0 $0x0, s1;
	[sflag:s0] =	ssyncset.done @!p0 $0x0  }
0xd4: {  	[sflag:s0] =	ssyncadd.s32 @!p0 s1  }
0xd5: {  	[bflag:$0x3] =	sbarrier.arrive $0xFFFF  }
0xd6: {  	_ =	shalt  }

// kernel: kernel.8.cloned.1.call-start
scs
__scs_entry_jumppad:
0x0: {  	(pc) =	sbr.rel $0x88, $3  }
0x1: {  	(tag) =	ssettag $0x0;
	lr =	simm.s32 $0x1  }
0x2: {  	[smem:$0x3F9D] =	sst lr;
	_ =	strace $0xD0000000  }
0x3: {  	_ = 	snop  }
0x4: {  	_ = 	snop  }
0x5: {  	_ = 	snop  }
0x6: {  	_ = 	snop  }
0x7: {  	_ = 	snop  }
__scs_overlays_trampoline_lowered:
0x8: {  	[smem:$0x3FAC] =	sst s0  }
0x9: {  	[smem:$0x3FAD] =	sst s1  }
0xa: {  	[smem:$0x3FAE] =	sst s2  }
0xb: {  	[smem:$0x3FAF] =	sst s3  }
0xc: {  	[smem:$0x3FB0] =	sst s4  }
0xd: {  	[smem:$0x3FB1] =	sst s5  }
0xe: {  	[smem:$0x3FB2] =	sst s6  }
0xf: {  	[smem:$0x3FB3] =	sst s7  }
0x10: {  	[smem:$0x3FB4] =	sst s8  }
0x11: {  	[smem:$0x3FB5] =	sst s9;
	s0 =	simm.s32 @!p0 $0x0  }
0x12: {  	s1 =	sld [smem:$0x3F9B];
	s0 =	simm.s32 @p0 $0x1  }
0x13: {  	[smem:$0x3FB6] =	sst s0;
	s0 =	simm.s32 @!p1 $0x0  }
0x14: {  	s2 =	sld [smem:$0x3F9A];
	s0 =	simm.s32 @p1 $0x1  }
0x15: {  	[smem:$0x3FB7] =	sst s0;
	s0 =	simm.s32 @!p2 $0x0  }
0x16: {  	s3 =	sld [smem:$0x3FDB];
	s0 =	simm.s32 @p2 $0x1  }
0x17: {  	s4 =	simm.s32 $0x1BF5;
	[smem:$0x3FB9] =	sst s0  }
0x18: {  	s0 =	sld [smem:$0x3F9C];
	_ =	swait.ge [sflag:s4], $0x0  }
0x19: {  	s7 =	sld [smem:$0x3F9D]  }
0x1a: {  	s8 =	sadd.s32 $0xFFFFE003, lr  }
0x1b: {  	s9 =	sadd.s32 $0xFFFFFEF7, lr;
	s5 =	simm.s32 $0xFFFFFFFF;
	p2 =	slt.u32 s8, $0xFFFFF086  }
0x1c: {  	p1 =	slt.u32 s9, $0xF7A;
	s5 =	simm.s32 @!p2 $0x0  }
0x1d: {  	s5 =	simm.s32 @p1 $0x1;
	p0 =	seq.s32 s7, s2  }
0x1e: {  	s7 =	smul.u32 @!p0 $0xF7A, s2;
	p2 =	seq.s32 @!p0 s5, $0x0  }
0x1f: {  	s9 =	smul.u32 $0xF7A, s1;
	s8 =	simm.s32 @!p0 $0x1BF5;
	p2 =	por !p2, p0  }
0x20: {  	[sflag:s8] =	ssyncset.s32 @!p0 $0xFFFFF086;
	s6 =	sadd.s32 @!p0 s3, s7;
	s7 =	simm.s32 @!p0 $0x108  }
0x21: {  	s3 =	sadd.s32 s3, s9;
	s6 =	sadd.s32 @!p0 $0x88, s6;
	s7 =	simm.s32 @p2 $0x1082  }
0x22: {  	[simem:s7], [sflag:s8] =	dma.local @!p0 [hbm:s6], $0xF7A  }
0x23: {  	s9 =	sor.u32 $0xD0000000, s2;
	s6 =	simm.s32 $0x108;
	_ =	swait.ge @!p0 [sflag:s8], $0x0  }
0x24: {  	s3 =	sadd.s32 $0x88, s3;
	s6 =	simm.s32 @!p1 $0x1082;
	[sflag:s4] =	ssyncset.s32 $0xFFFFF086  }
0x25: {  	[simem:s6], [sflag:s4] =	dma.local [hbm:s3], $0xF7A  }
0x26: {  	[smem:$0x3F9D] =	sst s1;
	(tag) =	ssettag s2;
	_ =	strace s9  }
0x27: {  	s1 =	sld [smem:$0x3FAD]  }
0x28: {  	s2 =	sld [smem:$0x3FAE]  }
0x29: {  	s4 =	sld [smem:$0x3FB0]  }
0x2a: {  	p0 =	seq.s32 s5, $0x0;
	s5 =	sld [smem:$0x3FB1]  }
0x2b: {  	s6 =	sld [smem:$0x3FB2]  }
0x2c: {  	s7 =	sld [smem:$0x3FB3]  }
0x2d: {  	s3 =	simm.s32 $0x108;
	s8 =	sld [smem:$0x3FB4]  }
0x2e: {  	s3 =	simm.s32 @!p0 $0x1082;
	s9 =	sld [smem:$0x3FB5]  }
0x2f: {  	lr =	sadd.s32 s0, s3;
	s0 =	sld [smem:$0x3FAC]  }
0x30: {  	s3 =	sld [smem:$0x3FAF]  }
0x31: {  	[smem:$0x3FB8] =	sst s10  }
0x32: {  	s10 =	sld [smem:$0x3FB6];
	_ =	sdelay $0x3  }
0x33: {  	p0 =	seq.s32 s10, $0x1;
	s10 =	sld [smem:$0x3FB8];
	_ =	sdelay $0x3  }
0x34: {  	[smem:$0x3FB8] =	sst s10  }
0x35: {  	s10 =	sld [smem:$0x3FB7];
	_ =	sdelay $0x3  }
0x36: {  	p1 =	seq.s32 s10, $0x1;
	s10 =	sld [smem:$0x3FB8];
	_ =	sdelay $0x3  }
0x37: {  	[smem:$0x3FB8] =	sst s10  }
0x38: {  	s10 =	sld [smem:$0x3FB9]  }
0x39: {  	_ = 	snop;
	(pc) =	sbr.ind lr, $3  }
0x3a: {  	_ = 	snop  }
0x3b: {  	_ = 	snop  }
0x3c: {  	p2 =	seq.s32 s10, $0x1;
	s10 =	sld [smem:$0x3FB8]  }
0x3d: {  	_ =	shalt  }
0x3e: {  	_ =	shalt  }
0x3f: {  	_ =	shalt  }
0x40: {  	_ =	shalt  }
0x41: {  	_ =	shalt  }
0x42: {  	_ =	shalt  }
0x43: {  	_ =	shalt  }
0x44: {  	_ =	shalt  }
0x45: {  	_ =	shalt  }
0x46: {  	_ =	shalt  }
0x47: {  	_ =	shalt  }
0x48: {  	_ =	shalt  }
0x49: {  	_ =	shalt  }
0x4a: {  	_ =	shalt  }
0x4b: {  	_ =	shalt  }
0x4c: {  	_ =	shalt  }
0x4d: {  	_ =	shalt  }
0x4e: {  	_ =	shalt  }
0x4f: {  	_ =	shalt  }
0x50: {  	_ =	shalt  }
0x51: {  	_ =	shalt  }
0x52: {  	_ =	shalt  }
0x53: {  	_ =	shalt  }
0x54: {  	_ =	shalt  }
0x55: {  	_ =	shalt  }
0x56: {  	_ =	shalt  }
0x57: {  	_ =	shalt  }
0x58: {  	_ =	shalt  }
0x59: {  	_ =	shalt  }
0x5a: {  	_ =	shalt  }
0x5b: {  	_ =	shalt  }
0x5c: {  	_ =	shalt  }
0x5d: {  	_ =	shalt  }
0x5e: {  	_ =	shalt  }
0x5f: {  	_ =	shalt  }
0x60: {  	_ =	shalt  }
0x61: {  	_ =	shalt  }
0x62: {  	_ =	shalt  }
0x63: {  	_ =	shalt  }
0x64: {  	_ =	shalt  }
0x65: {  	_ =	shalt  }
0x66: {  	_ =	shalt  }
0x67: {  	_ =	shalt  }
0x68: {  	_ =	shalt  }
0x69: {  	_ =	shalt  }
0x6a: {  	_ =	shalt  }
0x6b: {  	_ =	shalt  }
0x6c: {  	_ =	shalt  }
0x6d: {  	_ =	shalt  }
0x6e: {  	_ =	shalt  }
0x6f: {  	_ =	shalt  }
0x70: {  	_ =	shalt  }
0x71: {  	_ =	shalt  }
0x72: {  	_ =	shalt  }
0x73: {  	_ =	shalt  }
0x74: {  	_ =	shalt  }
0x75: {  	_ =	shalt  }
0x76: {  	_ =	shalt  }
0x77: {  	_ =	shalt  }
0x78: {  	_ =	shalt  }
0x79: {  	_ =	shalt  }
0x7a: {  	_ =	shalt  }
0x7b: {  	_ =	shalt  }
0x7c: {  	_ =	shalt  }
0x7d: {  	_ =	shalt  }
0x7e: {  	_ =	shalt  }
0x7f: {  	_ =	shalt  }
0x80: {  	_ =	shalt  }
0x81: {  	_ =	shalt  }
0x82: {  	_ =	shalt  }
0x83: {  	_ =	shalt  }
0x84: {  	_ =	shalt  }
0x85: {  	_ =	shalt  }
0x86: {  	_ =	shalt  }
0x87: {  	_ =	shalt  }
.Lfunc_end0:
.L_simem_size_0:
called_computation_lowered:
.L_overlay_start_0:
0x88: {  	s2 =	sld [smem:$0x3FD9]  }
0x89: {  	s3 =	sld [smem:$0x3FFE];
	_ =	sdelay $0x1  }
0x8a: {  	s1 =	srdreg.scid  }
0x8b: {  	s0 =	sand.u32 $0x1, s1  }
0x8c: {  	s17 =	sshll.u32 s0, $0xA;
	s2 =	sadd.s32 s3, s2  }
0x8d: {  	s2 =	sadd.s32 s2, s17  }
0x8e: {  	[smem:$0x3FC4] =	sst s2  }
0x8f: {  	_ = 	snop  }
0x90: {  	s2 =	sld [smem:$0x3FD0];
	(tm) =	ssettm $0x1  }
0x91: {  	s18 =	sld [smem:$0x3FFB];
	_ =	sdelay $0x3  }
0x92: {  	_ =	strace s18  }
0x93: {  	s3 =	sld [smem:$0x3FFC];
	_ =	sdelay $0x3  }
0x94: {  	_ =	strace s3  }
0x95: {  	s3 =	sld [smem:$0x3FFD];
	_ =	sdelay $0x3  }
0x96: {  	_ =	strace s3  }
0x97: {  	_ =	strace $0x8FFFFFFF  }
0x98: {  	s19 =	sld [smem:$0x3FDB];
	_ =	sdelay $0x1  }
0x99: {  	s4 =	simm.s32 $_scs_section_size  }
0x9a: {  	s5 =	simm.s32 $_size__tile_overlayer_lowered;
	s6 =	simm.s32 $_tile_overlayer_lowered  }
0x9b: {  	s22 =	simm.s32 $0x1BFF;
	s21 =	sshll.u32 s6, $0x1;
	s3 =	sadd.s32 s4, s19  }
0x9c: {  	s7 =	simm.s32 $0x0;
	s20 =	sshll.u32 s5, $0x1;
	s5 =	sadd.s32 s21, s3  }
0x9d: {  	[timem:s7], [sflag:s22] =	dma.local [hbm:s5], s20  }
0x9e: {  	_ =	swait.ge [sflag:s22], s20  }
0x9f: {  	s4 =	ssub.s32 $0x0, s20;
	[sflag:s22] =	ssyncset.done $0x0  }
0xa0: {  	[sflag:s22] =	ssyncadd.s32 s4;
	_ =	sdelay $0x1  }
0xa1: {  	s23 =	simm.s32 $0x1B8B  }
0xa2: {  	_ =	swait.ge [sflag:s23], $0x1  }
0xa3: {  	[sflag:s23] =	ssyncset.done $0x0  }
0xa4: {  	s25 =	simm.s32 $0x1B8E;
	s24 =	sld [smem:$0x3FFE];
	[sflag:s23] =	ssyncadd.s32 $0xFFFFFFFF  }
0xa5: {  	s26 =	simm.s32 $execute0_lowered;
	[smem:$0x3FD2] =	sst s25  }
0xa6: {  	s5 =	sshll.u32 s26, $0x1;
	_ =	strace $0x80000046;
	[dreg:$0x1] =	wrdreg $0xFFFFFFFF  }
0xa7: {  	s28 =	simm.s32 $_size_execute0_lowered;
	s3 =	sadd.s32 s3, s5;
	[dreg:$0x0] =	wrdreg $0x0  }
0xa8: {  	s5 =	sshll.u32 s28, $0x1;
	[dreg:$0x2] =	wrdreg s3  }
0xa9: {  	[dreg:$0x3] =	wrdreg s5  }
0xaa: {  	[dreg:$0x4] =	wrdreg $0xC0  }
0xab: {  	_ =	task [dreg:s7], $0x5FFFF  }
0xac: {  	[dreg:$0x1] =	wrdreg $0xFFFFFFFF  }
0xad: {  	[dreg:$0x0] =	wrdreg $0x60  }
0xae: {  	[dreg:$0x2] =	wrdreg s24  }
0xaf: {  	[dreg:$0x3] =	wrdreg s2  }
0xb0: {  	[dreg:$0x4] =	wrdreg $0x9  }
0xb1: {  	_ =	task.clear_ibuf [dreg:s7], $0x5FFFF;
	_ =	strace $0x90000046  }
0xb2: {  	s29 =	simm.s32 $0x9;
	_ =	strace $0x80000048  }
0xb3: {  	_ =	swait.ge [sflag:s29], $0x1  }
0xb4: {  	[sflag:s29] =	ssyncadd.s32 $0xFFFFFFFF  }
0xb5: {  	_ =	strace $0x90000048  }
0xb6: {  	_ =	sfence  }
0xb7: {  	s30 =	sld [smem:$0x0];
	_ =	sdelay $0x2  }
0xb8: {  	s31 =	sshll.u32 s1, $0xD;
	s1 =	sshrl.u32 s1, $0x2  }
0xb9: {  	s3 =	sand.u32 $0x4000, s31;
	s1 =	sadd.s32 s1, s30  }
0xba: {  	s0 =	sor.u32 s3, s0;
	s1 =	sshll.u32 s1, $0x11  }
0xbb: {  	s0 =	sor.u32 s1, s0  }
0xbc: {  	s0 =	sadd.s32 $0x8F2B, s0  }
0xbd: {  	[sflag:s0] =	ssyncadd.remote.s32 $0x1  }
0xbe: {  	_ =	sfence.sel $0xFFFF  }
0xbf: {  	[dreg:$0x0] =	wrdreg $0xFFFFFFFF;
	(pc) =	sbr.abs _section_cstart, $3  }
0xc0: {  	[dreg:$0x1] =	wrdreg $0xFFFFFFFF  }
0xc1: {  	_ =	task.clear_ibuf [dreg:s7], $0x2FFFF;
	_ =	strace $0x9FFFFFFF  }
0xc2: {  	(tm) =	ssettm $0x7FFFFFFF  }
0xc3: {  	_ =	shalt  }
tec
execute0_lowered:
.L_overlay_start_1:
0x0: {  	(tag) =	ssettag $0x1  }
0x1: {  	s0 =	rddreg [dreg:$0x0]  }
0x2: {  	s1 =	srdreg.scid;
	s2 =	stileid.u32  }
0x3: {  	s3 =	simm.s32 $0x0;
	s1 =	sand.u32 $0x1, s1;
	s2 =	sshll.u32 s2, $0xC  }
0x4: {  	[smem:$0x7FF] =	sst s3;
	s6 =	sadd.s32 $0x201400, s0;
	s4 =	sshll.u32 s1, $0xB  }
0x5: {  	s14 =	sadd.s32 $0x1200, s0;
	s1 =	ssub.s32 $0x2, s1;
	s16 =	sor.u32 s4, s2  }
0x6: {  	s5 =	sadd.s32 $0x1400, s0;
	s15 =	sshrl.u32 s1, $0x1;
	s7 =	smul.u32 $0x1B, s16  }
0x7: {  	_ =	strace $0x80000047;
	s2 =	smul.u32 $0xD8, s16;
	s9 =	ssub.s32 s1, s15  }
0x8: {  	[dreg:$0x3] =	wrdreg s14;
	s9 =	smax.u32 s9, $0x1;
	s18 =	sadd.s32 s6, s7  }
0x9: {  	s8 =	sshrl.u32 s2, $0x3;
	s21 =	sadd.s32 s5, s7;
	[dreg:$0x4] =	wrdreg s18  }
0xa: {  	s17 =	sadd.s32 $0xD80, s8;
	s20 =	sadd.s32 $0x1B00, s8;
	[dreg:$0x6] =	wrdreg s21  }
0xb: {  	s23 =	sadd.s32 $0x2880, s8;
	s25 =	sadd.s32 $0x3600, s8;
	s19 =	sadd.s32 s6, s17  }
0xc: {  	s4 =	sadd.s32 $0x4380, s8;
	s22 =	sadd.s32 s6, s20;
	[dreg:$0x5] =	wrdreg s19  }
0xd: {  	s10 =	sadd.s32 $0x5100, s8;
	s0 =	sadd.s32 s5, s17;
	[dreg:$0x7] =	wrdreg s22  }
0xe: {  	s12 =	sadd.s32 $0x5E80, s8;
	s24 =	sadd.s32 s6, s23;
	[dreg:$0x8] =	wrdreg s0  }
0xf: {  	s15 =	sadd.s32 $0x6C00, s8;
	s1 =	sadd.s32 s5, s20;
	[dreg:$0x9] =	wrdreg s24  }
0x10: {  	s21 =	sadd.s32 $0x8700, s8;
	s26 =	sadd.s32 s6, s25;
	[dreg:$0xa] =	wrdreg s1  }
0x11: {  	s2 =	sadd.s32 s5, s23;
	s7 =	sadd.s32 s6, s4;
	[dreg:$0xb] =	wrdreg s26  }
0x12: {  	s11 =	sadd.s32 s6, s10;
	s13 =	sadd.s32 s6, s12;
	[dreg:$0xc] =	wrdreg s2  }
0x13: {  	s14 =	sadd.s32 s5, s10;
	s17 =	sadd.s32 $0x7980, s8;
	[dreg:$0xd] =	wrdreg s7  }
0x14: {  	s18 =	sadd.s32 s6, s15;
	s23 =	sadd.s32 s6, s21;
	[dreg:$0xf] =	wrdreg s11  }
0x15: {  	s28 =	sadd.s32 s5, s21;
	s10 =	simm.s32 $0x6C00;
	[dreg:$0x11] =	wrdreg s13  }
0x16: {  	s21 =	simm.s32 $0x0;
	s0 =	sadd.s32 s5, s25;
	[dreg:$0x12] =	wrdreg s14  }
0x17: {  	s1 =	sadd.s32 s5, s4;
	[dreg:$0x14] =	wrdreg s18;
	s19 =	sadd.s32 s6, s17  }
0x18: {  	s20 =	sadd.s32 s5, s17;
	s22 =	sadd.s32 $0x9480, s8;
	[dreg:$0x18] =	wrdreg s23  }
0x19: {  	s24 =	sadd.s32 $0xA200, s8;
	s25 =	sadd.s32 $0xAF80, s8;
	s26 =	sadd.s32 $0xBD00, s8  }
0x1a: {  	s8 =	sadd.s32 $0xCA80, s8;
	s17 =	sadd.s32 $0x800, s16;
	[dreg:$0xe] =	wrdreg s0  }
0x1b: {  	s11 =	simm.s32 $0x2;
	s13 =	simm.s32 $0x3;
	[dreg:$0x10] =	wrdreg s1  }
0x1c: {  	v0 =	vmov s16;
	s14 =	simm.s32 $0x5;
	s16 =	simm.s32 $0xE800;
	[dreg:$0x16] =	wrdreg s19  }
0x1d: {  	s18 =	simm.s32 $0x110;
	s0 =	sadd.s32 s5, s12;
	[dreg:$0x17] =	wrdreg s20  }
0x1e: {  	s29 =	sadd.s32 s6, s22;
	s30 =	sadd.s32 s5, s22;
	s31 =	sadd.s32 s6, s24  }
0x1f: {  	s1 =	sadd.s32 s6, s25;
	s2 =	sadd.s32 s5, s25;
	s4 =	sadd.s32 s6, s26  }
0x20: {  	s6 =	sadd.s32 s6, s8;
	s7 =	sadd.s32 s5, s26;
	s8 =	sadd.s32 s5, s8  }
0x21: {  	s12 =	simm.s32 $0x4;
	v1 =	vmov s17;
	s17 =	simm.s32 $0xE910;
	s19 =	simm.s32 $0xEA20  }
0x22: {  	v2 =	vlaneseq.u32;
	s20 =	simm.s32 $0x1;
	[dreg:$0x13] =	wrdreg s0;
	s0 =	sadd.s32 s5, s15  }
0x23: {  	v3 =	vimm.s32 $0x10000;
	v4 =	vimm.s32 $0x0;
	v5 =	vor.u32 $0x100, v2;
	s15 =	simm.s32 $0x6;
	[dreg:$0x15] =	wrdreg s0;
	s0 =	sadd.s32 s5, s24  }
.LBB2_1:
0x24: {  	s22 =	rddreg [dreg:$0x4]  }
0x25: {  	[tilespmem:s3], [sflag:$0x2] =	stream.linear.gather [hbm4b:s22+s3], $0x6C00, $0x38;
	[tilespmem:$0x1CFA0] =	vst v63  }
0x26: {  	s26 =	rddreg [dreg:$0x5]  }
0x27: {  	[tilespmem:s10], [sflag:$0x3] =	stream.linear.gather [hbm4b:s26+s3], $0x6C00, $0x38;
	[tilespmem:$0x1CFA0] =	vst v63  }
0x28: {  	_ =	swait.ge [sflag:s11], $0x6C00  }
0x29: {  	[sflag:s11] =	ssyncset.done $0x0  }
0x2a: {  	s23 =	rddreg [dreg:$0x6];
	[sflag:s11] =	ssyncadd.s32 $0xFFFF9400  }
0x2b: {  	[hbm4b:s23+s3] =	stream.linear.scatter [tilespmem:s3], [sflag:$0x4], $0x6C00, $0x38;
	[tilespmem:$0x1CFA0] =	vst v63  }
0x2c: {  	_ =	swait.ge [sflag:s12], $0x6C00  }
0x2d: {  	[sflag:s12] =	ssyncset.done $0x0  }
0x2e: {  	s24 =	rddreg [dreg:$0x7];
	[sflag:s12] =	ssyncadd.s32 $0xFFFF9400  }
0x2f: {  	[tilespmem:s3], [sflag:$0x2] =	stream.linear.gather [hbm4b:s24+s3], $0x6C00, $0x38;
	[tilespmem:$0x1CFA0] =	vst v63  }
0x30: {  	_ =	swait.ge [sflag:s13], $0x6C00  }
0x31: {  	[sflag:s13] =	ssyncset.done $0x0  }
0x32: {  	s25 =	rddreg [dreg:$0x8];
	[sflag:s13] =	ssyncadd.s32 $0xFFFF9400  }
0x33: {  	[hbm4b:s25+s3] =	stream.linear.scatter [tilespmem:s10], [sflag:$0x5], $0x6C00, $0x38;
	[tilespmem:$0x1CFA0] =	vst v63  }
0x34: {  	_ =	swait.ge [sflag:s14], $0x6C00  }
0x35: {  	[sflag:s14] =	ssyncset.done $0x0  }
0x36: {  	s26 =	rddreg [dreg:$0x9];
	[sflag:s14] =	ssyncadd.s32 $0xFFFF9400  }
0x37: {  	[tilespmem:s10], [sflag:$0x3] =	stream.linear.gather [hbm4b:s26+s3], $0x6C00, $0x38;
	[tilespmem:$0x1CFA0] =	vst v63  }
0x38: {  	_ =	swait.ge [sflag:s11], $0x6C00  }
0x39: {  	[sflag:s11] =	ssyncset.done $0x0  }
0x3a: {  	s23 =	rddreg [dreg:$0xa];
	[sflag:s11] =	ssyncadd.s32 $0xFFFF9400  }
0x3b: {  	[hbm4b:s23+s3] =	stream.linear.scatter [tilespmem:s3], [sflag:$0x4], $0x6C00, $0x38;
	[tilespmem:$0x1CFA0] =	vst v63  }
0x3c: {  	_ =	swait.ge [sflag:s12], $0x6C00  }
0x3d: {  	[sflag:s12] =	ssyncset.done $0x0  }
0x3e: {  	s24 =	rddreg [dreg:$0xb];
	[sflag:s12] =	ssyncadd.s32 $0xFFFF9400  }
0x3f: {  	[tilespmem:s3], [sflag:$0x2] =	stream.linear.gather [hbm4b:s24+s3], $0x6C00, $0x38;
	[tilespmem:$0x1CFA0] =	vst v63  }
0x40: {  	_ =	swait.ge [sflag:s13], $0x6C00  }
0x41: {  	[sflag:s13] =	ssyncset.done $0x0  }
0x42: {  	s25 =	rddreg [dreg:$0xc];
	[sflag:s13] =	ssyncadd.s32 $0xFFFF9400  }
0x43: {  	[hbm4b:s25+s3] =	stream.linear.scatter [tilespmem:s10], [sflag:$0x5], $0x6C00, $0x38;
	[tilespmem:$0x1CFA0] =	vst v63  }
0x44: {  	_ =	swait.ge [sflag:s14], $0x6C00  }
0x45: {  	[sflag:s14] =	ssyncset.done $0x0  }
0x46: {  	s26 =	rddreg [dreg:$0xd];
	[sflag:s14] =	ssyncadd.s32 $0xFFFF9400  }
0x47: {  	[tilespmem:s10], [sflag:$0x3] =	stream.linear.gather [hbm4b:s26+s3], $0x6C00, $0x38;
	[tilespmem:$0x1CFA0] =	vst v63  }
0x48: {  	_ =	swait.ge [sflag:s11], $0x6C00  }
0x49: {  	[sflag:s11] =	ssyncset.done $0x0  }
0x4a: {  	s23 =	rddreg [dreg:$0xe];
	[sflag:s11] =	ssyncadd.s32 $0xFFFF9400  }
0x4b: {  	[hbm4b:s23+s3] =	stream.linear.scatter [tilespmem:s3], [sflag:$0x4], $0x6C00, $0x38;
	[tilespmem:$0x1CFA0] =	vst v63  }
0x4c: {  	_ =	swait.ge [sflag:s12], $0x6C00  }
0x4d: {  	[sflag:s12] =	ssyncset.done $0x0  }
0x4e: {  	s24 =	rddreg [dreg:$0xf];
	[sflag:s12] =	ssyncadd.s32 $0xFFFF9400  }
0x4f: {  	[tilespmem:s3], [sflag:$0x2] =	stream.linear.gather [hbm4b:s24+s3], $0x6C00, $0x38;
	[tilespmem:$0x1CFA0] =	vst v63  }
0x50: {  	_ =	swait.ge [sflag:s13], $0x6C00  }
0x51: {  	[sflag:s13] =	ssyncset.done $0x0  }
0x52: {  	s25 =	rddreg [dreg:$0x10];
	[sflag:s13] =	ssyncadd.s32 $0xFFFF9400  }
0x53: {  	[hbm4b:s25+s3] =	stream.linear.scatter [tilespmem:s10], [sflag:$0x5], $0x6C00, $0x38;
	[tilespmem:$0x1CFA0] =	vst v63  }
0x54: {  	_ =	swait.ge [sflag:s14], $0x6C00  }
0x55: {  	[sflag:s14] =	ssyncset.done $0x0  }
0x56: {  	s26 =	rddreg [dreg:$0x11];
	[sflag:s14] =	ssyncadd.s32 $0xFFFF9400  }
0x57: {  	[tilespmem:s10], [sflag:$0x3] =	stream.linear.gather [hbm4b:s26+s3], $0x6C00, $0x38;
	[tilespmem:$0x1CFA0] =	vst v63  }
0x58: {  	_ =	swait.ge [sflag:s11], $0x6C00  }
0x59: {  	[sflag:s11] =	ssyncset.done $0x0  }
0x5a: {  	s23 =	rddreg [dreg:$0x12];
	[sflag:s11] =	ssyncadd.s32 $0xFFFF9400  }
0x5b: {  	[hbm4b:s23+s3] =	stream.linear.scatter [tilespmem:s3], [sflag:$0x4], $0x6C00, $0x38;
	[tilespmem:$0x1CFA0] =	vst v63  }
0x5c: {  	_ =	swait.ge [sflag:s12], $0x6C00  }
0x5d: {  	[sflag:s12] =	ssyncset.done $0x0  }
0x5e: {  	s24 =	rddreg [dreg:$0x14];
	[sflag:s12] =	ssyncadd.s32 $0xFFFF9400  }
0x5f: {  	[tilespmem:s3], [sflag:$0x2] =	stream.linear.gather [hbm4b:s24+s3], $0x6C00, $0x38;
	[tilespmem:$0x1CFA0] =	vst v63  }
0x60: {  	_ =	swait.ge [sflag:s13], $0x6C00  }
0x61: {  	[sflag:s13] =	ssyncset.done $0x0  }
0x62: {  	s25 =	rddreg [dreg:$0x13];
	[sflag:s13] =	ssyncadd.s32 $0xFFFF9400  }
0x63: {  	[hbm4b:s25+s3] =	stream.linear.scatter [tilespmem:s10], [sflag:$0x5], $0x6C00, $0x38;
	[tilespmem:$0x1CFA0] =	vst v63  }
0x64: {  	_ =	swait.ge [sflag:s14], $0x6C00  }
0x65: {  	[sflag:s14] =	ssyncset.done $0x0  }
0x66: {  	s26 =	rddreg [dreg:$0x16];
	[sflag:s14] =	ssyncadd.s32 $0xFFFF9400  }
0x67: {  	[tilespmem:s10], [sflag:$0x3] =	stream.linear.gather [hbm4b:s26+s3], $0x6C00, $0x38;
	[tilespmem:$0x1CFA0] =	vst v63  }
0x68: {  	_ =	swait.ge [sflag:s11], $0x6C00  }
0x69: {  	[sflag:s11] =	ssyncset.done $0x0  }
0x6a: {  	s23 =	rddreg [dreg:$0x15];
	[sflag:s11] =	ssyncadd.s32 $0xFFFF9400  }
0x6b: {  	[hbm4b:s23+s3] =	stream.linear.scatter [tilespmem:s3], [sflag:$0x4], $0x6C00, $0x38;
	[tilespmem:$0x1CFA0] =	vst v63  }
0x6c: {  	_ =	swait.ge [sflag:s12], $0x6C00  }
0x6d: {  	[sflag:s12] =	ssyncset.done $0x0  }
0x6e: {  	s24 =	rddreg [dreg:$0x18];
	[sflag:s12] =	ssyncadd.s32 $0xFFFF9400  }
0x6f: {  	[tilespmem:s3], [sflag:$0x2] =	stream.linear.gather [hbm4b:s24+s3], $0x6C00, $0x38;
	[tilespmem:$0x1CFA0] =	vst v63  }
0x70: {  	_ =	swait.ge [sflag:s13], $0x6C00  }
0x71: {  	[sflag:s13] =	ssyncset.done $0x0  }
0x72: {  	s25 =	rddreg [dreg:$0x17];
	[sflag:s13] =	ssyncadd.s32 $0xFFFF9400  }
0x73: {  	[hbm4b:s25+s3] =	stream.linear.scatter [tilespmem:s10], [sflag:$0x5], $0x6C00, $0x38;
	[tilespmem:$0x1CFA0] =	vst v63  }
0x74: {  	_ =	swait.ge [sflag:s14], $0x6C00  }
0x75: {  	[sflag:s14] =	ssyncset.done $0x0  }
0x76: {  	[sflag:s14] =	ssyncadd.s32 $0xFFFF9400  }
0x77: {  	[tilespmem:s10], [sflag:$0x3] =	stream.linear.gather [hbm4b:s29+s3], $0x6C00, $0x38;
	[tilespmem:$0x1CFA0] =	vst v63  }
0x78: {  	_ =	swait.ge [sflag:s11], $0x6C00  }
0x79: {  	[sflag:s11] =	ssyncset.done $0x0  }
0x7a: {  	[sflag:s11] =	ssyncadd.s32 $0xFFFF9400  }
0x7b: {  	[hbm4b:s28+s3] =	stream.linear.scatter [tilespmem:s3], [sflag:$0x4], $0x6C00, $0x38;
	[tilespmem:$0x1CFA0] =	vst v63  }
0x7c: {  	_ =	swait.ge [sflag:s12], $0x6C00  }
0x7d: {  	[sflag:s12] =	ssyncset.done $0x0  }
0x7e: {  	[sflag:s12] =	ssyncadd.s32 $0xFFFF9400  }
0x7f: {  	[tilespmem:s3], [sflag:$0x2] =	stream.linear.gather [hbm4b:s31+s3], $0x6C00, $0x38;
	[tilespmem:$0x1CFA0] =	vst v63  }
0x80: {  	_ =	swait.ge [sflag:s13], $0x6C00  }
0x81: {  	[sflag:s13] =	ssyncset.done $0x0  }
0x82: {  	[sflag:s13] =	ssyncadd.s32 $0xFFFF9400  }
0x83: {  	[hbm4b:s30+s3] =	stream.linear.scatter [tilespmem:s10], [sflag:$0x5], $0x6C00, $0x38;
	[tilespmem:$0x1CFA0] =	vst v63  }
0x84: {  	_ =	swait.ge [sflag:s14], $0x6C00  }
0x85: {  	[sflag:s14] =	ssyncset.done $0x0  }
0x86: {  	[sflag:s14] =	ssyncadd.s32 $0xFFFF9400  }
0x87: {  	[tilespmem:s10], [sflag:$0x3] =	stream.linear.gather [hbm4b:s1+s3], $0x6C00, $0x38;
	[tilespmem:$0x1CFA0] =	vst v63  }
0x88: {  	_ =	swait.ge [sflag:s11], $0x6C00  }
0x89: {  	[sflag:s11] =	ssyncset.done $0x0  }
0x8a: {  	[sflag:s11] =	ssyncadd.s32 $0xFFFF9400  }
0x8b: {  	[hbm4b:s0+s3] =	stream.linear.scatter [tilespmem:s3], [sflag:$0x4], $0x6C00, $0x38;
	[tilespmem:$0x1CFA0] =	vst v63  }
0x8c: {  	_ =	swait.ge [sflag:s12], $0x6C00  }
0x8d: {  	[sflag:s12] =	ssyncset.done $0x0  }
0x8e: {  	[sflag:s12] =	ssyncadd.s32 $0xFFFF9400  }
0x8f: {  	[tilespmem:s3], [sflag:$0x2] =	stream.linear.gather [hbm4b:s4+s3], $0x6C00, $0x38;
	[tilespmem:$0x1CFA0] =	vst v63  }
0x90: {  	_ =	swait.ge [sflag:s13], $0x6C00  }
0x91: {  	[sflag:s13] =	ssyncset.done $0x0  }
0x92: {  	[sflag:s13] =	ssyncadd.s32 $0xFFFF9400  }
0x93: {  	[hbm4b:s2+s3] =	stream.linear.scatter [tilespmem:s10], [sflag:$0x5], $0x6C00, $0x38;
	[tilespmem:$0x1CFA0] =	vst v63  }
0x94: {  	_ =	swait.ge [sflag:s14], $0x6C00  }
0x95: {  	[sflag:s14] =	ssyncset.done $0x0  }
0x96: {  	[sflag:s14] =	ssyncadd.s32 $0xFFFF9400  }
0x97: {  	[tilespmem:s10], [sflag:$0x3] =	stream.linear.gather [hbm4b:s6+s3], $0x6C00, $0x38;
	[tilespmem:$0x1CFA0] =	vst v63  }
0x98: {  	_ =	swait.ge [sflag:s11], $0x6C00  }
0x99: {  	[sflag:s11] =	ssyncset.done $0x0  }
0x9a: {  	[sflag:s11] =	ssyncadd.s32 $0xFFFF9400  }
0x9b: {  	[hbm4b:s7+s3] =	stream.linear.scatter [tilespmem:s3], [sflag:$0x4], $0x6C00, $0x38;
	[tilespmem:$0x1CFA0] =	vst v63  }
0x9c: {  	_ =	swait.ge [sflag:s13], $0x6C00  }
0x9d: {  	[sflag:s13] =	ssyncset.done $0x0  }
0x9e: {  	[sflag:s13] =	ssyncadd.s32 $0xFFFF9400  }
0x9f: {  	[hbm4b:s8+s3] =	stream.linear.scatter [tilespmem:s10], [sflag:$0x5], $0x6C00, $0x38;
	[tilespmem:$0x1CFA0] =	vst v63  }
0xa0: {  	_ =	swait.ge [sflag:s12], $0x6C00  }
0xa1: {  	[sflag:s12] =	ssyncset.done $0x0  }
0xa2: {  	[sflag:s12] =	ssyncadd.s32 $0xFFFF9400  }
0xa3: {  	_ =	swait.ge [sflag:s14], $0x6C00  }
0xa4: {  	[sflag:s14] =	ssyncset.done $0x0  }
0xa5: {  	s26 =	simm.s32 $0xD800;
	s23 =	rddreg [dreg:$0x3];
	[sflag:s14] =	ssyncadd.s32 $0xFFFF9400  }
0xa6: {  	[tilespmem:s26], [sflag:$0x6] =	stream.linear.gather [hbm4b:s23+s3], $0x1000, $0x38;
	[tilespmem:$0x1CFA0] =	vst v63  }
0xa7: {  	_ =	swait.ge [sflag:s15], $0x1000  }
0xa8: {  	[sflag:s15] =	ssyncset.done $0x0  }
0xa9: {  	[sflag:s15] =	ssyncadd.s32 $0xFFFFF000  }
0xaa: {  	[tilespmem:$0xE800] =	vst v3  }
0xab: {  	[tilespmem:$0xE910] =	vst v4  }
0xac: {  	[tilespmem:$0xE810] =	vst v3  }
0xad: {  	[tilespmem:$0xE920] =	vst v4  }
0xae: {  	[tilespmem:$0xE820] =	vst v3  }
0xaf: {  	[tilespmem:$0xE930] =	vst v4  }
0xb0: {  	[tilespmem:$0xE830] =	vst v3  }
0xb1: {  	[tilespmem:$0xE940] =	vst v4  }
0xb2: {  	[tilespmem:$0xE840] =	vst v3  }
0xb3: {  	[tilespmem:$0xE950] =	vst v4  }
0xb4: {  	[tilespmem:$0xE850] =	vst v3  }
0xb5: {  	[tilespmem:$0xE960] =	vst v4  }
0xb6: {  	[tilespmem:$0xE860] =	vst v3  }
0xb7: {  	[tilespmem:$0xE970] =	vst v4  }
0xb8: {  	[tilespmem:$0xE870] =	vst v3  }
0xb9: {  	[tilespmem:$0xE980] =	vst v4  }
0xba: {  	[tilespmem:$0xE880] =	vst v3  }
0xbb: {  	[tilespmem:$0xE990] =	vst v4  }
0xbc: {  	[tilespmem:$0xE890] =	vst v3  }
0xbd: {  	[tilespmem:$0xE9A0] =	vst v4  }
0xbe: {  	[tilespmem:$0xE8A0] =	vst v3  }
0xbf: {  	[tilespmem:$0xE9B0] =	vst v4  }
0xc0: {  	[tilespmem:$0xE8B0] =	vst v3  }
0xc1: {  	[tilespmem:$0xE9C0] =	vst v4  }
0xc2: {  	[tilespmem:$0xE8C0] =	vst v3  }
0xc3: {  	[tilespmem:$0xE9D0] =	vst v4  }
0xc4: {  	[tilespmem:$0xE8D0] =	vst v3  }
0xc5: {  	[tilespmem:$0xE9E0] =	vst v4  }
0xc6: {  	[tilespmem:$0xE8E0] =	vst v3  }
0xc7: {  	[tilespmem:$0xE9F0] =	vst v4  }
0xc8: {  	[tilespmem:$0xE8F0] =	vst v3  }
0xc9: {  	[tilespmem:$0xEA00] =	vst v4  }
0xca: {  	[tilespmem:$0xE900] =	vst v3  }
0xcb: {  	[tilespmem:$0xEA10] =	vst v4  }
0xcc: {  	v6 =	vld [tilespmem:s26+$0x0];
	_ =	sdelay $0x4  }
0xcd: {  	vm0 =	vge.s32 v6, v0;
	vm1 =	vlt.s32 v6, v1  }
0xce: {  	vm0 =	vmand vm0, vm1  }
0xcf: {  	v7 =	vsel vm0, $0x1, v4  }
0xd0: {  	(xrf0) =	vadd.scan.msk.s32 $0xffff, v7;
	_ =	sdelay $0x2  }
0xd1: {  	v7 =	vmov s3  }
0xd2: {  	v7 =	vadd.s32 $0xFFFFFFFF, v7  }
0xd3: {  	v7 =	vbroadcast v7, $0x0  }
0xd4: {  	v8, _, _ =	vpop (xrf0)  }
0xd5: {  	v7 =	vadd.s32 v8, v7  }
0xd6: {  	v8 =	vxor.u32 $0x80000000, v8;
	vm15 =	vlt.s32 v7, $0x100  }
0xd7: {  	(xrf0) =	vmax.scan.msk.u32 $0xffff, v8;
	vm0 =	vmand vm0, vm15  }
0xd8: {  	v7 =	vsel vm0, v7, v5;
	_ =	sdelay $0x1  }
0xd9: {  	v6 =	vnsel vm0, $0x10000, v6;
	_ =	sdelay $0x2  }
0xda: {  	[tilespmem:v7+s16+$0x0] =	vst.idx.msk $0xffff, v6;
	v6, _, _ =	vpop (xrf0)  }
0xdb: {  	(v2sf) =	vpush v6, $0xF;
	_ =	sdelay $0x1  }
0xdc: {  	v8 =	vor.u32 s3, v2  }
0xdd: {  	v8 =	vnsel vm0, $0x0, v8  }
0xde: {  	s24 =	simm.s32 $0xD810;
	[tilespmem:v7+s17+$0x0] =	vst.idx.msk $0xffff, v8  }
0xdf: {  	s22 =	simm.s32 $0x10;
	s25 =	simm.s32 $0x20;
	s23 =	simm.s32 $0x0;
	v6 =	vld [tilespmem:s24+$0x0]  }
.LBB2_2:
0xe0: {  	p0 =	sne.s32 s25, $0xFF0;
	_ =	sdelay $0x3  }
0xe1: {  	vm0 =	vge.s32 v6, v0;
	vm1 =	vlt.s32 v6, v1  }
0xe2: {  	vm0 =	vmand vm0, vm1  }
0xe3: {  	v7 =	vsel vm0, $0x1, v4  }
0xe4: {  	(xrf0) =	vadd.scan.msk.s32 $0xffff, v7;
	_ =	sdelay $0x1  }
0xe5: {  	s26 =	spop (v2sf)  }
0xe6: {  	s23 =	sadd.s32 s26, s23  }
0xe7: {  	s23 =	sadd.s32 $0x80000000, s23  }
0xe8: {  	v7 =	vmov s23  }
0xe9: {  	v7 =	vadd.s32 $0xFFFFFFFF, v7;
	v8, _, _ =	vpop (xrf0)  }
0xea: {  	v7 =	vbroadcast v7, $0x0;
	v9 =	vxor.u32 $0x80000000, v8  }
0xeb: {  	(xrf0) =	vmax.scan.msk.u32 $0xffff, v9  }
0xec: {  	v7 =	vadd.s32 v8, v7  }
0xed: {  	vm1 =	vlt.s32 v7, $0x100  }
0xee: {  	v8 =	vor.u32 s22, v2;
	s22 =	smov.u32 s25;
	vm0 =	vmand vm0, vm1  }
0xef: {  	v7 =	vsel vm0, v7, v5;
	v6 =	vnsel vm0, $0x10000, v6;
	v8 =	vnsel vm0, $0x0, v8;
	_ =	sdelay $0x1  }
0xf0: {  	v9, _, _ =	vpop (xrf0)  }
0xf1: {  	(v2sf) =	vpush v9, $0xF  }
.Ltmp0:
0xf2: {  	(pc) =	sbr.rel @p0 .LBB2_2-.Ltmp0, $4  }
0xf3: {  	[tilespmem:v7+s16+$0x0] =	vst.idx.msk $0xffff, v6  }
0xf4: {  	[tilespmem:v7+s17+$0x0] =	vst.idx.msk $0xffff, v8  }
0xf5: {  	s24 =	sadd.s32 $0x10, s24  }
0xf6: {  	s25 =	sadd.s32 $0x10, s25;
	v6 =	vld [tilespmem:s24+$0x0]  }
0xf7: {  	_ =	sdelay $0x3  }
0xf8: {  	vm0 =	vge.s32 v6, v0;
	vm1 =	vlt.s32 v6, v1  }
0xf9: {  	vm0 =	vmand vm0, vm1  }
0xfa: {  	v7 =	vsel vm0, $0x1, v4  }
0xfb: {  	(xrf0) =	vadd.scan.msk.s32 $0xffff, v7;
	_ =	sdelay $0x5  }
0xfc: {  	v7, _, _ =	vpop (xrf0)  }
0xfd: {  	v8 =	vxor.u32 $0x80000000, v7  }
0xfe: {  	(xrf0) =	vmax.scan.msk.u32 $0xffff, v8;
	_ =	sdelay $0x3  }
0xff: {  	s24 =	spop (v2sf)  }
0x100: {  	s23 =	sadd.s32 s24, s23  }
0x101: {  	s23 =	sadd.s32 $0x80000000, s23;
	v8, _, _ =	vpop (xrf0)  }
0x102: {  	v62 =	vmov s23;
	(v2sf) =	vpush v8, $0xF  }
0x103: {  	v8 =	vadd.s32 $0xFFFFFFFF, v62  }
0x104: {  	v8 =	vbroadcast v8, $0x0;
	_ =	sdelay $0x1  }
0x105: {  	v7 =	vadd.s32 v7, v8  }
0x106: {  	vm15 =	vlt.s32 v7, $0x100  }
0x107: {  	vm0 =	vmand vm0, vm15  }
0x108: {  	v7 =	vsel vm0, v7, v5;
	_ =	sdelay $0x3  }
0x109: {  	v63 =	vor.u32 s22, v2;
	v6 =	vnsel vm0, $0x10000, v6  }
0x10a: {  	v8 =	vnsel vm0, $0x0, v63;
	[tilespmem:v7+s16+$0x0] =	vst.idx.msk $0xffff, v6  }
0x10b: {  	s22 =	rddreg [dreg:$0x1];
	[tilespmem:v7+s17+$0x0] =	vst.idx.msk $0xffff, v8  }
0x10c: {  	[tilespmem:s19], [sflag:$0x1] =	stream.indirect.gather [hbm4b:s22+s18], $0xD8, s17, s18, $0xb8;
	[tilespmem:$0x1CFA0] =	vst v63  }
0x10d: {  	s26 =	spop (v2sf)  }
0x10e: {  	s21 =	sadd.s32 $0x1, s21;
	_ =	swait.ge [sflag:s20], $0xE580  }
0x10f: {  	p0 =	sne.s32 s21, s9;
	[sflag:s20] =	ssyncset.done $0x0  }
.Ltmp1:
0x110: {  	[sflag:s20] =	ssyncadd.s32 $0xFFFF1A80;
	(pc) =	sbr.rel @p0 .LBB2_1-.Ltmp1, $4  }
0x111: {  	[hbm4b:s5+s18] =	stream.indirect.scatter [tilespmem:s19], [sflag:$0x1], $0xD8, s16, s18, $0xb8;
	[tilespmem:$0x1CFA0] =	vst v63  }
0x112: {  	_ =	swait.ge [sflag:s20], $0xE580  }
0x113: {  	[sflag:s20] =	ssyncset.done $0x0  }
0x114: {  	[sflag:s20] =	ssyncadd.s32 $0xFFFF1A80  }
0x115: {  	_ =	sfence.sel $0x180000  }
0x116: {  	[bflag:$0x0] =	sbarrier.arrive $0xFFFF  }
0x117: {  	_ =	strace $0x90000047  }
0x118: {  	s0 =	stileid.u32;
	[bflag:$0x2] =	sbarrier.arrive $0xFFFF  }
0x119: {  	p0 =	sne.s32 s0, $0x0;
	s0 =	rddreg [dreg:$0x2]  }
0x11a: {  	s0 =	sadd.s32 @!p0 $0x100000, s0  }
0x11b: {  	[sflag:s0] =	ssyncadd.tile.s32 @!p0 $0x1;
	_ =	shalt  }
.Lfunc_end2:
_tile_overlayer_lowered:
.L_overlay_start_2:
0x11c: {  	(tag) =	ssettag $0x2  }
0x11d: {  	s0 =	rddreg [dreg:$0x0];
	s2 =	stileid.u32  }
0x11e: {  	s1 =	rddreg [dreg:$0x1];
	p0 =	sne.s32 s2, $0x0  }
0x11f: {  	s3 =	rddreg [dreg:$0x2];
	[bflag:$0x3] =	sbarrier.arrive $0xFFFF;
	s2 =	simm.s32 @!p0 $0x1C06  }
0x120: {  	[timem:s3], [sflag:s2] =	dma.local @!p0 [hbm:s0], s1  }
0x121: {  	s0 =	simm.s32 @!p0 $0x6  }
0x122: {  	_ =	swait.ge @!p0 [sflag:s0], s1  }
0x123: {  	s1 =	ssub.s32 @!p0 $0x0, s1;
	[sflag:s0] =	ssyncset.done @!p0 $0x0  }
0x124: {  	[sflag:s0] =	ssyncadd.s32 @!p0 s1  }
0x125: {  	[bflag:$0x3] =	sbarrier.arrive $0xFFFF  }
0x126: {  	_ =	shalt  }

</sc_bundles>
